<compile_context>
chip_gen: v7x
topology: tpu7x:2x2x1
jax: 0.10.2.dev20260603
libtpu: 0.0.44.dev20260713+nightly
codegen_flags: <defaults>
</compile_context>

<pallas_src>
import jax
import jax.numpy as jnp
from jax import lax
from jax.experimental import pallas as pl
from jax.experimental.pallas import tpu as pltpu
from jax.experimental.pallas import tpu_sc as plsc

N = 50000
E = 800000
CELL_INV = 1.0 / 16.0
GRID_W = 8
NUM_GRIDS = 64
EPS = 1e-5

NPAD = 51200
RPT = NPAD // 16
EPAD = 802816
EBLK = 512
NBW = EPAD // 16 // EBLK
NQ = 7
NBQ = NBW // NQ
BA = 2048
NBLK = NPAD // BA
FH = 16


def _make_seg_sum():
    mesh = plsc.VectorSubcoreMesh(core_axis_name="c", subcore_axis_name="s",
                                  num_cores=1)

    def body(tab_hbm, src_hbm, dst_hbm, z_hbm, s_out,
             srcv, dstv, rowsu, semu, sems, acc):
        t = lax.axis_index("s")
        pltpu.sync_copy(z_hbm, acc.at[pl.ds(t * RPT, RPT)])
        plsc.subcore_barrier()

        def chunk(q, carry0):
            pltpu.sync_copy(src_hbm.at[t, pl.ds(q * NBQ, NBQ)], srcv)
            pltpu.sync_copy(dst_hbm.at[t, pl.ds(q * NBQ, NBQ)], dstv)
            for p in range(5):
                pltpu.async_copy(tab_hbm.at[srcv.at[p]], rowsu.at[p], semu)

            def step(j, carry):
                @pl.when(j >= 1)
                def _():
                    pltpu.make_async_copy(
                        rowsu.at[0], acc.at[dstv.at[0]], sems).wait()

                pltpu.make_async_copy(
                    tab_hbm.at[srcv.at[j]], rowsu.at[j % 6], semu).wait()

                pltpu.async_copy(rowsu.at[j % 6], acc.at[dstv.at[j]],
                                 sems, add=True)

                @pl.when(j + 5 < NBQ)
                def _():
                    pltpu.async_copy(
                        tab_hbm.at[srcv.at[j + 5]], rowsu.at[(j + 5) % 6],
                        semu)

                return carry

            lax.fori_loop(0, NBQ, step, 0)
            pltpu.make_async_copy(rowsu.at[0], acc.at[dstv.at[0]],
                                  sems).wait()
            return carry0

        lax.fori_loop(0, NQ, chunk, 0)
        plsc.subcore_barrier()
        pltpu.sync_copy(acc.at[pl.ds(t * RPT, RPT)],
                        s_out.at[pl.ds(t * RPT, RPT)])

    return pl.kernel(
        body,
        out_type=(jax.ShapeDtypeStruct((NPAD, FH), jnp.float32),),
        scratch_types=[
            pltpu.VMEM((NBQ, EBLK), jnp.int32),
            pltpu.VMEM((NBQ, EBLK), jnp.int32),
            pltpu.VMEM((6, EBLK, FH), jnp.float32),
            pltpu.SemaphoreType.DMA,
            pltpu.SemaphoreType.DMA,
            pltpu.VMEM_SHARED((NPAD, FH), jnp.float32),
        ],
        mesh=mesh,
        compiler_params=pltpu.CompilerParams(use_tc_tiling_on_sc=False))


def _prep_body(x_ref, pos_ref, w1_ref, w2p_ref, b1_ref, b2_ref,
               u1_ref, wn1_ref, wn2_ref, cell_ref):
    xv = x_ref[...]
    pv = pos_ref[...]
    w1 = w1_ref[...]
    w2p = w2p_ref[...]
    px = pv[:, 0:1]
    py = pv[:, 1:2]
    p1 = px * w1[1:2, :] + py * w1[2:3, :]
    u1_ref[...] = xv * w1[0:1, :] + p1
    wn1_ref[...] = b1_ref[...] - p1
    wn2_ref[...] = b2_ref[...] - (px * w2p[0:1, :] + py * w2p[1:2, :])
    ix = jnp.clip(jnp.floor(px * CELL_INV), 0, GRID_W - 1).astype(jnp.int32)
    iy = jnp.clip(jnp.floor(py * CELL_INV), 0, GRID_W - 1).astype(jnp.int32)
    cell_ref[...] = iy * GRID_W + ix


def _mid_body(s_ref, deg_ref, wn1_ref, wn2_ref, w2h_ref, b2_ref,
              rm1_ref, rv1_ref, g1_ref, be1_ref, t2a_ref, t2b_ref):
    s = s_ref[...] + deg_ref[...] * wn1_ref[...]
    scale = g1_ref[...] * lax.rsqrt(rv1_ref[...] + EPS)
    h1 = jnp.maximum((s - rm1_ref[...]) * scale + be1_ref[...], 0.0)
    u2 = jnp.dot(h1, w2h_ref[...],
                 preferred_element_type=jnp.float32) + (b2_ref[...]
                                                        - wn2_ref[...])
    t2a_ref[...] = u2[:, :16]
    t2b_ref[...] = u2[:, 16:]


def _final_body(sa_ref, sb_ref, deg_ref, wn2_ref, cell_ref,
                rm2_ref, rv2_ref, g2_ref, be2_ref, outt_ref):
    pid = pl.program_id(0)
    agg = (jnp.concatenate([sa_ref[...], sb_ref[...]], axis=1)
           + deg_ref[...][:, 0:1] * wn2_ref[...])
    scale = g2_ref[...] * lax.rsqrt(rv2_ref[...] + EPS)
    h2 = jnp.maximum((agg - rm2_ref[...]) * scale + be2_ref[...], 0.0)

    rows = pid * BA + lax.broadcasted_iota(jnp.int32, (BA, 1), 0)
    valid = rows < N
    cids = lax.broadcasted_iota(jnp.int32, (1, NUM_GRIDS), 1)
    m = ((cell_ref[...] == cids) & valid).astype(jnp.float32)

    blockmax = jnp.stack(
        [jnp.max(m * h2[:, f:f + 1], axis=0) for f in range(32)], axis=0)

    @pl.when(pid == 0)
    def _():
        outt_ref[...] = blockmax

    @pl.when(pid > 0)
    def _():
        outt_ref[...] = jnp.maximum(outt_ref[...], blockmax)


def _row_spec(w):
    return pl.BlockSpec((BA, w), lambda i: (i, 0))


def _full_spec(shape):
    return pl.BlockSpec(shape, lambda i: tuple(0 for _ in shape))


def kernel(x, pos, edge_index, W1, b1, rm1, rv1, g1, beta1,
           W2, b2, rm2, rv2, g2, beta2):
    f32 = jnp.float32
    xpad = jnp.pad(x, ((0, NPAD - N), (0, 0)))
    pospad = jnp.pad(pos, ((0, NPAD - N), (0, 0)))
    srcg = jnp.concatenate(
        [edge_index[0], jnp.zeros((EPAD - E,), jnp.int32)]
    ).reshape(16, NBW, EBLK)
    dsts = jnp.concatenate(
        [edge_index[1], jnp.full((EPAD - E,), NPAD - 1, jnp.int32)]
    ).reshape(16, NBW, EBLK)
    z16 = jnp.zeros((RPT, FH), f32)
    onetab = jnp.ones((NPAD, FH), f32)

    seg = _make_seg_sum()
    (deg,) = seg(onetab, srcg, dsts, z16)

    u1, wn1, wn2, cell = pl.pallas_call(
        _prep_body,
        grid=(NBLK,),
        in_specs=[_row_spec(1), _row_spec(2), _full_spec((3, 16)),
                  _full_spec((2, 32)), _full_spec((1, 16)),
                  _full_spec((1, 32))],
        out_specs=[_row_spec(16), _row_spec(16), _row_spec(32), _row_spec(1)],
        out_shape=[jax.ShapeDtypeStruct((NPAD, 16), f32),
                   jax.ShapeDtypeStruct((NPAD, 16), f32),
                   jax.ShapeDtypeStruct((NPAD, 32), f32),
                   jax.ShapeDtypeStruct((NPAD, 1), jnp.int32)],
    )(xpad, pospad, W1, W2[16:18], b1.reshape(1, 16), b2.reshape(1, 32))

    (s1,) = seg(u1, srcg, dsts, z16)

    t2a, t2b = pl.pallas_call(
        _mid_body,
        grid=(NBLK,),
        in_specs=[_row_spec(16), _row_spec(16), _row_spec(16), _row_spec(32),
                  _full_spec((16, 32)), _full_spec((1, 32))]
                 + [_full_spec((1, 16))] * 4,
        out_specs=[_row_spec(16), _row_spec(16)],
        out_shape=[jax.ShapeDtypeStruct((NPAD, 16), f32),
                   jax.ShapeDtypeStruct((NPAD, 16), f32)],
    )(s1, deg, wn1, wn2, W2[:16], b2.reshape(1, 32),
      rm1.reshape(1, 16), rv1.reshape(1, 16),
      g1.reshape(1, 16), beta1.reshape(1, 16))

    (s2a,) = seg(t2a, srcg, dsts, z16)
    (s2b,) = seg(t2b, srcg, dsts, z16)

    outt = pl.pallas_call(
        _final_body,
        grid=(NBLK,),
        in_specs=[_row_spec(16), _row_spec(16), _row_spec(16), _row_spec(32),
                  _row_spec(1)] + [_full_spec((1, 32))] * 4,
        out_specs=_full_spec((32, NUM_GRIDS)),
        out_shape=jax.ShapeDtypeStruct((32, NUM_GRIDS), f32),
    )(s2a, s2b, deg, wn2, cell,
      rm2.reshape(1, 32), rv2.reshape(1, 32),
      g2.reshape(1, 32), beta2.reshape(1, 32))

    return outt.T

# --- scband reference (transcript-rebuilt; emitter-appended) ---
"""Pipeline reference for scband-test-62964220559567 (READ-ONLY COPY).

The authoritative reference and input builder live on the scoring server;
editing this copy changes nothing except your own understanding.
"""

import jax, jax.numpy as jnp
import numpy as np

N = 50000
E = 800000
INPUT_LEN = 120.0
CELL = 16.0
GRID_W = 8
NUM_GRIDS = 64
EPS = 1e-5


def setup_inputs(seed: int = 0) -> dict:
    key = jax.random.key(seed)
    ks = jax.random.split(key, 16)
    x = jax.random.normal(ks[0], (N, 1), dtype=jnp.float32)
    pos = jax.random.uniform(ks[1], (N, 2), dtype=jnp.float32) * INPUT_LEN
    edge_index = jax.random.randint(ks[2], (2, E), 0, N, dtype=jnp.int32)
    # net1: conv maps concat([x_j, pos_j - pos_i]) (1+2=3 dims) -> 16, then BN(eval)+ReLU
    W1 = jax.random.normal(ks[3], (3, 16), dtype=jnp.float32) * 0.1
    b1 = jnp.zeros((16,), dtype=jnp.float32)
    rm1 = jax.random.uniform(ks[4], (16,), dtype=jnp.float32)
    rv1 = jax.random.uniform(ks[5], (16,), dtype=jnp.float32)
    g1 = jax.random.uniform(ks[6], (16,), dtype=jnp.float32)
    beta1 = jax.random.uniform(ks[7], (16,), dtype=jnp.float32)
    # net2: concat([h_j, pos_j - pos_i]) (16+2=18) -> 32
    W2 = jax.random.normal(ks[8], (18, 32), dtype=jnp.float32) * 0.1
    b2 = jnp.zeros((32,), dtype=jnp.float32)
    rm2 = jax.random.uniform(ks[9], (32,), dtype=jnp.float32)
    rv2 = jax.random.uniform(ks[10], (32,), dtype=jnp.float32)
    g2 = jax.random.uniform(ks[11], (32,), dtype=jnp.float32)
    beta2 = jax.random.uniform(ks[12], (32,), dtype=jnp.float32)
    return {"x": x, "pos": pos, "edge_index": edge_index,
            "W1": W1, "b1": b1, "rm1": rm1, "rv1": rv1, "g1": g1, "beta1": beta1,
            "W2": W2, "b2": b2, "rm2": rm2, "rv2": rv2, "g2": g2, "beta2": beta2}


def _conv_bn_relu(x, pos, edge_index, W, b, rm, rv, g, beta):
    src = edge_index[0]
    dst = edge_index[1]
    rel = pos[src] - pos[dst]
    msg = jnp.concatenate([x[src], rel], axis=1) @ W + b
    agg = jax.ops.segment_sum(msg, dst, num_segments=N)
    h = (agg - rm) / jnp.sqrt(rv + EPS) * g + beta
    return jax.nn.relu(h)


def _max_pool_x(h, pos2):
    ix = jnp.clip(jnp.floor(pos2[:, 0] / CELL), 0, GRID_W - 1).astype(jnp.int32)
    iy = jnp.clip(jnp.floor(pos2[:, 1] / CELL), 0, GRID_W - 1).astype(jnp.int32)
    cell = iy * GRID_W + ix
    pooled = jax.ops.segment_max(h, cell, num_segments=NUM_GRIDS)
    pooled = jnp.where(jnp.isfinite(pooled), pooled, 0.0)
    return pooled


def reference(x, pos, edge_index, W1, b1, rm1, rv1, g1, beta1, W2, b2, rm2, rv2, g2, beta2):
    h1 = _conv_bn_relu(x, pos, edge_index, W1, b1, rm1, rv1, g1, beta1)
    h2 = _conv_bn_relu(h1, pos, edge_index, W2, b2, rm2, rv2, g2, beta2)
    out = _max_pool_x(h2, pos[:, :2])
    return out

if __name__ == "__main__":
    import jax
    _d = setup_inputs()
    print(jax.jit(kernel)(*tuple(_d.values())))

</pallas_src>

<mosaic_0001>
#map = affine_map<(d0, d1) -> (0, 0)>
#map1 = affine_map<(d0, d1) -> (0, 0, 0)>
module attributes {stable_mosaic.version = 14 : i64} {
  func.func @body(%arg0: i32, %arg1: i32, %arg2: memref<51200x16xf32, #tpu.memory_space<hbm>>, %arg3: memref<16x98x512xi32, #tpu.memory_space<hbm>>, %arg4: memref<16x98x512xi32, #tpu.memory_space<hbm>>, %arg5: memref<3200x16xf32, #tpu.memory_space<hbm>>, %arg6: memref<51200x16xf32, #tpu.memory_space<hbm>>, %arg7: memref<14x512xi32, #tpu.memory_space<vmem>>, %arg8: memref<14x512xi32, #tpu.memory_space<vmem>>, %arg9: memref<6x512x16xf32, #tpu.memory_space<vmem>>, %arg10: memref<!tpu.dma_semaphore, #tpu.memory_space<semaphore_mem>>, %arg11: memref<!tpu.dma_semaphore, #tpu.memory_space<semaphore_mem>>, %arg12: memref<51200x16xf32, #tpu.memory_space<vmem_shared>>) attributes {dimension_semantics = [#tpu.dimension_semantics<core_parallel>, #tpu.dimension_semantics<subcore_parallel>], iteration_bounds = array<i64: 1, 16>, scalar_prefetch = 0 : i64, scratch_operands = 6 : i64, tpu.core_type = #tpu.core_type<sc_vector_subcore>, window_params = [{transform_indices = #map}, {transform_indices = #map1}, {transform_indices = #map1}, {transform_indices = #map}, {transform_indices = #map}]} {
    %mul3A = arith.constant 3200 : i32
    %mul3A_0 = arith.muli %arg1, %mul3A : i32
    "tpu.region"() ({
      %run_scoped3A = tpu.sem_alloc : memref<!tpu.dma_semaphore, #tpu.memory_space<semaphore_mem>>
      %dma_start3A = arith.constant 0 : i32
      %dma_start3A_11 = tpu.memref_slice %arg12[%mul3A_0, %dma_start3A] : memref<51200x16xf32, #tpu.memory_space<vmem_shared>> -> memref<3200x16xf32, #tpu.memory_space<vmem_shared>>
      tpu.enqueue_dma source(%arg5 : memref<3200x16xf32, #tpu.memory_space<hbm>>) target(%dma_start3A_11 : memref<3200x16xf32, #tpu.memory_space<vmem_shared>>) target_semaphore(%run_scoped3A : memref<!tpu.dma_semaphore, #tpu.memory_space<semaphore_mem>>)
      %dma_wait3A = arith.constant 0 : i32
      %dma_wait3A_12 = tpu.memref_slice %arg12[%mul3A_0, %dma_wait3A] : memref<51200x16xf32, #tpu.memory_space<vmem_shared>> -> memref<3200x16xf32, #tpu.memory_space<vmem_shared>>
      tpu.wait_dma2 semaphore(%run_scoped3A : memref<!tpu.dma_semaphore, #tpu.memory_space<semaphore_mem>>) src(%arg5 : memref<3200x16xf32, #tpu.memory_space<hbm>>) dst(%dma_wait3A_12 : memref<3200x16xf32, #tpu.memory_space<vmem_shared>>)
      tpu.yield
    }) : () -> ()
    %barrier3A = arith.constant 0 : index
    tpu.barrier barrier_id(%barrier3A)
    %scan3A = arith.constant 0 : i32
    %scan3A_1 = arith.constant 0 : i32
    %scan3A_2 = arith.constant 7 : i32
    %scan3A_3 = arith.addi %scan3A_1, %scan3A_2 : i32
    %scan3A_4 = arith.constant 1 : i32
    scf.for %scan3A_11 = %scan3A_1 to %scan3A_3 step %scan3A_4  : i32 {
      %mul3A_12 = arith.constant 14 : i32
      %mul3A_13 = arith.muli %scan3A_11, %mul3A_12 : i32
      "tpu.region"() ({
        %run_scoped3A = tpu.sem_alloc : memref<!tpu.dma_semaphore, #tpu.memory_space<semaphore_mem>>
        %dma_start3A_92 = arith.constant 0 : i32
        %dma_start3A_93 = tpu.memref_slice %arg3[%arg1, %mul3A_13, %dma_start3A_92] : memref<16x98x512xi32, #tpu.memory_space<hbm>> -> memref<1x14x512xi32, #tpu.memory_space<hbm>>
        %dma_start3A_94 = tpu.memref_squeeze %dma_start3A_93 : memref<1x14x512xi32, #tpu.memory_space<hbm>> -> memref<14x512xi32, #tpu.memory_space<hbm>>
        %dma_start3A_95 = arith.constant 0 : i32
        %dma_start3A_96 = tpu.memref_slice %arg3[%arg1, %mul3A_13, %dma_start3A_95] : memref<16x98x512xi32, #tpu.memory_space<hbm>> -> memref<1x14x512xi32, #tpu.memory_space<hbm>>
        %dma_start3A_97 = tpu.memref_squeeze %dma_start3A_96 : memref<1x14x512xi32, #tpu.memory_space<hbm>> -> memref<14x512xi32, #tpu.memory_space<hbm>>
        tpu.enqueue_dma source(%dma_start3A_97 : memref<14x512xi32, #tpu.memory_space<hbm>>) target(%arg7 : memref<14x512xi32, #tpu.memory_space<vmem>>) target_semaphore(%run_scoped3A : memref<!tpu.dma_semaphore, #tpu.memory_space<semaphore_mem>>)
        %dma_wait3A_98 = arith.constant 0 : i32
        %dma_wait3A_99 = tpu.memref_slice %arg3[%arg1, %mul3A_13, %dma_wait3A_98] : memref<16x98x512xi32, #tpu.memory_space<hbm>> -> memref<1x14x512xi32, #tpu.memory_space<hbm>>
        %dma_wait3A_100 = tpu.memref_squeeze %dma_wait3A_99 : memref<1x14x512xi32, #tpu.memory_space<hbm>> -> memref<14x512xi32, #tpu.memory_space<hbm>>
        %dma_wait3A_101 = arith.constant 0 : i32
        %dma_wait3A_102 = tpu.memref_slice %arg3[%arg1, %mul3A_13, %dma_wait3A_101] : memref<16x98x512xi32, #tpu.memory_space<hbm>> -> memref<1x14x512xi32, #tpu.memory_space<hbm>>
        %dma_wait3A_103 = tpu.memref_squeeze %dma_wait3A_102 : memref<1x14x512xi32, #tpu.memory_space<hbm>> -> memref<14x512xi32, #tpu.memory_space<hbm>>
        tpu.wait_dma2 semaphore(%run_scoped3A : memref<!tpu.dma_semaphore, #tpu.memory_space<semaphore_mem>>) src(%dma_wait3A_103 : memref<14x512xi32, #tpu.memory_space<hbm>>) dst(%arg7 : memref<14x512xi32, #tpu.memory_space<vmem>>)
        tpu.yield
      }) : () -> ()
      %mul3A_14 = arith.constant 14 : i32
      %mul3A_15 = arith.muli %scan3A_11, %mul3A_14 : i32
      "tpu.region"() ({
        %run_scoped3A = tpu.sem_alloc : memref<!tpu.dma_semaphore, #tpu.memory_space<semaphore_mem>>
        %dma_start3A_92 = arith.constant 0 : i32
        %dma_start3A_93 = tpu.memref_slice %arg4[%arg1, %mul3A_15, %dma_start3A_92] : memref<16x98x512xi32, #tpu.memory_space<hbm>> -> memref<1x14x512xi32, #tpu.memory_space<hbm>>
        %dma_start3A_94 = tpu.memref_squeeze %dma_start3A_93 : memref<1x14x512xi32, #tpu.memory_space<hbm>> -> memref<14x512xi32, #tpu.memory_space<hbm>>
        %dma_start3A_95 = arith.constant 0 : i32
        %dma_start3A_96 = tpu.memref_slice %arg4[%arg1, %mul3A_15, %dma_start3A_95] : memref<16x98x512xi32, #tpu.memory_space<hbm>> -> memref<1x14x512xi32, #tpu.memory_space<hbm>>
        %dma_start3A_97 = tpu.memref_squeeze %dma_start3A_96 : memref<1x14x512xi32, #tpu.memory_space<hbm>> -> memref<14x512xi32, #tpu.memory_space<hbm>>
        tpu.enqueue_dma source(%dma_start3A_97 : memref<14x512xi32, #tpu.memory_space<hbm>>) target(%arg8 : memref<14x512xi32, #tpu.memory_space<vmem>>) target_semaphore(%run_scoped3A : memref<!tpu.dma_semaphore, #tpu.memory_space<semaphore_mem>>)
        %dma_wait3A_98 = arith.constant 0 : i32
        %dma_wait3A_99 = tpu.memref_slice %arg4[%arg1, %mul3A_15, %dma_wait3A_98] : memref<16x98x512xi32, #tpu.memory_space<hbm>> -> memref<1x14x512xi32, #tpu.memory_space<hbm>>
        %dma_wait3A_100 = tpu.memref_squeeze %dma_wait3A_99 : memref<1x14x512xi32, #tpu.memory_space<hbm>> -> memref<14x512xi32, #tpu.memory_space<hbm>>
        %dma_wait3A_101 = arith.constant 0 : i32
        %dma_wait3A_102 = tpu.memref_slice %arg4[%arg1, %mul3A_15, %dma_wait3A_101] : memref<16x98x512xi32, #tpu.memory_space<hbm>> -> memref<1x14x512xi32, #tpu.memory_space<hbm>>
        %dma_wait3A_103 = tpu.memref_squeeze %dma_wait3A_102 : memref<1x14x512xi32, #tpu.memory_space<hbm>> -> memref<14x512xi32, #tpu.memory_space<hbm>>
        tpu.wait_dma2 semaphore(%run_scoped3A : memref<!tpu.dma_semaphore, #tpu.memory_space<semaphore_mem>>) src(%dma_wait3A_103 : memref<14x512xi32, #tpu.memory_space<hbm>>) dst(%arg8 : memref<14x512xi32, #tpu.memory_space<vmem>>)
        tpu.yield
      }) : () -> ()
      %dma_start3A = arith.constant 0 : i32
      %dma_start3A_16 = arith.constant 0 : i32
      %dma_start3A_17 = arith.constant 0 : i32
      %dma_start3A_18 = arith.constant 0 : i32
      %dma_start3A_19 = tpu.memref_slice %arg9[%dma_start3A_16, %dma_start3A_17, %dma_start3A_18] : memref<6x512x16xf32, #tpu.memory_space<vmem>> -> memref<1x512x16xf32, #tpu.memory_space<vmem>>
      %dma_start3A_20 = tpu.memref_squeeze %dma_start3A_19 : memref<1x512x16xf32, #tpu.memory_space<vmem>> -> memref<512x16xf32, #tpu.memory_space<vmem>>
      %dma_start3A_21 = arith.constant 0 : i32
      %dma_start3A_22 = tpu.memref_slice %arg7[%dma_start3A, %dma_start3A_21] : memref<14x512xi32, #tpu.memory_space<vmem>> -> memref<1x512xi32, #tpu.memory_space<vmem>>
      %dma_start3A_23 = tpu.memref_squeeze %dma_start3A_22 : memref<1x512xi32, #tpu.memory_space<vmem>> -> memref<512xi32, #tpu.memory_space<vmem>>
      %dma_start3A_24 = arith.constant 0 : i32
      %dma_start3A_25 = arith.constant 0 : i32
      %dma_start3A_26 = tpu.memref_slice %arg2[%dma_start3A_24, %dma_start3A_25] : memref<51200x16xf32, #tpu.memory_space<hbm>> -> memref<51200x16xf32, #tpu.memory_space<hbm>>
      tpu.enqueue_indirect_dma source(%dma_start3A_26 : memref<51200x16xf32, #tpu.memory_space<hbm>>) target(%dma_start3A_20 : memref<512x16xf32, #tpu.memory_space<vmem>>) offsets(%dma_start3A_23 : memref<512xi32, #tpu.memory_space<vmem>>) semaphore(%arg10 : memref<!tpu.dma_semaphore, #tpu.memory_space<semaphore_mem>>)
      %dma_start3A_27 = arith.constant 1 : i32
      %dma_start3A_28 = arith.constant 1 : i32
      %dma_start3A_29 = arith.constant 0 : i32
      %dma_start3A_30 = arith.constant 0 : i32
      %dma_start3A_31 = tpu.memref_slice %arg9[%dma_start3A_28, %dma_start3A_29, %dma_start3A_30] : memref<6x512x16xf32, #tpu.memory_space<vmem>> -> memref<1x512x16xf32, #tpu.memory_space<vmem>>
      %dma_start3A_32 = tpu.memref_squeeze %dma_start3A_31 : memref<1x512x16xf32, #tpu.memory_space<vmem>> -> memref<512x16xf32, #tpu.memory_space<vmem>>
      %dma_start3A_33 = arith.constant 0 : i32
      %dma_start3A_34 = tpu.memref_slice %arg7[%dma_start3A_27, %dma_start3A_33] : memref<14x512xi32, #tpu.memory_space<vmem>> -> memref<1x512xi32, #tpu.memory_space<vmem>>
      %dma_start3A_35 = tpu.memref_squeeze %dma_start3A_34 : memref<1x512xi32, #tpu.memory_space<vmem>> -> memref<512xi32, #tpu.memory_space<vmem>>
      %dma_start3A_36 = arith.constant 0 : i32
      %dma_start3A_37 = arith.constant 0 : i32
      %dma_start3A_38 = tpu.memref_slice %arg2[%dma_start3A_36, %dma_start3A_37] : memref<51200x16xf32, #tpu.memory_space<hbm>> -> memref<51200x16xf32, #tpu.memory_space<hbm>>
      tpu.enqueue_indirect_dma source(%dma_start3A_38 : memref<51200x16xf32, #tpu.memory_space<hbm>>) target(%dma_start3A_32 : memref<512x16xf32, #tpu.memory_space<vmem>>) offsets(%dma_start3A_35 : memref<512xi32, #tpu.memory_space<vmem>>) semaphore(%arg10 : memref<!tpu.dma_semaphore, #tpu.memory_space<semaphore_mem>>)
      %dma_start3A_39 = arith.constant 2 : i32
      %dma_start3A_40 = arith.constant 2 : i32
      %dma_start3A_41 = arith.constant 0 : i32
      %dma_start3A_42 = arith.constant 0 : i32
      %dma_start3A_43 = tpu.memref_slice %arg9[%dma_start3A_40, %dma_start3A_41, %dma_start3A_42] : memref<6x512x16xf32, #tpu.memory_space<vmem>> -> memref<1x512x16xf32, #tpu.memory_space<vmem>>
      %dma_start3A_44 = tpu.memref_squeeze %dma_start3A_43 : memref<1x512x16xf32, #tpu.memory_space<vmem>> -> memref<512x16xf32, #tpu.memory_space<vmem>>
      %dma_start3A_45 = arith.constant 0 : i32
      %dma_start3A_46 = tpu.memref_slice %arg7[%dma_start3A_39, %dma_start3A_45] : memref<14x512xi32, #tpu.memory_space<vmem>> -> memref<1x512xi32, #tpu.memory_space<vmem>>
      %dma_start3A_47 = tpu.memref_squeeze %dma_start3A_46 : memref<1x512xi32, #tpu.memory_space<vmem>> -> memref<512xi32, #tpu.memory_space<vmem>>
      %dma_start3A_48 = arith.constant 0 : i32
      %dma_start3A_49 = arith.constant 0 : i32
      %dma_start3A_50 = tpu.memref_slice %arg2[%dma_start3A_48, %dma_start3A_49] : memref<51200x16xf32, #tpu.memory_space<hbm>> -> memref<51200x16xf32, #tpu.memory_space<hbm>>
      tpu.enqueue_indirect_dma source(%dma_start3A_50 : memref<51200x16xf32, #tpu.memory_space<hbm>>) target(%dma_start3A_44 : memref<512x16xf32, #tpu.memory_space<vmem>>) offsets(%dma_start3A_47 : memref<512xi32, #tpu.memory_space<vmem>>) semaphore(%arg10 : memref<!tpu.dma_semaphore, #tpu.memory_space<semaphore_mem>>)
      %dma_start3A_51 = arith.constant 3 : i32
      %dma_start3A_52 = arith.constant 3 : i32
      %dma_start3A_53 = arith.constant 0 : i32
      %dma_start3A_54 = arith.constant 0 : i32
      %dma_start3A_55 = tpu.memref_slice %arg9[%dma_start3A_52, %dma_start3A_53, %dma_start3A_54] : memref<6x512x16xf32, #tpu.memory_space<vmem>> -> memref<1x512x16xf32, #tpu.memory_space<vmem>>
      %dma_start3A_56 = tpu.memref_squeeze %dma_start3A_55 : memref<1x512x16xf32, #tpu.memory_space<vmem>> -> memref<512x16xf32, #tpu.memory_space<vmem>>
      %dma_start3A_57 = arith.constant 0 : i32
      %dma_start3A_58 = tpu.memref_slice %arg7[%dma_start3A_51, %dma_start3A_57] : memref<14x512xi32, #tpu.memory_space<vmem>> -> memref<1x512xi32, #tpu.memory_space<vmem>>
      %dma_start3A_59 = tpu.memref_squeeze %dma_start3A_58 : memref<1x512xi32, #tpu.memory_space<vmem>> -> memref<512xi32, #tpu.memory_space<vmem>>
      %dma_start3A_60 = arith.constant 0 : i32
      %dma_start3A_61 = arith.constant 0 : i32
      %dma_start3A_62 = tpu.memref_slice %arg2[%dma_start3A_60, %dma_start3A_61] : memref<51200x16xf32, #tpu.memory_space<hbm>> -> memref<51200x16xf32, #tpu.memory_space<hbm>>
      tpu.enqueue_indirect_dma source(%dma_start3A_62 : memref<51200x16xf32, #tpu.memory_space<hbm>>) target(%dma_start3A_56 : memref<512x16xf32, #tpu.memory_space<vmem>>) offsets(%dma_start3A_59 : memref<512xi32, #tpu.memory_space<vmem>>) semaphore(%arg10 : memref<!tpu.dma_semaphore, #tpu.memory_space<semaphore_mem>>)
      %dma_start3A_63 = arith.constant 4 : i32
      %dma_start3A_64 = arith.constant 4 : i32
      %dma_start3A_65 = arith.constant 0 : i32
      %dma_start3A_66 = arith.constant 0 : i32
      %dma_start3A_67 = tpu.memref_slice %arg9[%dma_start3A_64, %dma_start3A_65, %dma_start3A_66] : memref<6x512x16xf32, #tpu.memory_space<vmem>> -> memref<1x512x16xf32, #tpu.memory_space<vmem>>
      %dma_start3A_68 = tpu.memref_squeeze %dma_start3A_67 : memref<1x512x16xf32, #tpu.memory_space<vmem>> -> memref<512x16xf32, #tpu.memory_space<vmem>>
      %dma_start3A_69 = arith.constant 0 : i32
      %dma_start3A_70 = tpu.memref_slice %arg7[%dma_start3A_63, %dma_start3A_69] : memref<14x512xi32, #tpu.memory_space<vmem>> -> memref<1x512xi32, #tpu.memory_space<vmem>>
      %dma_start3A_71 = tpu.memref_squeeze %dma_start3A_70 : memref<1x512xi32, #tpu.memory_space<vmem>> -> memref<512xi32, #tpu.memory_space<vmem>>
      %dma_start3A_72 = arith.constant 0 : i32
      %dma_start3A_73 = arith.constant 0 : i32
      %dma_start3A_74 = tpu.memref_slice %arg2[%dma_start3A_72, %dma_start3A_73] : memref<51200x16xf32, #tpu.memory_space<hbm>> -> memref<51200x16xf32, #tpu.memory_space<hbm>>
      tpu.enqueue_indirect_dma source(%dma_start3A_74 : memref<51200x16xf32, #tpu.memory_space<hbm>>) target(%dma_start3A_68 : memref<512x16xf32, #tpu.memory_space<vmem>>) offsets(%dma_start3A_71 : memref<512xi32, #tpu.memory_space<vmem>>) semaphore(%arg10 : memref<!tpu.dma_semaphore, #tpu.memory_space<semaphore_mem>>)
      %scan3A_75 = arith.constant 0 : i32
      %scan3A_76 = arith.constant 0 : i32
      %scan3A_77 = arith.constant 14 : i32
      %scan3A_78 = arith.addi %scan3A_76, %scan3A_77 : i32
      %scan3A_79 = arith.constant 1 : i32
      scf.for %scan3A_92 = %scan3A_76 to %scan3A_78 step %scan3A_79  : i32 {
        %ge3A = arith.constant 1 : i32
        %ge3A_93 = arith.cmpi sge, %scan3A_92, %ge3A : i32
        %convert_element_type3A = arith.extui %ge3A_93 : i1 to i32
        %cond3A = arith.constant 0 : i32
        %cond3A_94 = arith.cmpi ne, %convert_element_type3A, %cond3A : i32
        scf.if %cond3A_94 {
          %dma_wait3A_146 = arith.constant 0 : i32
          %dma_wait3A_147 = arith.constant 0 : i32
          %dma_wait3A_148 = arith.constant 0 : i32
          %dma_wait3A_149 = arith.constant 0 : i32
          %dma_wait3A_150 = tpu.memref_slice %arg9[%dma_wait3A_146, %dma_wait3A_148, %dma_wait3A_149] : memref<6x512x16xf32, #tpu.memory_space<vmem>> -> memref<1x512x16xf32, #tpu.memory_space<vmem>>
          %dma_wait3A_151 = tpu.memref_squeeze %dma_wait3A_150 : memref<1x512x16xf32, #tpu.memory_space<vmem>> -> memref<512x16xf32, #tpu.memory_space<vmem>>
          %dma_wait3A_152 = arith.constant 0 : i32
          %dma_wait3A_153 = tpu.memref_slice %arg8[%dma_wait3A_147, %dma_wait3A_152] : memref<14x512xi32, #tpu.memory_space<vmem>> -> memref<1x512xi32, #tpu.memory_space<vmem>>
          %dma_wait3A_154 = tpu.memref_squeeze %dma_wait3A_153 : memref<1x512xi32, #tpu.memory_space<vmem>> -> memref<512xi32, #tpu.memory_space<vmem>>
          %dma_wait3A_155 = arith.constant 0 : i32
          %dma_wait3A_156 = arith.constant 0 : i32
          %dma_wait3A_157 = tpu.memref_slice %arg12[%dma_wait3A_155, %dma_wait3A_156] : memref<51200x16xf32, #tpu.memory_space<vmem_shared>> -> memref<51200x16xf32, #tpu.memory_space<vmem_shared>>
          tpu.wait_indirect_dma semaphore(%arg11 : memref<!tpu.dma_semaphore, #tpu.memory_space<semaphore_mem>>) src(%dma_wait3A_151 : memref<512x16xf32, #tpu.memory_space<vmem>>) dst(%dma_wait3A_157 : memref<51200x16xf32, #tpu.memory_space<vmem_shared>>)
        } else {
        }
        %jit3A = arith.constant 6 : i32
        %eq3A = arith.constant 0 : i32
        %eq3A_95 = arith.cmpi eq, %jit3A, %eq3A : i32
        %jit3A_96 = arith.constant 1 : i32
        %select_n3A = arith.select %eq3A_95, %jit3A_96, %jit3A : i32
        %rem3A = arith.remsi %scan3A_92, %select_n3A : i32
        %ne3A = arith.constant 0 : i32
        %ne3A_97 = arith.cmpi ne, %rem3A, %ne3A : i32
        %lt3A = arith.constant 0 : i32
        %lt3A_98 = arith.cmpi slt, %rem3A, %lt3A : i32
        %lt3A_99 = arith.constant 0 : i32
        %lt3A_100 = arith.cmpi slt, %select_n3A, %lt3A_99 : i32
        %ne3A_101 = arith.xori %lt3A_98, %lt3A_100 : i1
        %and3A = arith.andi %ne3A_101, %ne3A_97 : i1
        %add3A = arith.addi %rem3A, %select_n3A : i32
        %select_n3A_102 = arith.select %and3A, %add3A, %rem3A : i32
        %dma_wait3A_103 = arith.constant 0 : i32
        %dma_wait3A_104 = arith.constant 0 : i32
        %dma_wait3A_105 = tpu.memref_slice %arg9[%select_n3A_102, %dma_wait3A_103, %dma_wait3A_104] : memref<6x512x16xf32, #tpu.memory_space<vmem>> -> memref<1x512x16xf32, #tpu.memory_space<vmem>>
        %dma_wait3A_106 = tpu.memref_squeeze %dma_wait3A_105 : memref<1x512x16xf32, #tpu.memory_space<vmem>> -> memref<512x16xf32, #tpu.memory_space<vmem>>
        %dma_wait3A_107 = arith.constant 0 : i32
        %dma_wait3A_108 = tpu.memref_slice %arg7[%scan3A_92, %dma_wait3A_107] : memref<14x512xi32, #tpu.memory_space<vmem>> -> memref<1x512xi32, #tpu.memory_space<vmem>>
        %dma_wait3A_109 = tpu.memref_squeeze %dma_wait3A_108 : memref<1x512xi32, #tpu.memory_space<vmem>> -> memref<512xi32, #tpu.memory_space<vmem>>
        %dma_wait3A_110 = arith.constant 0 : i32
        %dma_wait3A_111 = arith.constant 0 : i32
        %dma_wait3A_112 = tpu.memref_slice %arg2[%dma_wait3A_110, %dma_wait3A_111] : memref<51200x16xf32, #tpu.memory_space<hbm>> -> memref<51200x16xf32, #tpu.memory_space<hbm>>
        tpu.wait_indirect_dma semaphore(%arg10 : memref<!tpu.dma_semaphore, #tpu.memory_space<semaphore_mem>>) src(%dma_wait3A_112 : memref<51200x16xf32, #tpu.memory_space<hbm>>) dst(%dma_wait3A_106 : memref<512x16xf32, #tpu.memory_space<vmem>>)
        %jit3A_113 = arith.constant 6 : i32
        %eq3A_114 = arith.constant 0 : i32
        %eq3A_115 = arith.cmpi eq, %jit3A_113, %eq3A_114 : i32
        %jit3A_116 = arith.constant 1 : i32
        %select_n3A_117 = arith.select %eq3A_115, %jit3A_116, %jit3A_113 : i32
        %rem3A_118 = arith.remsi %scan3A_92, %select_n3A_117 : i32
        %ne3A_119 = arith.constant 0 : i32
        %ne3A_120 = arith.cmpi ne, %rem3A_118, %ne3A_119 : i32
        %lt3A_121 = arith.constant 0 : i32
        %lt3A_122 = arith.cmpi slt, %rem3A_118, %lt3A_121 : i32
        %lt3A_123 = arith.constant 0 : i32
        %lt3A_124 = arith.cmpi slt, %select_n3A_117, %lt3A_123 : i32
        %ne3A_125 = arith.xori %lt3A_122, %lt3A_124 : i1
        %and3A_126 = arith.andi %ne3A_125, %ne3A_120 : i1
        %add3A_127 = arith.addi %rem3A_118, %select_n3A_117 : i32
        %select_n3A_128 = arith.select %and3A_126, %add3A_127, %rem3A_118 : i32
        %dma_start3A_129 = arith.constant 0 : i32
        %dma_start3A_130 = arith.constant 0 : i32
        %dma_start3A_131 = tpu.memref_slice %arg9[%select_n3A_128, %dma_start3A_129, %dma_start3A_130] : memref<6x512x16xf32, #tpu.memory_space<vmem>> -> memref<1x512x16xf32, #tpu.memory_space<vmem>>
        %dma_start3A_132 = tpu.memref_squeeze %dma_start3A_131 : memref<1x512x16xf32, #tpu.memory_space<vmem>> -> memref<512x16xf32, #tpu.memory_space<vmem>>
        %dma_start3A_133 = arith.constant 0 : i32
        %dma_start3A_134 = tpu.memref_slice %arg8[%scan3A_92, %dma_start3A_133] : memref<14x512xi32, #tpu.memory_space<vmem>> -> memref<1x512xi32, #tpu.memory_space<vmem>>
        %dma_start3A_135 = tpu.memref_squeeze %dma_start3A_134 : memref<1x512xi32, #tpu.memory_space<vmem>> -> memref<512xi32, #tpu.memory_space<vmem>>
        %dma_start3A_136 = arith.constant 0 : i32
        %dma_start3A_137 = arith.constant 0 : i32
        %dma_start3A_138 = tpu.memref_slice %arg12[%dma_start3A_136, %dma_start3A_137] : memref<51200x16xf32, #tpu.memory_space<vmem_shared>> -> memref<51200x16xf32, #tpu.memory_space<vmem_shared>>
        tpu.enqueue_indirect_dma source(%dma_start3A_132 : memref<512x16xf32, #tpu.memory_space<vmem>>) target(%dma_start3A_138 : memref<51200x16xf32, #tpu.memory_space<vmem_shared>>) offsets(%dma_start3A_135 : memref<512xi32, #tpu.memory_space<vmem>>) semaphore(%arg11 : memref<!tpu.dma_semaphore, #tpu.memory_space<semaphore_mem>>) {add = true}
        %add3A_139 = arith.constant 5 : i32
        %add3A_140 = arith.addi %scan3A_92, %add3A_139 : i32
        %lt3A_141 = arith.constant 14 : i32
        %lt3A_142 = arith.cmpi slt, %add3A_140, %lt3A_141 : i32
        %convert_element_type3A_143 = arith.extui %lt3A_142 : i1 to i32
        %cond3A_144 = arith.constant 0 : i32
        %cond3A_145 = arith.cmpi ne, %convert_element_type3A_143, %cond3A_144 : i32
        scf.if %cond3A_145 {
          %add3A_146 = arith.constant 5 : i32
          %add3A_147 = arith.addi %scan3A_92, %add3A_146 : i32
          %add3A_148 = arith.constant 5 : i32
          %add3A_149 = arith.addi %scan3A_92, %add3A_148 : i32
          %jit3A_150 = arith.constant 6 : i32
          %eq3A_151 = arith.constant 0 : i32
          %eq3A_152 = arith.cmpi eq, %jit3A_150, %eq3A_151 : i32
          %jit3A_153 = arith.constant 1 : i32
          %select_n3A_154 = arith.select %eq3A_152, %jit3A_153, %jit3A_150 : i32
          %rem3A_155 = arith.remsi %add3A_149, %select_n3A_154 : i32
          %ne3A_156 = arith.constant 0 : i32
          %ne3A_157 = arith.cmpi ne, %rem3A_155, %ne3A_156 : i32
          %lt3A_158 = arith.constant 0 : i32
          %lt3A_159 = arith.cmpi slt, %rem3A_155, %lt3A_158 : i32
          %lt3A_160 = arith.constant 0 : i32
          %lt3A_161 = arith.cmpi slt, %select_n3A_154, %lt3A_160 : i32
          %ne3A_162 = arith.xori %lt3A_159, %lt3A_161 : i1
          %and3A_163 = arith.andi %ne3A_162, %ne3A_157 : i1
          %add3A_164 = arith.addi %rem3A_155, %select_n3A_154 : i32
          %select_n3A_165 = arith.select %and3A_163, %add3A_164, %rem3A_155 : i32
          %dma_start3A_166 = arith.constant 0 : i32
          %dma_start3A_167 = arith.constant 0 : i32
          %dma_start3A_168 = tpu.memref_slice %arg9[%select_n3A_165, %dma_start3A_166, %dma_start3A_167] : memref<6x512x16xf32, #tpu.memory_space<vmem>> -> memref<1x512x16xf32, #tpu.memory_space<vmem>>
          %dma_start3A_169 = tpu.memref_squeeze %dma_start3A_168 : memref<1x512x16xf32, #tpu.memory_space<vmem>> -> memref<512x16xf32, #tpu.memory_space<vmem>>
          %dma_start3A_170 = arith.constant 0 : i32
          %dma_start3A_171 = tpu.memref_slice %arg7[%add3A_147, %dma_start3A_170] : memref<14x512xi32, #tpu.memory_space<vmem>> -> memref<1x512xi32, #tpu.memory_space<vmem>>
          %dma_start3A_172 = tpu.memref_squeeze %dma_start3A_171 : memref<1x512xi32, #tpu.memory_space<vmem>> -> memref<512xi32, #tpu.memory_space<vmem>>
          %dma_start3A_173 = arith.constant 0 : i32
          %dma_start3A_174 = arith.constant 0 : i32
          %dma_start3A_175 = tpu.memref_slice %arg2[%dma_start3A_173, %dma_start3A_174] : memref<51200x16xf32, #tpu.memory_space<hbm>> -> memref<51200x16xf32, #tpu.memory_space<hbm>>
          tpu.enqueue_indirect_dma source(%dma_start3A_175 : memref<51200x16xf32, #tpu.memory_space<hbm>>) target(%dma_start3A_169 : memref<512x16xf32, #tpu.memory_space<vmem>>) offsets(%dma_start3A_172 : memref<512xi32, #tpu.memory_space<vmem>>) semaphore(%arg10 : memref<!tpu.dma_semaphore, #tpu.memory_space<semaphore_mem>>)
        } else {
        }
      }
      %scan3A_80 = arith.constant 14 : i32
      %dma_wait3A = arith.constant 0 : i32
      %dma_wait3A_81 = arith.constant 0 : i32
      %dma_wait3A_82 = arith.constant 0 : i32
      %dma_wait3A_83 = arith.constant 0 : i32
      %dma_wait3A_84 = tpu.memref_slice %arg9[%dma_wait3A, %dma_wait3A_82, %dma_wait3A_83] : memref<6x512x16xf32, #tpu.memory_space<vmem>> -> memref<1x512x16xf32, #tpu.memory_space<vmem>>
      %dma_wait3A_85 = tpu.memref_squeeze %dma_wait3A_84 : memref<1x512x16xf32, #tpu.memory_space<vmem>> -> memref<512x16xf32, #tpu.memory_space<vmem>>
      %dma_wait3A_86 = arith.constant 0 : i32
      %dma_wait3A_87 = tpu.memref_slice %arg8[%dma_wait3A_81, %dma_wait3A_86] : memref<14x512xi32, #tpu.memory_space<vmem>> -> memref<1x512xi32, #tpu.memory_space<vmem>>
      %dma_wait3A_88 = tpu.memref_squeeze %dma_wait3A_87 : memref<1x512xi32, #tpu.memory_space<vmem>> -> memref<512xi32, #tpu.memory_space<vmem>>
      %dma_wait3A_89 = arith.constant 0 : i32
      %dma_wait3A_90 = arith.constant 0 : i32
      %dma_wait3A_91 = tpu.memref_slice %arg12[%dma_wait3A_89, %dma_wait3A_90] : memref<51200x16xf32, #tpu.memory_space<vmem_shared>> -> memref<51200x16xf32, #tpu.memory_space<vmem_shared>>
      tpu.wait_indirect_dma semaphore(%arg11 : memref<!tpu.dma_semaphore, #tpu.memory_space<semaphore_mem>>) src(%dma_wait3A_85 : memref<512x16xf32, #tpu.memory_space<vmem>>) dst(%dma_wait3A_91 : memref<51200x16xf32, #tpu.memory_space<vmem_shared>>)
    }
    %scan3A_5 = arith.constant 7 : i32
    %barrier3A_6 = arith.constant 0 : index
    tpu.barrier barrier_id(%barrier3A_6)
    %mul3A_7 = arith.constant 3200 : i32
    %mul3A_8 = arith.muli %arg1, %mul3A_7 : i32
    %mul3A_9 = arith.constant 3200 : i32
    %mul3A_10 = arith.muli %arg1, %mul3A_9 : i32
    "tpu.region"() ({
      %run_scoped3A = tpu.sem_alloc : memref<!tpu.dma_semaphore, #tpu.memory_space<semaphore_mem>>
      %dma_start3A = arith.constant 0 : i32
      %dma_start3A_11 = tpu.memref_slice %arg6[%mul3A_10, %dma_start3A] : memref<51200x16xf32, #tpu.memory_space<hbm>> -> memref<3200x16xf32, #tpu.memory_space<hbm>>
      %dma_start3A_12 = arith.constant 0 : i32
      %dma_start3A_13 = tpu.memref_slice %arg12[%mul3A_8, %dma_start3A_12] : memref<51200x16xf32, #tpu.memory_space<vmem_shared>> -> memref<3200x16xf32, #tpu.memory_space<vmem_shared>>
      tpu.enqueue_dma source(%dma_start3A_13 : memref<3200x16xf32, #tpu.memory_space<vmem_shared>>) target(%dma_start3A_11 : memref<3200x16xf32, #tpu.memory_space<hbm>>) target_semaphore(%run_scoped3A : memref<!tpu.dma_semaphore, #tpu.memory_space<semaphore_mem>>)
      %dma_wait3A = arith.constant 0 : i32
      %dma_wait3A_14 = tpu.memref_slice %arg6[%mul3A_10, %dma_wait3A] : memref<51200x16xf32, #tpu.memory_space<hbm>> -> memref<3200x16xf32, #tpu.memory_space<hbm>>
      %dma_wait3A_15 = arith.constant 0 : i32
      %dma_wait3A_16 = tpu.memref_slice %arg12[%mul3A_8, %dma_wait3A_15] : memref<51200x16xf32, #tpu.memory_space<vmem_shared>> -> memref<3200x16xf32, #tpu.memory_space<vmem_shared>>
      tpu.wait_dma2 semaphore(%run_scoped3A : memref<!tpu.dma_semaphore, #tpu.memory_space<semaphore_mem>>) src(%dma_wait3A_16 : memref<3200x16xf32, #tpu.memory_space<vmem_shared>>) dst(%dma_wait3A_14 : memref<3200x16xf32, #tpu.memory_space<hbm>>)
      tpu.yield
    }) : () -> ()
    return
  }
}

#map = affine_map<(d0, d1) -> (0, 0)>
#map1 = affine_map<(d0, d1) -> (0, 0, 0)>
module attributes {stable_mosaic.version = 14 : i64} {
  func.func @body(%arg0: i32, %arg1: i32, %arg2: memref<51200x16xf32, #tpu.memory_space<hbm>>, %arg3: memref<16x98x512xi32, #tpu.memory_space<hbm>>, %arg4: memref<16x98x512xi32, #tpu.memory_space<hbm>>, %arg5: memref<3200x16xf32, #tpu.memory_space<hbm>>, %arg6: memref<51200x16xf32, #tpu.memory_space<hbm>>, %arg7: memref<14x512xi32, #tpu.memory_space<vmem>>, %arg8: memref<14x512xi32, #tpu.memory_space<vmem>>, %arg9: memref<6x512x16xf32, #tpu.memory_space<vmem>>, %arg10: memref<!tpu.dma_semaphore, #tpu.memory_space<semaphore_mem>>, %arg11: memref<!tpu.dma_semaphore, #tpu.memory_space<semaphore_mem>>, %arg12: memref<51200x16xf32, #tpu.memory_space<vmem_shared>>) attributes {dimension_semantics = [#tpu.dimension_semantics<core_parallel>, #tpu.dimension_semantics<subcore_parallel>], iteration_bounds = array<i64: 1, 16>, scalar_prefetch = 0 : i64, scratch_operands = 6 : i64, tpu.core_type = #tpu.core_type<sc_vector_subcore>, window_params = [{transform_indices = #map}, {transform_indices = #map1}, {transform_indices = #map1}, {transform_indices = #map}, {transform_indices = #map}]} {
    %mul3A = arith.constant 3200 : i32
    %mul3A_0 = arith.muli %arg1, %mul3A : i32
    "tpu.region"() ({
      %run_scoped3A = tpu.sem_alloc : memref<!tpu.dma_semaphore, #tpu.memory_space<semaphore_mem>>
      %dma_start3A = arith.constant 0 : i32
      %dma_start3A_11 = tpu.memref_slice %arg12[%mul3A_0, %dma_start3A] : memref<51200x16xf32, #tpu.memory_space<vmem_shared>> -> memref<3200x16xf32, #tpu.memory_space<vmem_shared>>
      tpu.enqueue_dma source(%arg5 : memref<3200x16xf32, #tpu.memory_space<hbm>>) target(%dma_start3A_11 : memref<3200x16xf32, #tpu.memory_space<vmem_shared>>) target_semaphore(%run_scoped3A : memref<!tpu.dma_semaphore, #tpu.memory_space<semaphore_mem>>)
      %dma_wait3A = arith.constant 0 : i32
      %dma_wait3A_12 = tpu.memref_slice %arg12[%mul3A_0, %dma_wait3A] : memref<51200x16xf32, #tpu.memory_space<vmem_shared>> -> memref<3200x16xf32, #tpu.memory_space<vmem_shared>>
      tpu.wait_dma2 semaphore(%run_scoped3A : memref<!tpu.dma_semaphore, #tpu.memory_space<semaphore_mem>>) src(%arg5 : memref<3200x16xf32, #tpu.memory_space<hbm>>) dst(%dma_wait3A_12 : memref<3200x16xf32, #tpu.memory_space<vmem_shared>>)
      tpu.yield
    }) : () -> ()
    %barrier3A = arith.constant 0 : index
    tpu.barrier barrier_id(%barrier3A)
    %scan3A = arith.constant 0 : i32
    %scan3A_1 = arith.constant 0 : i32
    %scan3A_2 = arith.constant 7 : i32
    %scan3A_3 = arith.addi %scan3A_1, %scan3A_2 : i32
    %scan3A_4 = arith.constant 1 : i32
    scf.for %scan3A_11 = %scan3A_1 to %scan3A_3 step %scan3A_4  : i32 {
      %mul3A_12 = arith.constant 14 : i32
      %mul3A_13 = arith.muli %scan3A_11, %mul3A_12 : i32
      "tpu.region"() ({
        %run_scoped3A = tpu.sem_alloc : memref<!tpu.dma_semaphore, #tpu.memory_space<semaphore_mem>>
        %dma_start3A_92 = arith.constant 0 : i32
        %dma_start3A_93 = tpu.memref_slice %arg3[%arg1, %mul3A_13, %dma_start3A_92] : memref<16x98x512xi32, #tpu.memory_space<hbm>> -> memref<1x14x512xi32, #tpu.memory_space<hbm>>
        %dma_start3A_94 = tpu.memref_squeeze %dma_start3A_93 : memref<1x14x512xi32, #tpu.memory_space<hbm>> -> memref<14x512xi32, #tpu.memory_space<hbm>>
        %dma_start3A_95 = arith.constant 0 : i32
        %dma_start3A_96 = tpu.memref_slice %arg3[%arg1, %mul3A_13, %dma_start3A_95] : memref<16x98x512xi32, #tpu.memory_space<hbm>> -> memref<1x14x512xi32, #tpu.memory_space<hbm>>
        %dma_start3A_97 = tpu.memref_squeeze %dma_start3A_96 : memref<1x14x512xi32, #tpu.memory_space<hbm>> -> memref<14x512xi32, #tpu.memory_space<hbm>>
        tpu.enqueue_dma source(%dma_start3A_97 : memref<14x512xi32, #tpu.memory_space<hbm>>) target(%arg7 : memref<14x512xi32, #tpu.memory_space<vmem>>) target_semaphore(%run_scoped3A : memref<!tpu.dma_semaphore, #tpu.memory_space<semaphore_mem>>)
        %dma_wait3A_98 = arith.constant 0 : i32
        %dma_wait3A_99 = tpu.memref_slice %arg3[%arg1, %mul3A_13, %dma_wait3A_98] : memref<16x98x512xi32, #tpu.memory_space<hbm>> -> memref<1x14x512xi32, #tpu.memory_space<hbm>>
        %dma_wait3A_100 = tpu.memref_squeeze %dma_wait3A_99 : memref<1x14x512xi32, #tpu.memory_space<hbm>> -> memref<14x512xi32, #tpu.memory_space<hbm>>
        %dma_wait3A_101 = arith.constant 0 : i32
        %dma_wait3A_102 = tpu.memref_slice %arg3[%arg1, %mul3A_13, %dma_wait3A_101] : memref<16x98x512xi32, #tpu.memory_space<hbm>> -> memref<1x14x512xi32, #tpu.memory_space<hbm>>
        %dma_wait3A_103 = tpu.memref_squeeze %dma_wait3A_102 : memref<1x14x512xi32, #tpu.memory_space<hbm>> -> memref<14x512xi32, #tpu.memory_space<hbm>>
        tpu.wait_dma2 semaphore(%run_scoped3A : memref<!tpu.dma_semaphore, #tpu.memory_space<semaphore_mem>>) src(%dma_wait3A_103 : memref<14x512xi32, #tpu.memory_space<hbm>>) dst(%arg7 : memref<14x512xi32, #tpu.memory_space<vmem>>)
        tpu.yield
      }) : () -> ()
      %mul3A_14 = arith.constant 14 : i32
      %mul3A_15 = arith.muli %scan3A_11, %mul3A_14 : i32
      "tpu.region"() ({
        %run_scoped3A = tpu.sem_alloc : memref<!tpu.dma_semaphore, #tpu.memory_space<semaphore_mem>>
        %dma_start3A_92 = arith.constant 0 : i32
        %dma_start3A_93 = tpu.memref_slice %arg4[%arg1, %mul3A_15, %dma_start3A_92] : memref<16x98x512xi32, #tpu.memory_space<hbm>> -> memref<1x14x512xi32, #tpu.memory_space<hbm>>
        %dma_start3A_94 = tpu.memref_squeeze %dma_start3A_93 : memref<1x14x512xi32, #tpu.memory_space<hbm>> -> memref<14x512xi32, #tpu.memory_space<hbm>>
        %dma_start3A_95 = arith.constant 0 : i32
        %dma_start3A_96 = tpu.memref_slice %arg4[%arg1, %mul3A_15, %dma_start3A_95] : memref<16x98x512xi32, #tpu.memory_space<hbm>> -> memref<1x14x512xi32, #tpu.memory_space<hbm>>
        %dma_start3A_97 = tpu.memref_squeeze %dma_start3A_96 : memref<1x14x512xi32, #tpu.memory_space<hbm>> -> memref<14x512xi32, #tpu.memory_space<hbm>>
        tpu.enqueue_dma source(%dma_start3A_97 : memref<14x512xi32, #tpu.memory_space<hbm>>) target(%arg8 : memref<14x512xi32, #tpu.memory_space<vmem>>) target_semaphore(%run_scoped3A : memref<!tpu.dma_semaphore, #tpu.memory_space<semaphore_mem>>)
        %dma_wait3A_98 = arith.constant 0 : i32
        %dma_wait3A_99 = tpu.memref_slice %arg4[%arg1, %mul3A_15, %dma_wait3A_98] : memref<16x98x512xi32, #tpu.memory_space<hbm>> -> memref<1x14x512xi32, #tpu.memory_space<hbm>>
        %dma_wait3A_100 = tpu.memref_squeeze %dma_wait3A_99 : memref<1x14x512xi32, #tpu.memory_space<hbm>> -> memref<14x512xi32, #tpu.memory_space<hbm>>
        %dma_wait3A_101 = arith.constant 0 : i32
        %dma_wait3A_102 = tpu.memref_slice %arg4[%arg1, %mul3A_15, %dma_wait3A_101] : memref<16x98x512xi32, #tpu.memory_space<hbm>> -> memref<1x14x512xi32, #tpu.memory_space<hbm>>
        %dma_wait3A_103 = tpu.memref_squeeze %dma_wait3A_102 : memref<1x14x512xi32, #tpu.memory_space<hbm>> -> memref<14x512xi32, #tpu.memory_space<hbm>>
        tpu.wait_dma2 semaphore(%run_scoped3A : memref<!tpu.dma_semaphore, #tpu.memory_space<semaphore_mem>>) src(%dma_wait3A_103 : memref<14x512xi32, #tpu.memory_space<hbm>>) dst(%arg8 : memref<14x512xi32, #tpu.memory_space<vmem>>)
        tpu.yield
      }) : () -> ()
      %dma_start3A = arith.constant 0 : i32
      %dma_start3A_16 = arith.constant 0 : i32
      %dma_start3A_17 = arith.constant 0 : i32
      %dma_start3A_18 = arith.constant 0 : i32
      %dma_start3A_19 = tpu.memref_slice %arg9[%dma_start3A_16, %dma_start3A_17, %dma_start3A_18] : memref<6x512x16xf32, #tpu.memory_space<vmem>> -> memref<1x512x16xf32, #tpu.memory_space<vmem>>
      %dma_start3A_20 = tpu.memref_squeeze %dma_start3A_19 : memref<1x512x16xf32, #tpu.memory_space<vmem>> -> memref<512x16xf32, #tpu.memory_space<vmem>>
      %dma_start3A_21 = arith.constant 0 : i32
      %dma_start3A_22 = tpu.memref_slice %arg7[%dma_start3A, %dma_start3A_21] : memref<14x512xi32, #tpu.memory_space<vmem>> -> memref<1x512xi32, #tpu.memory_space<vmem>>
      %dma_start3A_23 = tpu.memref_squeeze %dma_start3A_22 : memref<1x512xi32, #tpu.memory_space<vmem>> -> memref<512xi32, #tpu.memory_space<vmem>>
      %dma_start3A_24 = arith.constant 0 : i32
      %dma_start3A_25 = arith.constant 0 : i32
      %dma_start3A_26 = tpu.memref_slice %arg2[%dma_start3A_24, %dma_start3A_25] : memref<51200x16xf32, #tpu.memory_space<hbm>> -> memref<51200x16xf32, #tpu.memory_space<hbm>>
      tpu.enqueue_indirect_dma source(%dma_start3A_26 : memref<51200x16xf32, #tpu.memory_space<hbm>>) target(%dma_start3A_20 : memref<512x16xf32, #tpu.memory_space<vmem>>) offsets(%dma_start3A_23 : memref<512xi32, #tpu.memory_space<vmem>>) semaphore(%arg10 : memref<!tpu.dma_semaphore, #tpu.memory_space<semaphore_mem>>)
      %dma_start3A_27 = arith.constant 1 : i32
      %dma_start3A_28 = arith.constant 1 : i32
      %dma_start3A_29 = arith.constant 0 : i32
      %dma_start3A_30 = arith.constant 0 : i32
      %dma_start3A_31 = tpu.memref_slice %arg9[%dma_start3A_28, %dma_start3A_29, %dma_start3A_30] : memref<6x512x16xf32, #tpu.memory_space<vmem>> -> memref<1x512x16xf32, #tpu.memory_space<vmem>>
      %dma_start3A_32 = tpu.memref_squeeze %dma_start3A_31 : memref<1x512x16xf32, #tpu.memory_space<vmem>> -> memref<512x16xf32, #tpu.memory_space<vmem>>
      %dma_start3A_33 = arith.constant 0 : i32
      %dma_start3A_34 = tpu.memref_slice %arg7[%dma_start3A_27, %dma_start3A_33] : memref<14x512xi32, #tpu.memory_space<vmem>> -> memref<1x512xi32, #tpu.memory_space<vmem>>
      %dma_start3A_35 = tpu.memref_squeeze %dma_start3A_34 : memref<1x512xi32, #tpu.memory_space<vmem>> -> memref<512xi32, #tpu.memory_space<vmem>>
      %dma_start3A_36 = arith.constant 0 : i32
      %dma_start3A_37 = arith.constant 0 : i32
      %dma_start3A_38 = tpu.memref_slice %arg2[%dma_start3A_36, %dma_start3A_37] : memref<51200x16xf32, #tpu.memory_space<hbm>> -> memref<51200x16xf32, #tpu.memory_space<hbm>>
      tpu.enqueue_indirect_dma source(%dma_start3A_38 : memref<51200x16xf32, #tpu.memory_space<hbm>>) target(%dma_start3A_32 : memref<512x16xf32, #tpu.memory_space<vmem>>) offsets(%dma_start3A_35 : memref<512xi32, #tpu.memory_space<vmem>>) semaphore(%arg10 : memref<!tpu.dma_semaphore, #tpu.memory_space<semaphore_mem>>)
      %dma_start3A_39 = arith.constant 2 : i32
      %dma_start3A_40 = arith.constant 2 : i32
      %dma_start3A_41 = arith.constant 0 : i32
      %dma_start3A_42 = arith.constant 0 : i32
      %dma_start3A_43 = tpu.memref_slice %arg9[%dma_start3A_40, %dma_start3A_41, %dma_start3A_42] : memref<6x512x16xf32, #tpu.memory_space<vmem>> -> memref<1x512x16xf32, #tpu.memory_space<vmem>>
      %dma_start3A_44 = tpu.memref_squeeze %dma_start3A_43 : memref<1x512x16xf32, #tpu.memory_space<vmem>> -> memref<512x16xf32, #tpu.memory_space<vmem>>
      %dma_start3A_45 = arith.constant 0 : i32
      %dma_start3A_46 = tpu.memref_slice %arg7[%dma_start3A_39, %dma_start3A_45] : memref<14x512xi32, #tpu.memory_space<vmem>> -> memref<1x512xi32, #tpu.memory_space<vmem>>
      %dma_start3A_47 = tpu.memref_squeeze %dma_start3A_46 : memref<1x512xi32, #tpu.memory_space<vmem>> -> memref<512xi32, #tpu.memory_space<vmem>>
      %dma_start3A_48 = arith.constant 0 : i32
      %dma_start3A_49 = arith.constant 0 : i32
      %dma_start3A_50 = tpu.memref_slice %arg2[%dma_start3A_48, %dma_start3A_49] : memref<51200x16xf32, #tpu.memory_space<hbm>> -> memref<51200x16xf32, #tpu.memory_space<hbm>>
      tpu.enqueue_indirect_dma source(%dma_start3A_50 : memref<51200x16xf32, #tpu.memory_space<hbm>>) target(%dma_start3A_44 : memref<512x16xf32, #tpu.memory_space<vmem>>) offsets(%dma_start3A_47 : memref<512xi32, #tpu.memory_space<vmem>>) semaphore(%arg10 : memref<!tpu.dma_semaphore, #tpu.memory_space<semaphore_mem>>)
      %dma_start3A_51 = arith.constant 3 : i32
      %dma_start3A_52 = arith.constant 3 : i32
      %dma_start3A_53 = arith.constant 0 : i32
      %dma_start3A_54 = arith.constant 0 : i32
      %dma_start3A_55 = tpu.memref_slice %arg9[%dma_start3A_52, %dma_start3A_53, %dma_start3A_54] : memref<6x512x16xf32, #tpu.memory_space<vmem>> -> memref<1x512x16xf32, #tpu.memory_space<vmem>>
      %dma_start3A_56 = tpu.memref_squeeze %dma_start3A_55 : memref<1x512x16xf32, #tpu.memory_space<vmem>> -> memref<512x16xf32, #tpu.memory_space<vmem>>
      %dma_start3A_57 = arith.constant 0 : i32
      %dma_start3A_58 = tpu.memref_slice %arg7[%dma_start3A_51, %dma_start3A_57] : memref<14x512xi32, #tpu.memory_space<vmem>> -> memref<1x512xi32, #tpu.memory_space<vmem>>
      %dma_start3A_59 = tpu.memref_squeeze %dma_start3A_58 : memref<1x512xi32, #tpu.memory_space<vmem>> -> memref<512xi32, #tpu.memory_space<vmem>>
      %dma_start3A_60 = arith.constant 0 : i32
      %dma_start3A_61 = arith.constant 0 : i32
      %dma_start3A_62 = tpu.memref_slice %arg2[%dma_start3A_60, %dma_start3A_61] : memref<51200x16xf32, #tpu.memory_space<hbm>> -> memref<51200x16xf32, #tpu.memory_space<hbm>>
      tpu.enqueue_indirect_dma source(%dma_start3A_62 : memref<51200x16xf32, #tpu.memory_space<hbm>>) target(%dma_start3A_56 : memref<512x16xf32, #tpu.memory_space<vmem>>) offsets(%dma_start3A_59 : memref<512xi32, #tpu.memory_space<vmem>>) semaphore(%arg10 : memref<!tpu.dma_semaphore, #tpu.memory_space<semaphore_mem>>)
      %dma_start3A_63 = arith.constant 4 : i32
      %dma_start3A_64 = arith.constant 4 : i32
      %dma_start3A_65 = arith.constant 0 : i32
      %dma_start3A_66 = arith.constant 0 : i32
      %dma_start3A_67 = tpu.memref_slice %arg9[%dma_start3A_64, %dma_start3A_65, %dma_start3A_66] : memref<6x512x16xf32, #tpu.memory_space<vmem>> -> memref<1x512x16xf32, #tpu.memory_space<vmem>>
      %dma_start3A_68 = tpu.memref_squeeze %dma_start3A_67 : memref<1x512x16xf32, #tpu.memory_space<vmem>> -> memref<512x16xf32, #tpu.memory_space<vmem>>
      %dma_start3A_69 = arith.constant 0 : i32
      %dma_start3A_70 = tpu.memref_slice %arg7[%dma_start3A_63, %dma_start3A_69] : memref<14x512xi32, #tpu.memory_space<vmem>> -> memref<1x512xi32, #tpu.memory_space<vmem>>
      %dma_start3A_71 = tpu.memref_squeeze %dma_start3A_70 : memref<1x512xi32, #tpu.memory_space<vmem>> -> memref<512xi32, #tpu.memory_space<vmem>>
      %dma_start3A_72 = arith.constant 0 : i32
      %dma_start3A_73 = arith.constant 0 : i32
      %dma_start3A_74 = tpu.memref_slice %arg2[%dma_start3A_72, %dma_start3A_73] : memref<51200x16xf32, #tpu.memory_space<hbm>> -> memref<51200x16xf32, #tpu.memory_space<hbm>>
      tpu.enqueue_indirect_dma source(%dma_start3A_74 : memref<51200x16xf32, #tpu.memory_space<hbm>>) target(%dma_start3A_68 : memref<512x16xf32, #tpu.memory_space<vmem>>) offsets(%dma_start3A_71 : memref<512xi32, #tpu.memory_space<vmem>>) semaphore(%arg10 : memref<!tpu.dma_semaphore, #tpu.memory_space<semaphore_mem>>)
      %scan3A_75 = arith.constant 0 : i32
      %scan3A_76 = arith.constant 0 : i32
      %scan3A_77 = arith.constant 14 : i32
      %scan3A_78 = arith.addi %scan3A_76, %scan3A_77 : i32
      %scan3A_79 = arith.constant 1 : i32
      scf.for %scan3A_92 = %scan3A_76 to %scan3A_78 step %scan3A_79  : i32 {
        %ge3A = arith.constant 1 : i32
        %ge3A_93 = arith.cmpi sge, %scan3A_92, %ge3A : i32
        %convert_element_type3A = arith.extui %ge3A_93 : i1 to i32
        %cond3A = arith.constant 0 : i32
        %cond3A_94 = arith.cmpi ne, %convert_element_type3A, %cond3A : i32
        scf.if %cond3A_94 {
          %dma_wait3A_146 = arith.constant 0 : i32
          %dma_wait3A_147 = arith.constant 0 : i32
          %dma_wait3A_148 = arith.constant 0 : i32
          %dma_wait3A_149 = arith.constant 0 : i32
          %dma_wait3A_150 = tpu.memref_slice %arg9[%dma_wait3A_146, %dma_wait3A_148, %dma_wait3A_149] : memref<6x512x16xf32, #tpu.memory_space<vmem>> -> memref<1x512x16xf32, #tpu.memory_space<vmem>>
          %dma_wait3A_151 = tpu.memref_squeeze %dma_wait3A_150 : memref<1x512x16xf32, #tpu.memory_space<vmem>> -> memref<512x16xf32, #tpu.memory_space<vmem>>
          %dma_wait3A_152 = arith.constant 0 : i32
          %dma_wait3A_153 = tpu.memref_slice %arg8[%dma_wait3A_147, %dma_wait3A_152] : memref<14x512xi32, #tpu.memory_space<vmem>> -> memref<1x512xi32, #tpu.memory_space<vmem>>
          %dma_wait3A_154 = tpu.memref_squeeze %dma_wait3A_153 : memref<1x512xi32, #tpu.memory_space<vmem>> -> memref<512xi32, #tpu.memory_space<vmem>>
          %dma_wait3A_155 = arith.constant 0 : i32
          %dma_wait3A_156 = arith.constant 0 : i32
          %dma_wait3A_157 = tpu.memref_slice %arg12[%dma_wait3A_155, %dma_wait3A_156] : memref<51200x16xf32, #tpu.memory_space<vmem_shared>> -> memref<51200x16xf32, #tpu.memory_space<vmem_shared>>
          tpu.wait_indirect_dma semaphore(%arg11 : memref<!tpu.dma_semaphore, #tpu.memory_space<semaphore_mem>>) src(%dma_wait3A_151 : memref<512x16xf32, #tpu.memory_space<vmem>>) dst(%dma_wait3A_157 : memref<51200x16xf32, #tpu.memory_space<vmem_shared>>)
        } else {
        }
        %jit3A = arith.constant 6 : i32
        %eq3A = arith.constant 0 : i32
        %eq3A_95 = arith.cmpi eq, %jit3A, %eq3A : i32
        %jit3A_96 = arith.constant 1 : i32
        %select_n3A = arith.select %eq3A_95, %jit3A_96, %jit3A : i32
        %rem3A = arith.remsi %scan3A_92, %select_n3A : i32
        %ne3A = arith.constant 0 : i32
        %ne3A_97 = arith.cmpi ne, %rem3A, %ne3A : i32
        %lt3A = arith.constant 0 : i32
        %lt3A_98 = arith.cmpi slt, %rem3A, %lt3A : i32
        %lt3A_99 = arith.constant 0 : i32
        %lt3A_100 = arith.cmpi slt, %select_n3A, %lt3A_99 : i32
        %ne3A_101 = arith.xori %lt3A_98, %lt3A_100 : i1
        %and3A = arith.andi %ne3A_101, %ne3A_97 : i1
        %add3A = arith.addi %rem3A, %select_n3A : i32
        %select_n3A_102 = arith.select %and3A, %add3A, %rem3A : i32
        %dma_wait3A_103 = arith.constant 0 : i32
        %dma_wait3A_104 = arith.constant 0 : i32
        %dma_wait3A_105 = tpu.memref_slice %arg9[%select_n3A_102, %dma_wait3A_103, %dma_wait3A_104] : memref<6x512x16xf32, #tpu.memory_space<vmem>> -> memref<1x512x16xf32, #tpu.memory_space<vmem>>
        %dma_wait3A_106 = tpu.memref_squeeze %dma_wait3A_105 : memref<1x512x16xf32, #tpu.memory_space<vmem>> -> memref<512x16xf32, #tpu.memory_space<vmem>>
        %dma_wait3A_107 = arith.constant 0 : i32
        %dma_wait3A_108 = tpu.memref_slice %arg7[%scan3A_92, %dma_wait3A_107] : memref<14x512xi32, #tpu.memory_space<vmem>> -> memref<1x512xi32, #tpu.memory_space<vmem>>
        %dma_wait3A_109 = tpu.memref_squeeze %dma_wait3A_108 : memref<1x512xi32, #tpu.memory_space<vmem>> -> memref<512xi32, #tpu.memory_space<vmem>>
        %dma_wait3A_110 = arith.constant 0 : i32
        %dma_wait3A_111 = arith.constant 0 : i32
        %dma_wait3A_112 = tpu.memref_slice %arg2[%dma_wait3A_110, %dma_wait3A_111] : memref<51200x16xf32, #tpu.memory_space<hbm>> -> memref<51200x16xf32, #tpu.memory_space<hbm>>
        tpu.wait_indirect_dma semaphore(%arg10 : memref<!tpu.dma_semaphore, #tpu.memory_space<semaphore_mem>>) src(%dma_wait3A_112 : memref<51200x16xf32, #tpu.memory_space<hbm>>) dst(%dma_wait3A_106 : memref<512x16xf32, #tpu.memory_space<vmem>>)
        %jit3A_113 = arith.constant 6 : i32
        %eq3A_114 = arith.constant 0 : i32
        %eq3A_115 = arith.cmpi eq, %jit3A_113, %eq3A_114 : i32
        %jit3A_116 = arith.constant 1 : i32
        %select_n3A_117 = arith.select %eq3A_115, %jit3A_116, %jit3A_113 : i32
        %rem3A_118 = arith.remsi %scan3A_92, %select_n3A_117 : i32
        %ne3A_119 = arith.constant 0 : i32
        %ne3A_120 = arith.cmpi ne, %rem3A_118, %ne3A_119 : i32
        %lt3A_121 = arith.constant 0 : i32
        %lt3A_122 = arith.cmpi slt, %rem3A_118, %lt3A_121 : i32
        %lt3A_123 = arith.constant 0 : i32
        %lt3A_124 = arith.cmpi slt, %select_n3A_117, %lt3A_123 : i32
        %ne3A_125 = arith.xori %lt3A_122, %lt3A_124 : i1
        %and3A_126 = arith.andi %ne3A_125, %ne3A_120 : i1
        %add3A_127 = arith.addi %rem3A_118, %select_n3A_117 : i32
        %select_n3A_128 = arith.select %and3A_126, %add3A_127, %rem3A_118 : i32
        %dma_start3A_129 = arith.constant 0 : i32
        %dma_start3A_130 = arith.constant 0 : i32
        %dma_start3A_131 = tpu.memref_slice %arg9[%select_n3A_128, %dma_start3A_129, %dma_start3A_130] : memref<6x512x16xf32, #tpu.memory_space<vmem>> -> memref<1x512x16xf32, #tpu.memory_space<vmem>>
        %dma_start3A_132 = tpu.memref_squeeze %dma_start3A_131 : memref<1x512x16xf32, #tpu.memory_space<vmem>> -> memref<512x16xf32, #tpu.memory_space<vmem>>
        %dma_start3A_133 = arith.constant 0 : i32
        %dma_start3A_134 = tpu.memref_slice %arg8[%scan3A_92, %dma_start3A_133] : memref<14x512xi32, #tpu.memory_space<vmem>> -> memref<1x512xi32, #tpu.memory_space<vmem>>
        %dma_start3A_135 = tpu.memref_squeeze %dma_start3A_134 : memref<1x512xi32, #tpu.memory_space<vmem>> -> memref<512xi32, #tpu.memory_space<vmem>>
        %dma_start3A_136 = arith.constant 0 : i32
        %dma_start3A_137 = arith.constant 0 : i32
        %dma_start3A_138 = tpu.memref_slice %arg12[%dma_start3A_136, %dma_start3A_137] : memref<51200x16xf32, #tpu.memory_space<vmem_shared>> -> memref<51200x16xf32, #tpu.memory_space<vmem_shared>>
        tpu.enqueue_indirect_dma source(%dma_start3A_132 : memref<512x16xf32, #tpu.memory_space<vmem>>) target(%dma_start3A_138 : memref<51200x16xf32, #tpu.memory_space<vmem_shared>>) offsets(%dma_start3A_135 : memref<512xi32, #tpu.memory_space<vmem>>) semaphore(%arg11 : memref<!tpu.dma_semaphore, #tpu.memory_space<semaphore_mem>>) {add = true}
        %add3A_139 = arith.constant 5 : i32
        %add3A_140 = arith.addi %scan3A_92, %add3A_139 : i32
        %lt3A_141 = arith.constant 14 : i32
        %lt3A_142 = arith.cmpi slt, %add3A_140, %lt3A_141 : i32
        %convert_element_type3A_143 = arith.extui %lt3A_142 : i1 to i32
        %cond3A_144 = arith.constant 0 : i32
        %cond3A_145 = arith.cmpi ne, %convert_element_type3A_143, %cond3A_144 : i32
        scf.if %cond3A_145 {
          %add3A_146 = arith.constant 5 : i32
          %add3A_147 = arith.addi %scan3A_92, %add3A_146 : i32
          %add3A_148 = arith.constant 5 : i32
          %add3A_149 = arith.addi %scan3A_92, %add3A_148 : i32
          %jit3A_150 = arith.constant 6 : i32
          %eq3A_151 = arith.constant 0 : i32
          %eq3A_152 = arith.cmpi eq, %jit3A_150, %eq3A_151 : i32
          %jit3A_153 = arith.constant 1 : i32
          %select_n3A_154 = arith.select %eq3A_152, %jit3A_153, %jit3A_150 : i32
          %rem3A_155 = arith.remsi %add3A_149, %select_n3A_154 : i32
          %ne3A_156 = arith.constant 0 : i32
          %ne3A_157 = arith.cmpi ne, %rem3A_155, %ne3A_156 : i32
          %lt3A_158 = arith.constant 0 : i32
          %lt3A_159 = arith.cmpi slt, %rem3A_155, %lt3A_158 : i32
          %lt3A_160 = arith.constant 0 : i32
          %lt3A_161 = arith.cmpi slt, %select_n3A_154, %lt3A_160 : i32
          %ne3A_162 = arith.xori %lt3A_159, %lt3A_161 : i1
          %and3A_163 = arith.andi %ne3A_162, %ne3A_157 : i1
          %add3A_164 = arith.addi %rem3A_155, %select_n3A_154 : i32
          %select_n3A_165 = arith.select %and3A_163, %add3A_164, %rem3A_155 : i32
          %dma_start3A_166 = arith.constant 0 : i32
          %dma_start3A_167 = arith.constant 0 : i32
          %dma_start3A_168 = tpu.memref_slice %arg9[%select_n3A_165, %dma_start3A_166, %dma_start3A_167] : memref<6x512x16xf32, #tpu.memory_space<vmem>> -> memref<1x512x16xf32, #tpu.memory_space<vmem>>
          %dma_start3A_169 = tpu.memref_squeeze %dma_start3A_168 : memref<1x512x16xf32, #tpu.memory_space<vmem>> -> memref<512x16xf32, #tpu.memory_space<vmem>>
          %dma_start3A_170 = arith.constant 0 : i32
          %dma_start3A_171 = tpu.memref_slice %arg7[%add3A_147, %dma_start3A_170] : memref<14x512xi32, #tpu.memory_space<vmem>> -> memref<1x512xi32, #tpu.memory_space<vmem>>
          %dma_start3A_172 = tpu.memref_squeeze %dma_start3A_171 : memref<1x512xi32, #tpu.memory_space<vmem>> -> memref<512xi32, #tpu.memory_space<vmem>>
          %dma_start3A_173 = arith.constant 0 : i32
          %dma_start3A_174 = arith.constant 0 : i32
          %dma_start3A_175 = tpu.memref_slice %arg2[%dma_start3A_173, %dma_start3A_174] : memref<51200x16xf32, #tpu.memory_space<hbm>> -> memref<51200x16xf32, #tpu.memory_space<hbm>>
          tpu.enqueue_indirect_dma source(%dma_start3A_175 : memref<51200x16xf32, #tpu.memory_space<hbm>>) target(%dma_start3A_169 : memref<512x16xf32, #tpu.memory_space<vmem>>) offsets(%dma_start3A_172 : memref<512xi32, #tpu.memory_space<vmem>>) semaphore(%arg10 : memref<!tpu.dma_semaphore, #tpu.memory_space<semaphore_mem>>)
        } else {
        }
      }
      %scan3A_80 = arith.constant 14 : i32
      %dma_wait3A = arith.constant 0 : i32
      %dma_wait3A_81 = arith.constant 0 : i32
      %dma_wait3A_82 = arith.constant 0 : i32
      %dma_wait3A_83 = arith.constant 0 : i32
      %dma_wait3A_84 = tpu.memref_slice %arg9[%dma_wait3A, %dma_wait3A_82, %dma_wait3A_83] : memref<6x512x16xf32, #tpu.memory_space<vmem>> -> memref<1x512x16xf32, #tpu.memory_space<vmem>>
      %dma_wait3A_85 = tpu.memref_squeeze %dma_wait3A_84 : memref<1x512x16xf32, #tpu.memory_space<vmem>> -> memref<512x16xf32, #tpu.memory_space<vmem>>
      %dma_wait3A_86 = arith.constant 0 : i32
      %dma_wait3A_87 = tpu.memref_slice %arg8[%dma_wait3A_81, %dma_wait3A_86] : memref<14x512xi32, #tpu.memory_space<vmem>> -> memref<1x512xi32, #tpu.memory_space<vmem>>
      %dma_wait3A_88 = tpu.memref_squeeze %dma_wait3A_87 : memref<1x512xi32, #tpu.memory_space<vmem>> -> memref<512xi32, #tpu.memory_space<vmem>>
      %dma_wait3A_89 = arith.constant 0 : i32
      %dma_wait3A_90 = arith.constant 0 : i32
      %dma_wait3A_91 = tpu.memref_slice %arg12[%dma_wait3A_89, %dma_wait3A_90] : memref<51200x16xf32, #tpu.memory_space<vmem_shared>> -> memref<51200x16xf32, #tpu.memory_space<vmem_shared>>
      tpu.wait_indirect_dma semaphore(%arg11 : memref<!tpu.dma_semaphore, #tpu.memory_space<semaphore_mem>>) src(%dma_wait3A_85 : memref<512x16xf32, #tpu.memory_space<vmem>>) dst(%dma_wait3A_91 : memref<51200x16xf32, #tpu.memory_space<vmem_shared>>)
    }
    %scan3A_5 = arith.constant 7 : i32
    %barrier3A_6 = arith.constant 0 : index
    tpu.barrier barrier_id(%barrier3A_6)
    %mul3A_7 = arith.constant 3200 : i32
    %mul3A_8 = arith.muli %arg1, %mul3A_7 : i32
    %mul3A_9 = arith.constant 3200 : i32
    %mul3A_10 = arith.muli %arg1, %mul3A_9 : i32
    "tpu.region"() ({
      %run_scoped3A = tpu.sem_alloc : memref<!tpu.dma_semaphore, #tpu.memory_space<semaphore_mem>>
      %dma_start3A = arith.constant 0 : i32
      %dma_start3A_11 = tpu.memref_slice %arg6[%mul3A_10, %dma_start3A] : memref<51200x16xf32, #tpu.memory_space<hbm>> -> memref<3200x16xf32, #tpu.memory_space<hbm>>
      %dma_start3A_12 = arith.constant 0 : i32
      %dma_start3A_13 = tpu.memref_slice %arg12[%mul3A_8, %dma_start3A_12] : memref<51200x16xf32, #tpu.memory_space<vmem_shared>> -> memref<3200x16xf32, #tpu.memory_space<vmem_shared>>
      tpu.enqueue_dma source(%dma_start3A_13 : memref<3200x16xf32, #tpu.memory_space<vmem_shared>>) target(%dma_start3A_11 : memref<3200x16xf32, #tpu.memory_space<hbm>>) target_semaphore(%run_scoped3A : memref<!tpu.dma_semaphore, #tpu.memory_space<semaphore_mem>>)
      %dma_wait3A = arith.constant 0 : i32
      %dma_wait3A_14 = tpu.memref_slice %arg6[%mul3A_10, %dma_wait3A] : memref<51200x16xf32, #tpu.memory_space<hbm>> -> memref<3200x16xf32, #tpu.memory_space<hbm>>
      %dma_wait3A_15 = arith.constant 0 : i32
      %dma_wait3A_16 = tpu.memref_slice %arg12[%mul3A_8, %dma_wait3A_15] : memref<51200x16xf32, #tpu.memory_space<vmem_shared>> -> memref<3200x16xf32, #tpu.memory_space<vmem_shared>>
      tpu.wait_dma2 semaphore(%run_scoped3A : memref<!tpu.dma_semaphore, #tpu.memory_space<semaphore_mem>>) src(%dma_wait3A_16 : memref<3200x16xf32, #tpu.memory_space<vmem_shared>>) dst(%dma_wait3A_14 : memref<3200x16xf32, #tpu.memory_space<hbm>>)
      tpu.yield
    }) : () -> ()
    return
  }
}

#map = affine_map<(d0, d1) -> (0, 0)>
#map1 = affine_map<(d0, d1) -> (0, 0, 0)>
module attributes {stable_mosaic.version = 14 : i64} {
  func.func @body(%arg0: i32, %arg1: i32, %arg2: memref<51200x16xf32, #tpu.memory_space<hbm>>, %arg3: memref<16x98x512xi32, #tpu.memory_space<hbm>>, %arg4: memref<16x98x512xi32, #tpu.memory_space<hbm>>, %arg5: memref<3200x16xf32, #tpu.memory_space<hbm>>, %arg6: memref<51200x16xf32, #tpu.memory_space<hbm>>, %arg7: memref<14x512xi32, #tpu.memory_space<vmem>>, %arg8: memref<14x512xi32, #tpu.memory_space<vmem>>, %arg9: memref<6x512x16xf32, #tpu.memory_space<vmem>>, %arg10: memref<!tpu.dma_semaphore, #tpu.memory_space<semaphore_mem>>, %arg11: memref<!tpu.dma_semaphore, #tpu.memory_space<semaphore_mem>>, %arg12: memref<51200x16xf32, #tpu.memory_space<vmem_shared>>) attributes {dimension_semantics = [#tpu.dimension_semantics<core_parallel>, #tpu.dimension_semantics<subcore_parallel>], iteration_bounds = array<i64: 1, 16>, scalar_prefetch = 0 : i64, scratch_operands = 6 : i64, tpu.core_type = #tpu.core_type<sc_vector_subcore>, window_params = [{transform_indices = #map}, {transform_indices = #map1}, {transform_indices = #map1}, {transform_indices = #map}, {transform_indices = #map}]} {
    %mul3A = arith.constant 3200 : i32
    %mul3A_0 = arith.muli %arg1, %mul3A : i32
    "tpu.region"() ({
      %run_scoped3A = tpu.sem_alloc : memref<!tpu.dma_semaphore, #tpu.memory_space<semaphore_mem>>
      %dma_start3A = arith.constant 0 : i32
      %dma_start3A_11 = tpu.memref_slice %arg12[%mul3A_0, %dma_start3A] : memref<51200x16xf32, #tpu.memory_space<vmem_shared>> -> memref<3200x16xf32, #tpu.memory_space<vmem_shared>>
      tpu.enqueue_dma source(%arg5 : memref<3200x16xf32, #tpu.memory_space<hbm>>) target(%dma_start3A_11 : memref<3200x16xf32, #tpu.memory_space<vmem_shared>>) target_semaphore(%run_scoped3A : memref<!tpu.dma_semaphore, #tpu.memory_space<semaphore_mem>>)
      %dma_wait3A = arith.constant 0 : i32
      %dma_wait3A_12 = tpu.memref_slice %arg12[%mul3A_0, %dma_wait3A] : memref<51200x16xf32, #tpu.memory_space<vmem_shared>> -> memref<3200x16xf32, #tpu.memory_space<vmem_shared>>
      tpu.wait_dma2 semaphore(%run_scoped3A : memref<!tpu.dma_semaphore, #tpu.memory_space<semaphore_mem>>) src(%arg5 : memref<3200x16xf32, #tpu.memory_space<hbm>>) dst(%dma_wait3A_12 : memref<3200x16xf32, #tpu.memory_space<vmem_shared>>)
      tpu.yield
    }) : () -> ()
    %barrier3A = arith.constant 0 : index
    tpu.barrier barrier_id(%barrier3A)
    %scan3A = arith.constant 0 : i32
    %scan3A_1 = arith.constant 0 : i32
    %scan3A_2 = arith.constant 7 : i32
    %scan3A_3 = arith.addi %scan3A_1, %scan3A_2 : i32
    %scan3A_4 = arith.constant 1 : i32
    scf.for %scan3A_11 = %scan3A_1 to %scan3A_3 step %scan3A_4  : i32 {
      %mul3A_12 = arith.constant 14 : i32
      %mul3A_13 = arith.muli %scan3A_11, %mul3A_12 : i32
      "tpu.region"() ({
        %run_scoped3A = tpu.sem_alloc : memref<!tpu.dma_semaphore, #tpu.memory_space<semaphore_mem>>
        %dma_start3A_92 = arith.constant 0 : i32
        %dma_start3A_93 = tpu.memref_slice %arg3[%arg1, %mul3A_13, %dma_start3A_92] : memref<16x98x512xi32, #tpu.memory_space<hbm>> -> memref<1x14x512xi32, #tpu.memory_space<hbm>>
        %dma_start3A_94 = tpu.memref_squeeze %dma_start3A_93 : memref<1x14x512xi32, #tpu.memory_space<hbm>> -> memref<14x512xi32, #tpu.memory_space<hbm>>
        %dma_start3A_95 = arith.constant 0 : i32
        %dma_start3A_96 = tpu.memref_slice %arg3[%arg1, %mul3A_13, %dma_start3A_95] : memref<16x98x512xi32, #tpu.memory_space<hbm>> -> memref<1x14x512xi32, #tpu.memory_space<hbm>>
        %dma_start3A_97 = tpu.memref_squeeze %dma_start3A_96 : memref<1x14x512xi32, #tpu.memory_space<hbm>> -> memref<14x512xi32, #tpu.memory_space<hbm>>
        tpu.enqueue_dma source(%dma_start3A_97 : memref<14x512xi32, #tpu.memory_space<hbm>>) target(%arg7 : memref<14x512xi32, #tpu.memory_space<vmem>>) target_semaphore(%run_scoped3A : memref<!tpu.dma_semaphore, #tpu.memory_space<semaphore_mem>>)
        %dma_wait3A_98 = arith.constant 0 : i32
        %dma_wait3A_99 = tpu.memref_slice %arg3[%arg1, %mul3A_13, %dma_wait3A_98] : memref<16x98x512xi32, #tpu.memory_space<hbm>> -> memref<1x14x512xi32, #tpu.memory_space<hbm>>
        %dma_wait3A_100 = tpu.memref_squeeze %dma_wait3A_99 : memref<1x14x512xi32, #tpu.memory_space<hbm>> -> memref<14x512xi32, #tpu.memory_space<hbm>>
        %dma_wait3A_101 = arith.constant 0 : i32
        %dma_wait3A_102 = tpu.memref_slice %arg3[%arg1, %mul3A_13, %dma_wait3A_101] : memref<16x98x512xi32, #tpu.memory_space<hbm>> -> memref<1x14x512xi32, #tpu.memory_space<hbm>>
        %dma_wait3A_103 = tpu.memref_squeeze %dma_wait3A_102 : memref<1x14x512xi32, #tpu.memory_space<hbm>> -> memref<14x512xi32, #tpu.memory_space<hbm>>
        tpu.wait_dma2 semaphore(%run_scoped3A : memref<!tpu.dma_semaphore, #tpu.memory_space<semaphore_mem>>) src(%dma_wait3A_103 : memref<14x512xi32, #tpu.memory_space<hbm>>) dst(%arg7 : memref<14x512xi32, #tpu.memory_space<vmem>>)
        tpu.yield
      }) : () -> ()
      %mul3A_14 = arith.constant 14 : i32
      %mul3A_15 = arith.muli %scan3A_11, %mul3A_14 : i32
      "tpu.region"() ({
        %run_scoped3A = tpu.sem_alloc : memref<!tpu.dma_semaphore, #tpu.memory_space<semaphore_mem>>
        %dma_start3A_92 = arith.constant 0 : i32
        %dma_start3A_93 = tpu.memref_slice %arg4[%arg1, %mul3A_15, %dma_start3A_92] : memref<16x98x512xi32, #tpu.memory_space<hbm>> -> memref<1x14x512xi32, #tpu.memory_space<hbm>>
        %dma_start3A_94 = tpu.memref_squeeze %dma_start3A_93 : memref<1x14x512xi32, #tpu.memory_space<hbm>> -> memref<14x512xi32, #tpu.memory_space<hbm>>
        %dma_start3A_95 = arith.constant 0 : i32
        %dma_start3A_96 = tpu.memref_slice %arg4[%arg1, %mul3A_15, %dma_start3A_95] : memref<16x98x512xi32, #tpu.memory_space<hbm>> -> memref<1x14x512xi32, #tpu.memory_space<hbm>>
        %dma_start3A_97 = tpu.memref_squeeze %dma_start3A_96 : memref<1x14x512xi32, #tpu.memory_space<hbm>> -> memref<14x512xi32, #tpu.memory_space<hbm>>
        tpu.enqueue_dma source(%dma_start3A_97 : memref<14x512xi32, #tpu.memory_space<hbm>>) target(%arg8 : memref<14x512xi32, #tpu.memory_space<vmem>>) target_semaphore(%run_scoped3A : memref<!tpu.dma_semaphore, #tpu.memory_space<semaphore_mem>>)
        %dma_wait3A_98 = arith.constant 0 : i32
        %dma_wait3A_99 = tpu.memref_slice %arg4[%arg1, %mul3A_15, %dma_wait3A_98] : memref<16x98x512xi32, #tpu.memory_space<hbm>> -> memref<1x14x512xi32, #tpu.memory_space<hbm>>
        %dma_wait3A_100 = tpu.memref_squeeze %dma_wait3A_99 : memref<1x14x512xi32, #tpu.memory_space<hbm>> -> memref<14x512xi32, #tpu.memory_space<hbm>>
        %dma_wait3A_101 = arith.constant 0 : i32
        %dma_wait3A_102 = tpu.memref_slice %arg4[%arg1, %mul3A_15, %dma_wait3A_101] : memref<16x98x512xi32, #tpu.memory_space<hbm>> -> memref<1x14x512xi32, #tpu.memory_space<hbm>>
        %dma_wait3A_103 = tpu.memref_squeeze %dma_wait3A_102 : memref<1x14x512xi32, #tpu.memory_space<hbm>> -> memref<14x512xi32, #tpu.memory_space<hbm>>
        tpu.wait_dma2 semaphore(%run_scoped3A : memref<!tpu.dma_semaphore, #tpu.memory_space<semaphore_mem>>) src(%dma_wait3A_103 : memref<14x512xi32, #tpu.memory_space<hbm>>) dst(%arg8 : memref<14x512xi32, #tpu.memory_space<vmem>>)
        tpu.yield
      }) : () -> ()
      %dma_start3A = arith.constant 0 : i32
      %dma_start3A_16 = arith.constant 0 : i32
      %dma_start3A_17 = arith.constant 0 : i32
      %dma_start3A_18 = arith.constant 0 : i32
      %dma_start3A_19 = tpu.memref_slice %arg9[%dma_start3A_16, %dma_start3A_17, %dma_start3A_18] : memref<6x512x16xf32, #tpu.memory_space<vmem>> -> memref<1x512x16xf32, #tpu.memory_space<vmem>>
      %dma_start3A_20 = tpu.memref_squeeze %dma_start3A_19 : memref<1x512x16xf32, #tpu.memory_space<vmem>> -> memref<512x16xf32, #tpu.memory_space<vmem>>
      %dma_start3A_21 = arith.constant 0 : i32
      %dma_start3A_22 = tpu.memref_slice %arg7[%dma_start3A, %dma_start3A_21] : memref<14x512xi32, #tpu.memory_space<vmem>> -> memref<1x512xi32, #tpu.memory_space<vmem>>
      %dma_start3A_23 = tpu.memref_squeeze %dma_start3A_22 : memref<1x512xi32, #tpu.memory_space<vmem>> -> memref<512xi32, #tpu.memory_space<vmem>>
      %dma_start3A_24 = arith.constant 0 : i32
      %dma_start3A_25 = arith.constant 0 : i32
      %dma_start3A_26 = tpu.memref_slice %arg2[%dma_start3A_24, %dma_start3A_25] : memref<51200x16xf32, #tpu.memory_space<hbm>> -> memref<51200x16xf32, #tpu.memory_space<hbm>>
      tpu.enqueue_indirect_dma source(%dma_start3A_26 : memref<51200x16xf32, #tpu.memory_space<hbm>>) target(%dma_start3A_20 : memref<512x16xf32, #tpu.memory_space<vmem>>) offsets(%dma_start3A_23 : memref<512xi32, #tpu.memory_space<vmem>>) semaphore(%arg10 : memref<!tpu.dma_semaphore, #tpu.memory_space<semaphore_mem>>)
      %dma_start3A_27 = arith.constant 1 : i32
      %dma_start3A_28 = arith.constant 1 : i32
      %dma_start3A_29 = arith.constant 0 : i32
      %dma_start3A_30 = arith.constant 0 : i32
      %dma_start3A_31 = tpu.memref_slice %arg9[%dma_start3A_28, %dma_start3A_29, %dma_start3A_30] : memref<6x512x16xf32, #tpu.memory_space<vmem>> -> memref<1x512x16xf32, #tpu.memory_space<vmem>>
      %dma_start3A_32 = tpu.memref_squeeze %dma_start3A_31 : memref<1x512x16xf32, #tpu.memory_space<vmem>> -> memref<512x16xf32, #tpu.memory_space<vmem>>
      %dma_start3A_33 = arith.constant 0 : i32
      %dma_start3A_34 = tpu.memref_slice %arg7[%dma_start3A_27, %dma_start3A_33] : memref<14x512xi32, #tpu.memory_space<vmem>> -> memref<1x512xi32, #tpu.memory_space<vmem>>
      %dma_start3A_35 = tpu.memref_squeeze %dma_start3A_34 : memref<1x512xi32, #tpu.memory_space<vmem>> -> memref<512xi32, #tpu.memory_space<vmem>>
      %dma_start3A_36 = arith.constant 0 : i32
      %dma_start3A_37 = arith.constant 0 : i32
      %dma_start3A_38 = tpu.memref_slice %arg2[%dma_start3A_36, %dma_start3A_37] : memref<51200x16xf32, #tpu.memory_space<hbm>> -> memref<51200x16xf32, #tpu.memory_space<hbm>>
      tpu.enqueue_indirect_dma source(%dma_start3A_38 : memref<51200x16xf32, #tpu.memory_space<hbm>>) target(%dma_start3A_32 : memref<512x16xf32, #tpu.memory_space<vmem>>) offsets(%dma_start3A_35 : memref<512xi32, #tpu.memory_space<vmem>>) semaphore(%arg10 : memref<!tpu.dma_semaphore, #tpu.memory_space<semaphore_mem>>)
      %dma_start3A_39 = arith.constant 2 : i32
      %dma_start3A_40 = arith.constant 2 : i32
      %dma_start3A_41 = arith.constant 0 : i32
      %dma_start3A_42 = arith.constant 0 : i32
      %dma_start3A_43 = tpu.memref_slice %arg9[%dma_start3A_40, %dma_start3A_41, %dma_start3A_42] : memref<6x512x16xf32, #tpu.memory_space<vmem>> -> memref<1x512x16xf32, #tpu.memory_space<vmem>>
      %dma_start3A_44 = tpu.memref_squeeze %dma_start3A_43 : memref<1x512x16xf32, #tpu.memory_space<vmem>> -> memref<512x16xf32, #tpu.memory_space<vmem>>
      %dma_start3A_45 = arith.constant 0 : i32
      %dma_start3A_46 = tpu.memref_slice %arg7[%dma_start3A_39, %dma_start3A_45] : memref<14x512xi32, #tpu.memory_space<vmem>> -> memref<1x512xi32, #tpu.memory_space<vmem>>
      %dma_start3A_47 = tpu.memref_squeeze %dma_start3A_46 : memref<1x512xi32, #tpu.memory_space<vmem>> -> memref<512xi32, #tpu.memory_space<vmem>>
      %dma_start3A_48 = arith.constant 0 : i32
      %dma_start3A_49 = arith.constant 0 : i32
      %dma_start3A_50 = tpu.memref_slice %arg2[%dma_start3A_48, %dma_start3A_49] : memref<51200x16xf32, #tpu.memory_space<hbm>> -> memref<51200x16xf32, #tpu.memory_space<hbm>>
      tpu.enqueue_indirect_dma source(%dma_start3A_50 : memref<51200x16xf32, #tpu.memory_space<hbm>>) target(%dma_start3A_44 : memref<512x16xf32, #tpu.memory_space<vmem>>) offsets(%dma_start3A_47 : memref<512xi32, #tpu.memory_space<vmem>>) semaphore(%arg10 : memref<!tpu.dma_semaphore, #tpu.memory_space<semaphore_mem>>)
      %dma_start3A_51 = arith.constant 3 : i32
      %dma_start3A_52 = arith.constant 3 : i32
      %dma_start3A_53 = arith.constant 0 : i32
      %dma_start3A_54 = arith.constant 0 : i32
      %dma_start3A_55 = tpu.memref_slice %arg9[%dma_start3A_52, %dma_start3A_53, %dma_start3A_54] : memref<6x512x16xf32, #tpu.memory_space<vmem>> -> memref<1x512x16xf32, #tpu.memory_space<vmem>>
      %dma_start3A_56 = tpu.memref_squeeze %dma_start3A_55 : memref<1x512x16xf32, #tpu.memory_space<vmem>> -> memref<512x16xf32, #tpu.memory_space<vmem>>
      %dma_start3A_57 = arith.constant 0 : i32
      %dma_start3A_58 = tpu.memref_slice %arg7[%dma_start3A_51, %dma_start3A_57] : memref<14x512xi32, #tpu.memory_space<vmem>> -> memref<1x512xi32, #tpu.memory_space<vmem>>
      %dma_start3A_59 = tpu.memref_squeeze %dma_start3A_58 : memref<1x512xi32, #tpu.memory_space<vmem>> -> memref<512xi32, #tpu.memory_space<vmem>>
      %dma_start3A_60 = arith.constant 0 : i32
      %dma_start3A_61 = arith.constant 0 : i32
      %dma_start3A_62 = tpu.memref_slice %arg2[%dma_start3A_60, %dma_start3A_61] : memref<51200x16xf32, #tpu.memory_space<hbm>> -> memref<51200x16xf32, #tpu.memory_space<hbm>>
      tpu.enqueue_indirect_dma source(%dma_start3A_62 : memref<51200x16xf32, #tpu.memory_space<hbm>>) target(%dma_start3A_56 : memref<512x16xf32, #tpu.memory_space<vmem>>) offsets(%dma_start3A_59 : memref<512xi32, #tpu.memory_space<vmem>>) semaphore(%arg10 : memref<!tpu.dma_semaphore, #tpu.memory_space<semaphore_mem>>)
      %dma_start3A_63 = arith.constant 4 : i32
      %dma_start3A_64 = arith.constant 4 : i32
      %dma_start3A_65 = arith.constant 0 : i32
      %dma_start3A_66 = arith.constant 0 : i32
      %dma_start3A_67 = tpu.memref_slice %arg9[%dma_start3A_64, %dma_start3A_65, %dma_start3A_66] : memref<6x512x16xf32, #tpu.memory_space<vmem>> -> memref<1x512x16xf32, #tpu.memory_space<vmem>>
      %dma_start3A_68 = tpu.memref_squeeze %dma_start3A_67 : memref<1x512x16xf32, #tpu.memory_space<vmem>> -> memref<512x16xf32, #tpu.memory_space<vmem>>
      %dma_start3A_69 = arith.constant 0 : i32
      %dma_start3A_70 = tpu.memref_slice %arg7[%dma_start3A_63, %dma_start3A_69] : memref<14x512xi32, #tpu.memory_space<vmem>> -> memref<1x512xi32, #tpu.memory_space<vmem>>
      %dma_start3A_71 = tpu.memref_squeeze %dma_start3A_70 : memref<1x512xi32, #tpu.memory_space<vmem>> -> memref<512xi32, #tpu.memory_space<vmem>>
      %dma_start3A_72 = arith.constant 0 : i32
      %dma_start3A_73 = arith.constant 0 : i32
      %dma_start3A_74 = tpu.memref_slice %arg2[%dma_start3A_72, %dma_start3A_73] : memref<51200x16xf32, #tpu.memory_space<hbm>> -> memref<51200x16xf32, #tpu.memory_space<hbm>>
      tpu.enqueue_indirect_dma source(%dma_start3A_74 : memref<51200x16xf32, #tpu.memory_space<hbm>>) target(%dma_start3A_68 : memref<512x16xf32, #tpu.memory_space<vmem>>) offsets(%dma_start3A_71 : memref<512xi32, #tpu.memory_space<vmem>>) semaphore(%arg10 : memref<!tpu.dma_semaphore, #tpu.memory_space<semaphore_mem>>)
      %scan3A_75 = arith.constant 0 : i32
      %scan3A_76 = arith.constant 0 : i32
      %scan3A_77 = arith.constant 14 : i32
      %scan3A_78 = arith.addi %scan3A_76, %scan3A_77 : i32
      %scan3A_79 = arith.constant 1 : i32
      scf.for %scan3A_92 = %scan3A_76 to %scan3A_78 step %scan3A_79  : i32 {
        %ge3A = arith.constant 1 : i32
        %ge3A_93 = arith.cmpi sge, %scan3A_92, %ge3A : i32
        %convert_element_type3A = arith.extui %ge3A_93 : i1 to i32
        %cond3A = arith.constant 0 : i32
        %cond3A_94 = arith.cmpi ne, %convert_element_type3A, %cond3A : i32
        scf.if %cond3A_94 {
          %dma_wait3A_146 = arith.constant 0 : i32
          %dma_wait3A_147 = arith.constant 0 : i32
          %dma_wait3A_148 = arith.constant 0 : i32
          %dma_wait3A_149 = arith.constant 0 : i32
          %dma_wait3A_150 = tpu.memref_slice %arg9[%dma_wait3A_146, %dma_wait3A_148, %dma_wait3A_149] : memref<6x512x16xf32, #tpu.memory_space<vmem>> -> memref<1x512x16xf32, #tpu.memory_space<vmem>>
          %dma_wait3A_151 = tpu.memref_squeeze %dma_wait3A_150 : memref<1x512x16xf32, #tpu.memory_space<vmem>> -> memref<512x16xf32, #tpu.memory_space<vmem>>
          %dma_wait3A_152 = arith.constant 0 : i32
          %dma_wait3A_153 = tpu.memref_slice %arg8[%dma_wait3A_147, %dma_wait3A_152] : memref<14x512xi32, #tpu.memory_space<vmem>> -> memref<1x512xi32, #tpu.memory_space<vmem>>
          %dma_wait3A_154 = tpu.memref_squeeze %dma_wait3A_153 : memref<1x512xi32, #tpu.memory_space<vmem>> -> memref<512xi32, #tpu.memory_space<vmem>>
          %dma_wait3A_155 = arith.constant 0 : i32
          %dma_wait3A_156 = arith.constant 0 : i32
          %dma_wait3A_157 = tpu.memref_slice %arg12[%dma_wait3A_155, %dma_wait3A_156] : memref<51200x16xf32, #tpu.memory_space<vmem_shared>> -> memref<51200x16xf32, #tpu.memory_space<vmem_shared>>
          tpu.wait_indirect_dma semaphore(%arg11 : memref<!tpu.dma_semaphore, #tpu.memory_space<semaphore_mem>>) src(%dma_wait3A_151 : memref<512x16xf32, #tpu.memory_space<vmem>>) dst(%dma_wait3A_157 : memref<51200x16xf32, #tpu.memory_space<vmem_shared>>)
        } else {
        }
        %jit3A = arith.constant 6 : i32
        %eq3A = arith.constant 0 : i32
        %eq3A_95 = arith.cmpi eq, %jit3A, %eq3A : i32
        %jit3A_96 = arith.constant 1 : i32
        %select_n3A = arith.select %eq3A_95, %jit3A_96, %jit3A : i32
        %rem3A = arith.remsi %scan3A_92, %select_n3A : i32
        %ne3A = arith.constant 0 : i32
        %ne3A_97 = arith.cmpi ne, %rem3A, %ne3A : i32
        %lt3A = arith.constant 0 : i32
        %lt3A_98 = arith.cmpi slt, %rem3A, %lt3A : i32
        %lt3A_99 = arith.constant 0 : i32
        %lt3A_100 = arith.cmpi slt, %select_n3A, %lt3A_99 : i32
        %ne3A_101 = arith.xori %lt3A_98, %lt3A_100 : i1
        %and3A = arith.andi %ne3A_101, %ne3A_97 : i1
        %add3A = arith.addi %rem3A, %select_n3A : i32
        %select_n3A_102 = arith.select %and3A, %add3A, %rem3A : i32
        %dma_wait3A_103 = arith.constant 0 : i32
        %dma_wait3A_104 = arith.constant 0 : i32
        %dma_wait3A_105 = tpu.memref_slice %arg9[%select_n3A_102, %dma_wait3A_103, %dma_wait3A_104] : memref<6x512x16xf32, #tpu.memory_space<vmem>> -> memref<1x512x16xf32, #tpu.memory_space<vmem>>
        %dma_wait3A_106 = tpu.memref_squeeze %dma_wait3A_105 : memref<1x512x16xf32, #tpu.memory_space<vmem>> -> memref<512x16xf32, #tpu.memory_space<vmem>>
        %dma_wait3A_107 = arith.constant 0 : i32
        %dma_wait3A_108 = tpu.memref_slice %arg7[%scan3A_92, %dma_wait3A_107] : memref<14x512xi32, #tpu.memory_space<vmem>> -> memref<1x512xi32, #tpu.memory_space<vmem>>
        %dma_wait3A_109 = tpu.memref_squeeze %dma_wait3A_108 : memref<1x512xi32, #tpu.memory_space<vmem>> -> memref<512xi32, #tpu.memory_space<vmem>>
        %dma_wait3A_110 = arith.constant 0 : i32
        %dma_wait3A_111 = arith.constant 0 : i32
        %dma_wait3A_112 = tpu.memref_slice %arg2[%dma_wait3A_110, %dma_wait3A_111] : memref<51200x16xf32, #tpu.memory_space<hbm>> -> memref<51200x16xf32, #tpu.memory_space<hbm>>
        tpu.wait_indirect_dma semaphore(%arg10 : memref<!tpu.dma_semaphore, #tpu.memory_space<semaphore_mem>>) src(%dma_wait3A_112 : memref<51200x16xf32, #tpu.memory_space<hbm>>) dst(%dma_wait3A_106 : memref<512x16xf32, #tpu.memory_space<vmem>>)
        %jit3A_113 = arith.constant 6 : i32
        %eq3A_114 = arith.constant 0 : i32
        %eq3A_115 = arith.cmpi eq, %jit3A_113, %eq3A_114 : i32
        %jit3A_116 = arith.constant 1 : i32
        %select_n3A_117 = arith.select %eq3A_115, %jit3A_116, %jit3A_113 : i32
        %rem3A_118 = arith.remsi %scan3A_92, %select_n3A_117 : i32
        %ne3A_119 = arith.constant 0 : i32
        %ne3A_120 = arith.cmpi ne, %rem3A_118, %ne3A_119 : i32
        %lt3A_121 = arith.constant 0 : i32
        %lt3A_122 = arith.cmpi slt, %rem3A_118, %lt3A_121 : i32
        %lt3A_123 = arith.constant 0 : i32
        %lt3A_124 = arith.cmpi slt, %select_n3A_117, %lt3A_123 : i32
        %ne3A_125 = arith.xori %lt3A_122, %lt3A_124 : i1
        %and3A_126 = arith.andi %ne3A_125, %ne3A_120 : i1
        %add3A_127 = arith.addi %rem3A_118, %select_n3A_117 : i32
        %select_n3A_128 = arith.select %and3A_126, %add3A_127, %rem3A_118 : i32
        %dma_start3A_129 = arith.constant 0 : i32
        %dma_start3A_130 = arith.constant 0 : i32
        %dma_start3A_131 = tpu.memref_slice %arg9[%select_n3A_128, %dma_start3A_129, %dma_start3A_130] : memref<6x512x16xf32, #tpu.memory_space<vmem>> -> memref<1x512x16xf32, #tpu.memory_space<vmem>>
        %dma_start3A_132 = tpu.memref_squeeze %dma_start3A_131 : memref<1x512x16xf32, #tpu.memory_space<vmem>> -> memref<512x16xf32, #tpu.memory_space<vmem>>
        %dma_start3A_133 = arith.constant 0 : i32
        %dma_start3A_134 = tpu.memref_slice %arg8[%scan3A_92, %dma_start3A_133] : memref<14x512xi32, #tpu.memory_space<vmem>> -> memref<1x512xi32, #tpu.memory_space<vmem>>
        %dma_start3A_135 = tpu.memref_squeeze %dma_start3A_134 : memref<1x512xi32, #tpu.memory_space<vmem>> -> memref<512xi32, #tpu.memory_space<vmem>>
        %dma_start3A_136 = arith.constant 0 : i32
        %dma_start3A_137 = arith.constant 0 : i32
        %dma_start3A_138 = tpu.memref_slice %arg12[%dma_start3A_136, %dma_start3A_137] : memref<51200x16xf32, #tpu.memory_space<vmem_shared>> -> memref<51200x16xf32, #tpu.memory_space<vmem_shared>>
        tpu.enqueue_indirect_dma source(%dma_start3A_132 : memref<512x16xf32, #tpu.memory_space<vmem>>) target(%dma_start3A_138 : memref<51200x16xf32, #tpu.memory_space<vmem_shared>>) offsets(%dma_start3A_135 : memref<512xi32, #tpu.memory_space<vmem>>) semaphore(%arg11 : memref<!tpu.dma_semaphore, #tpu.memory_space<semaphore_mem>>) {add = true}
        %add3A_139 = arith.constant 5 : i32
        %add3A_140 = arith.addi %scan3A_92, %add3A_139 : i32
        %lt3A_141 = arith.constant 14 : i32
        %lt3A_142 = arith.cmpi slt, %add3A_140, %lt3A_141 : i32
        %convert_element_type3A_143 = arith.extui %lt3A_142 : i1 to i32
        %cond3A_144 = arith.constant 0 : i32
        %cond3A_145 = arith.cmpi ne, %convert_element_type3A_143, %cond3A_144 : i32
        scf.if %cond3A_145 {
          %add3A_146 = arith.constant 5 : i32
          %add3A_147 = arith.addi %scan3A_92, %add3A_146 : i32
          %add3A_148 = arith.constant 5 : i32
          %add3A_149 = arith.addi %scan3A_92, %add3A_148 : i32
          %jit3A_150 = arith.constant 6 : i32
          %eq3A_151 = arith.constant 0 : i32
          %eq3A_152 = arith.cmpi eq, %jit3A_150, %eq3A_151 : i32
          %jit3A_153 = arith.constant 1 : i32
          %select_n3A_154 = arith.select %eq3A_152, %jit3A_153, %jit3A_150 : i32
          %rem3A_155 = arith.remsi %add3A_149, %select_n3A_154 : i32
          %ne3A_156 = arith.constant 0 : i32
          %ne3A_157 = arith.cmpi ne, %rem3A_155, %ne3A_156 : i32
          %lt3A_158 = arith.constant 0 : i32
          %lt3A_159 = arith.cmpi slt, %rem3A_155, %lt3A_158 : i32
          %lt3A_160 = arith.constant 0 : i32
          %lt3A_161 = arith.cmpi slt, %select_n3A_154, %lt3A_160 : i32
          %ne3A_162 = arith.xori %lt3A_159, %lt3A_161 : i1
          %and3A_163 = arith.andi %ne3A_162, %ne3A_157 : i1
          %add3A_164 = arith.addi %rem3A_155, %select_n3A_154 : i32
          %select_n3A_165 = arith.select %and3A_163, %add3A_164, %rem3A_155 : i32
          %dma_start3A_166 = arith.constant 0 : i32
          %dma_start3A_167 = arith.constant 0 : i32
          %dma_start3A_168 = tpu.memref_slice %arg9[%select_n3A_165, %dma_start3A_166, %dma_start3A_167] : memref<6x512x16xf32, #tpu.memory_space<vmem>> -> memref<1x512x16xf32, #tpu.memory_space<vmem>>
          %dma_start3A_169 = tpu.memref_squeeze %dma_start3A_168 : memref<1x512x16xf32, #tpu.memory_space<vmem>> -> memref<512x16xf32, #tpu.memory_space<vmem>>
          %dma_start3A_170 = arith.constant 0 : i32
          %dma_start3A_171 = tpu.memref_slice %arg7[%add3A_147, %dma_start3A_170] : memref<14x512xi32, #tpu.memory_space<vmem>> -> memref<1x512xi32, #tpu.memory_space<vmem>>
          %dma_start3A_172 = tpu.memref_squeeze %dma_start3A_171 : memref<1x512xi32, #tpu.memory_space<vmem>> -> memref<512xi32, #tpu.memory_space<vmem>>
          %dma_start3A_173 = arith.constant 0 : i32
          %dma_start3A_174 = arith.constant 0 : i32
          %dma_start3A_175 = tpu.memref_slice %arg2[%dma_start3A_173, %dma_start3A_174] : memref<51200x16xf32, #tpu.memory_space<hbm>> -> memref<51200x16xf32, #tpu.memory_space<hbm>>
          tpu.enqueue_indirect_dma source(%dma_start3A_175 : memref<51200x16xf32, #tpu.memory_space<hbm>>) target(%dma_start3A_169 : memref<512x16xf32, #tpu.memory_space<vmem>>) offsets(%dma_start3A_172 : memref<512xi32, #tpu.memory_space<vmem>>) semaphore(%arg10 : memref<!tpu.dma_semaphore, #tpu.memory_space<semaphore_mem>>)
        } else {
        }
      }
      %scan3A_80 = arith.constant 14 : i32
      %dma_wait3A = arith.constant 0 : i32
      %dma_wait3A_81 = arith.constant 0 : i32
      %dma_wait3A_82 = arith.constant 0 : i32
      %dma_wait3A_83 = arith.constant 0 : i32
      %dma_wait3A_84 = tpu.memref_slice %arg9[%dma_wait3A, %dma_wait3A_82, %dma_wait3A_83] : memref<6x512x16xf32, #tpu.memory_space<vmem>> -> memref<1x512x16xf32, #tpu.memory_space<vmem>>
      %dma_wait3A_85 = tpu.memref_squeeze %dma_wait3A_84 : memref<1x512x16xf32, #tpu.memory_space<vmem>> -> memref<512x16xf32, #tpu.memory_space<vmem>>
      %dma_wait3A_86 = arith.constant 0 : i32
      %dma_wait3A_87 = tpu.memref_slice %arg8[%dma_wait3A_81, %dma_wait3A_86] : memref<14x512xi32, #tpu.memory_space<vmem>> -> memref<1x512xi32, #tpu.memory_space<vmem>>
      %dma_wait3A_88 = tpu.memref_squeeze %dma_wait3A_87 : memref<1x512xi32, #tpu.memory_space<vmem>> -> memref<512xi32, #tpu.memory_space<vmem>>
      %dma_wait3A_89 = arith.constant 0 : i32
      %dma_wait3A_90 = arith.constant 0 : i32
      %dma_wait3A_91 = tpu.memref_slice %arg12[%dma_wait3A_89, %dma_wait3A_90] : memref<51200x16xf32, #tpu.memory_space<vmem_shared>> -> memref<51200x16xf32, #tpu.memory_space<vmem_shared>>
      tpu.wait_indirect_dma semaphore(%arg11 : memref<!tpu.dma_semaphore, #tpu.memory_space<semaphore_mem>>) src(%dma_wait3A_85 : memref<512x16xf32, #tpu.memory_space<vmem>>) dst(%dma_wait3A_91 : memref<51200x16xf32, #tpu.memory_space<vmem_shared>>)
    }
    %scan3A_5 = arith.constant 7 : i32
    %barrier3A_6 = arith.constant 0 : index
    tpu.barrier barrier_id(%barrier3A_6)
    %mul3A_7 = arith.constant 3200 : i32
    %mul3A_8 = arith.muli %arg1, %mul3A_7 : i32
    %mul3A_9 = arith.constant 3200 : i32
    %mul3A_10 = arith.muli %arg1, %mul3A_9 : i32
    "tpu.region"() ({
      %run_scoped3A = tpu.sem_alloc : memref<!tpu.dma_semaphore, #tpu.memory_space<semaphore_mem>>
      %dma_start3A = arith.constant 0 : i32
      %dma_start3A_11 = tpu.memref_slice %arg6[%mul3A_10, %dma_start3A] : memref<51200x16xf32, #tpu.memory_space<hbm>> -> memref<3200x16xf32, #tpu.memory_space<hbm>>
      %dma_start3A_12 = arith.constant 0 : i32
      %dma_start3A_13 = tpu.memref_slice %arg12[%mul3A_8, %dma_start3A_12] : memref<51200x16xf32, #tpu.memory_space<vmem_shared>> -> memref<3200x16xf32, #tpu.memory_space<vmem_shared>>
      tpu.enqueue_dma source(%dma_start3A_13 : memref<3200x16xf32, #tpu.memory_space<vmem_shared>>) target(%dma_start3A_11 : memref<3200x16xf32, #tpu.memory_space<hbm>>) target_semaphore(%run_scoped3A : memref<!tpu.dma_semaphore, #tpu.memory_space<semaphore_mem>>)
      %dma_wait3A = arith.constant 0 : i32
      %dma_wait3A_14 = tpu.memref_slice %arg6[%mul3A_10, %dma_wait3A] : memref<51200x16xf32, #tpu.memory_space<hbm>> -> memref<3200x16xf32, #tpu.memory_space<hbm>>
      %dma_wait3A_15 = arith.constant 0 : i32
      %dma_wait3A_16 = tpu.memref_slice %arg12[%mul3A_8, %dma_wait3A_15] : memref<51200x16xf32, #tpu.memory_space<vmem_shared>> -> memref<3200x16xf32, #tpu.memory_space<vmem_shared>>
      tpu.wait_dma2 semaphore(%run_scoped3A : memref<!tpu.dma_semaphore, #tpu.memory_space<semaphore_mem>>) src(%dma_wait3A_16 : memref<3200x16xf32, #tpu.memory_space<vmem_shared>>) dst(%dma_wait3A_14 : memref<3200x16xf32, #tpu.memory_space<hbm>>)
      tpu.yield
    }) : () -> ()
    return
  }
}

#map = affine_map<(d0, d1) -> (0, 0)>
#map1 = affine_map<(d0, d1) -> (0, 0, 0)>
module attributes {stable_mosaic.version = 14 : i64} {
  func.func @body(%arg0: i32, %arg1: i32, %arg2: memref<51200x16xf32, #tpu.memory_space<hbm>>, %arg3: memref<16x98x512xi32, #tpu.memory_space<hbm>>, %arg4: memref<16x98x512xi32, #tpu.memory_space<hbm>>, %arg5: memref<3200x16xf32, #tpu.memory_space<hbm>>, %arg6: memref<51200x16xf32, #tpu.memory_space<hbm>>, %arg7: memref<14x512xi32, #tpu.memory_space<vmem>>, %arg8: memref<14x512xi32, #tpu.memory_space<vmem>>, %arg9: memref<6x512x16xf32, #tpu.memory_space<vmem>>, %arg10: memref<!tpu.dma_semaphore, #tpu.memory_space<semaphore_mem>>, %arg11: memref<!tpu.dma_semaphore, #tpu.memory_space<semaphore_mem>>, %arg12: memref<51200x16xf32, #tpu.memory_space<vmem_shared>>) attributes {dimension_semantics = [#tpu.dimension_semantics<core_parallel>, #tpu.dimension_semantics<subcore_parallel>], iteration_bounds = array<i64: 1, 16>, scalar_prefetch = 0 : i64, scratch_operands = 6 : i64, tpu.core_type = #tpu.core_type<sc_vector_subcore>, window_params = [{transform_indices = #map}, {transform_indices = #map1}, {transform_indices = #map1}, {transform_indices = #map}, {transform_indices = #map}]} {
    %mul3A = arith.constant 3200 : i32
    %mul3A_0 = arith.muli %arg1, %mul3A : i32
    "tpu.region"() ({
      %run_scoped3A = tpu.sem_alloc : memref<!tpu.dma_semaphore, #tpu.memory_space<semaphore_mem>>
      %dma_start3A = arith.constant 0 : i32
      %dma_start3A_11 = tpu.memref_slice %arg12[%mul3A_0, %dma_start3A] : memref<51200x16xf32, #tpu.memory_space<vmem_shared>> -> memref<3200x16xf32, #tpu.memory_space<vmem_shared>>
      tpu.enqueue_dma source(%arg5 : memref<3200x16xf32, #tpu.memory_space<hbm>>) target(%dma_start3A_11 : memref<3200x16xf32, #tpu.memory_space<vmem_shared>>) target_semaphore(%run_scoped3A : memref<!tpu.dma_semaphore, #tpu.memory_space<semaphore_mem>>)
      %dma_wait3A = arith.constant 0 : i32
      %dma_wait3A_12 = tpu.memref_slice %arg12[%mul3A_0, %dma_wait3A] : memref<51200x16xf32, #tpu.memory_space<vmem_shared>> -> memref<3200x16xf32, #tpu.memory_space<vmem_shared>>
      tpu.wait_dma2 semaphore(%run_scoped3A : memref<!tpu.dma_semaphore, #tpu.memory_space<semaphore_mem>>) src(%arg5 : memref<3200x16xf32, #tpu.memory_space<hbm>>) dst(%dma_wait3A_12 : memref<3200x16xf32, #tpu.memory_space<vmem_shared>>)
      tpu.yield
    }) : () -> ()
    %barrier3A = arith.constant 0 : index
    tpu.barrier barrier_id(%barrier3A)
    %scan3A = arith.constant 0 : i32
    %scan3A_1 = arith.constant 0 : i32
    %scan3A_2 = arith.constant 7 : i32
    %scan3A_3 = arith.addi %scan3A_1, %scan3A_2 : i32
    %scan3A_4 = arith.constant 1 : i32
    scf.for %scan3A_11 = %scan3A_1 to %scan3A_3 step %scan3A_4  : i32 {
      %mul3A_12 = arith.constant 14 : i32
      %mul3A_13 = arith.muli %scan3A_11, %mul3A_12 : i32
      "tpu.region"() ({
        %run_scoped3A = tpu.sem_alloc : memref<!tpu.dma_semaphore, #tpu.memory_space<semaphore_mem>>
        %dma_start3A_92 = arith.constant 0 : i32
        %dma_start3A_93 = tpu.memref_slice %arg3[%arg1, %mul3A_13, %dma_start3A_92] : memref<16x98x512xi32, #tpu.memory_space<hbm>> -> memref<1x14x512xi32, #tpu.memory_space<hbm>>
        %dma_start3A_94 = tpu.memref_squeeze %dma_start3A_93 : memref<1x14x512xi32, #tpu.memory_space<hbm>> -> memref<14x512xi32, #tpu.memory_space<hbm>>
        %dma_start3A_95 = arith.constant 0 : i32
        %dma_start3A_96 = tpu.memref_slice %arg3[%arg1, %mul3A_13, %dma_start3A_95] : memref<16x98x512xi32, #tpu.memory_space<hbm>> -> memref<1x14x512xi32, #tpu.memory_space<hbm>>
        %dma_start3A_97 = tpu.memref_squeeze %dma_start3A_96 : memref<1x14x512xi32, #tpu.memory_space<hbm>> -> memref<14x512xi32, #tpu.memory_space<hbm>>
        tpu.enqueue_dma source(%dma_start3A_97 : memref<14x512xi32, #tpu.memory_space<hbm>>) target(%arg7 : memref<14x512xi32, #tpu.memory_space<vmem>>) target_semaphore(%run_scoped3A : memref<!tpu.dma_semaphore, #tpu.memory_space<semaphore_mem>>)
        %dma_wait3A_98 = arith.constant 0 : i32
        %dma_wait3A_99 = tpu.memref_slice %arg3[%arg1, %mul3A_13, %dma_wait3A_98] : memref<16x98x512xi32, #tpu.memory_space<hbm>> -> memref<1x14x512xi32, #tpu.memory_space<hbm>>
        %dma_wait3A_100 = tpu.memref_squeeze %dma_wait3A_99 : memref<1x14x512xi32, #tpu.memory_space<hbm>> -> memref<14x512xi32, #tpu.memory_space<hbm>>
        %dma_wait3A_101 = arith.constant 0 : i32
        %dma_wait3A_102 = tpu.memref_slice %arg3[%arg1, %mul3A_13, %dma_wait3A_101] : memref<16x98x512xi32, #tpu.memory_space<hbm>> -> memref<1x14x512xi32, #tpu.memory_space<hbm>>
        %dma_wait3A_103 = tpu.memref_squeeze %dma_wait3A_102 : memref<1x14x512xi32, #tpu.memory_space<hbm>> -> memref<14x512xi32, #tpu.memory_space<hbm>>
        tpu.wait_dma2 semaphore(%run_scoped3A : memref<!tpu.dma_semaphore, #tpu.memory_space<semaphore_mem>>) src(%dma_wait3A_103 : memref<14x512xi32, #tpu.memory_space<hbm>>) dst(%arg7 : memref<14x512xi32, #tpu.memory_space<vmem>>)
        tpu.yield
      }) : () -> ()
      %mul3A_14 = arith.constant 14 : i32
      %mul3A_15 = arith.muli %scan3A_11, %mul3A_14 : i32
      "tpu.region"() ({
        %run_scoped3A = tpu.sem_alloc : memref<!tpu.dma_semaphore, #tpu.memory_space<semaphore_mem>>
        %dma_start3A_92 = arith.constant 0 : i32
        %dma_start3A_93 = tpu.memref_slice %arg4[%arg1, %mul3A_15, %dma_start3A_92] : memref<16x98x512xi32, #tpu.memory_space<hbm>> -> memref<1x14x512xi32, #tpu.memory_space<hbm>>
        %dma_start3A_94 = tpu.memref_squeeze %dma_start3A_93 : memref<1x14x512xi32, #tpu.memory_space<hbm>> -> memref<14x512xi32, #tpu.memory_space<hbm>>
        %dma_start3A_95 = arith.constant 0 : i32
        %dma_start3A_96 = tpu.memref_slice %arg4[%arg1, %mul3A_15, %dma_start3A_95] : memref<16x98x512xi32, #tpu.memory_space<hbm>> -> memref<1x14x512xi32, #tpu.memory_space<hbm>>
        %dma_start3A_97 = tpu.memref_squeeze %dma_start3A_96 : memref<1x14x512xi32, #tpu.memory_space<hbm>> -> memref<14x512xi32, #tpu.memory_space<hbm>>
        tpu.enqueue_dma source(%dma_start3A_97 : memref<14x512xi32, #tpu.memory_space<hbm>>) target(%arg8 : memref<14x512xi32, #tpu.memory_space<vmem>>) target_semaphore(%run_scoped3A : memref<!tpu.dma_semaphore, #tpu.memory_space<semaphore_mem>>)
        %dma_wait3A_98 = arith.constant 0 : i32
        %dma_wait3A_99 = tpu.memref_slice %arg4[%arg1, %mul3A_15, %dma_wait3A_98] : memref<16x98x512xi32, #tpu.memory_space<hbm>> -> memref<1x14x512xi32, #tpu.memory_space<hbm>>
        %dma_wait3A_100 = tpu.memref_squeeze %dma_wait3A_99 : memref<1x14x512xi32, #tpu.memory_space<hbm>> -> memref<14x512xi32, #tpu.memory_space<hbm>>
        %dma_wait3A_101 = arith.constant 0 : i32
        %dma_wait3A_102 = tpu.memref_slice %arg4[%arg1, %mul3A_15, %dma_wait3A_101] : memref<16x98x512xi32, #tpu.memory_space<hbm>> -> memref<1x14x512xi32, #tpu.memory_space<hbm>>
        %dma_wait3A_103 = tpu.memref_squeeze %dma_wait3A_102 : memref<1x14x512xi32, #tpu.memory_space<hbm>> -> memref<14x512xi32, #tpu.memory_space<hbm>>
        tpu.wait_dma2 semaphore(%run_scoped3A : memref<!tpu.dma_semaphore, #tpu.memory_space<semaphore_mem>>) src(%dma_wait3A_103 : memref<14x512xi32, #tpu.memory_space<hbm>>) dst(%arg8 : memref<14x512xi32, #tpu.memory_space<vmem>>)
        tpu.yield
      }) : () -> ()
      %dma_start3A = arith.constant 0 : i32
      %dma_start3A_16 = arith.constant 0 : i32
      %dma_start3A_17 = arith.constant 0 : i32
      %dma_start3A_18 = arith.constant 0 : i32
      %dma_start3A_19 = tpu.memref_slice %arg9[%dma_start3A_16, %dma_start3A_17, %dma_start3A_18] : memref<6x512x16xf32, #tpu.memory_space<vmem>> -> memref<1x512x16xf32, #tpu.memory_space<vmem>>
      %dma_start3A_20 = tpu.memref_squeeze %dma_start3A_19 : memref<1x512x16xf32, #tpu.memory_space<vmem>> -> memref<512x16xf32, #tpu.memory_space<vmem>>
      %dma_start3A_21 = arith.constant 0 : i32
      %dma_start3A_22 = tpu.memref_slice %arg7[%dma_start3A, %dma_start3A_21] : memref<14x512xi32, #tpu.memory_space<vmem>> -> memref<1x512xi32, #tpu.memory_space<vmem>>
      %dma_start3A_23 = tpu.memref_squeeze %dma_start3A_22 : memref<1x512xi32, #tpu.memory_space<vmem>> -> memref<512xi32, #tpu.memory_space<vmem>>
      %dma_start3A_24 = arith.constant 0 : i32
      %dma_start3A_25 = arith.constant 0 : i32
      %dma_start3A_26 = tpu.memref_slice %arg2[%dma_start3A_24, %dma_start3A_25] : memref<51200x16xf32, #tpu.memory_space<hbm>> -> memref<51200x16xf32, #tpu.memory_space<hbm>>
      tpu.enqueue_indirect_dma source(%dma_start3A_26 : memref<51200x16xf32, #tpu.memory_space<hbm>>) target(%dma_start3A_20 : memref<512x16xf32, #tpu.memory_space<vmem>>) offsets(%dma_start3A_23 : memref<512xi32, #tpu.memory_space<vmem>>) semaphore(%arg10 : memref<!tpu.dma_semaphore, #tpu.memory_space<semaphore_mem>>)
      %dma_start3A_27 = arith.constant 1 : i32
      %dma_start3A_28 = arith.constant 1 : i32
      %dma_start3A_29 = arith.constant 0 : i32
      %dma_start3A_30 = arith.constant 0 : i32
      %dma_start3A_31 = tpu.memref_slice %arg9[%dma_start3A_28, %dma_start3A_29, %dma_start3A_30] : memref<6x512x16xf32, #tpu.memory_space<vmem>> -> memref<1x512x16xf32, #tpu.memory_space<vmem>>
      %dma_start3A_32 = tpu.memref_squeeze %dma_start3A_31 : memref<1x512x16xf32, #tpu.memory_space<vmem>> -> memref<512x16xf32, #tpu.memory_space<vmem>>
      %dma_start3A_33 = arith.constant 0 : i32
      %dma_start3A_34 = tpu.memref_slice %arg7[%dma_start3A_27, %dma_start3A_33] : memref<14x512xi32, #tpu.memory_space<vmem>> -> memref<1x512xi32, #tpu.memory_space<vmem>>
      %dma_start3A_35 = tpu.memref_squeeze %dma_start3A_34 : memref<1x512xi32, #tpu.memory_space<vmem>> -> memref<512xi32, #tpu.memory_space<vmem>>
      %dma_start3A_36 = arith.constant 0 : i32
      %dma_start3A_37 = arith.constant 0 : i32
      %dma_start3A_38 = tpu.memref_slice %arg2[%dma_start3A_36, %dma_start3A_37] : memref<51200x16xf32, #tpu.memory_space<hbm>> -> memref<51200x16xf32, #tpu.memory_space<hbm>>
      tpu.enqueue_indirect_dma source(%dma_start3A_38 : memref<51200x16xf32, #tpu.memory_space<hbm>>) target(%dma_start3A_32 : memref<512x16xf32, #tpu.memory_space<vmem>>) offsets(%dma_start3A_35 : memref<512xi32, #tpu.memory_space<vmem>>) semaphore(%arg10 : memref<!tpu.dma_semaphore, #tpu.memory_space<semaphore_mem>>)
      %dma_start3A_39 = arith.constant 2 : i32
      %dma_start3A_40 = arith.constant 2 : i32
      %dma_start3A_41 = arith.constant 0 : i32
      %dma_start3A_42 = arith.constant 0 : i32
      %dma_start3A_43 = tpu.memref_slice %arg9[%dma_start3A_40, %dma_start3A_41, %dma_start3A_42] : memref<6x512x16xf32, #tpu.memory_space<vmem>> -> memref<1x512x16xf32, #tpu.memory_space<vmem>>
      %dma_start3A_44 = tpu.memref_squeeze %dma_start3A_43 : memref<1x512x16xf32, #tpu.memory_space<vmem>> -> memref<512x16xf32, #tpu.memory_space<vmem>>
      %dma_start3A_45 = arith.constant 0 : i32
      %dma_start3A_46 = tpu.memref_slice %arg7[%dma_start3A_39, %dma_start3A_45] : memref<14x512xi32, #tpu.memory_space<vmem>> -> memref<1x512xi32, #tpu.memory_space<vmem>>
      %dma_start3A_47 = tpu.memref_squeeze %dma_start3A_46 : memref<1x512xi32, #tpu.memory_space<vmem>> -> memref<512xi32, #tpu.memory_space<vmem>>
      %dma_start3A_48 = arith.constant 0 : i32
      %dma_start3A_49 = arith.constant 0 : i32
      %dma_start3A_50 = tpu.memref_slice %arg2[%dma_start3A_48, %dma_start3A_49] : memref<51200x16xf32, #tpu.memory_space<hbm>> -> memref<51200x16xf32, #tpu.memory_space<hbm>>
      tpu.enqueue_indirect_dma source(%dma_start3A_50 : memref<51200x16xf32, #tpu.memory_space<hbm>>) target(%dma_start3A_44 : memref<512x16xf32, #tpu.memory_space<vmem>>) offsets(%dma_start3A_47 : memref<512xi32, #tpu.memory_space<vmem>>) semaphore(%arg10 : memref<!tpu.dma_semaphore, #tpu.memory_space<semaphore_mem>>)
      %dma_start3A_51 = arith.constant 3 : i32
      %dma_start3A_52 = arith.constant 3 : i32
      %dma_start3A_53 = arith.constant 0 : i32
      %dma_start3A_54 = arith.constant 0 : i32
      %dma_start3A_55 = tpu.memref_slice %arg9[%dma_start3A_52, %dma_start3A_53, %dma_start3A_54] : memref<6x512x16xf32, #tpu.memory_space<vmem>> -> memref<1x512x16xf32, #tpu.memory_space<vmem>>
      %dma_start3A_56 = tpu.memref_squeeze %dma_start3A_55 : memref<1x512x16xf32, #tpu.memory_space<vmem>> -> memref<512x16xf32, #tpu.memory_space<vmem>>
      %dma_start3A_57 = arith.constant 0 : i32
      %dma_start3A_58 = tpu.memref_slice %arg7[%dma_start3A_51, %dma_start3A_57] : memref<14x512xi32, #tpu.memory_space<vmem>> -> memref<1x512xi32, #tpu.memory_space<vmem>>
      %dma_start3A_59 = tpu.memref_squeeze %dma_start3A_58 : memref<1x512xi32, #tpu.memory_space<vmem>> -> memref<512xi32, #tpu.memory_space<vmem>>
      %dma_start3A_60 = arith.constant 0 : i32
      %dma_start3A_61 = arith.constant 0 : i32
      %dma_start3A_62 = tpu.memref_slice %arg2[%dma_start3A_60, %dma_start3A_61] : memref<51200x16xf32, #tpu.memory_space<hbm>> -> memref<51200x16xf32, #tpu.memory_space<hbm>>
      tpu.enqueue_indirect_dma source(%dma_start3A_62 : memref<51200x16xf32, #tpu.memory_space<hbm>>) target(%dma_start3A_56 : memref<512x16xf32, #tpu.memory_space<vmem>>) offsets(%dma_start3A_59 : memref<512xi32, #tpu.memory_space<vmem>>) semaphore(%arg10 : memref<!tpu.dma_semaphore, #tpu.memory_space<semaphore_mem>>)
      %dma_start3A_63 = arith.constant 4 : i32
      %dma_start3A_64 = arith.constant 4 : i32
      %dma_start3A_65 = arith.constant 0 : i32
      %dma_start3A_66 = arith.constant 0 : i32
      %dma_start3A_67 = tpu.memref_slice %arg9[%dma_start3A_64, %dma_start3A_65, %dma_start3A_66] : memref<6x512x16xf32, #tpu.memory_space<vmem>> -> memref<1x512x16xf32, #tpu.memory_space<vmem>>
      %dma_start3A_68 = tpu.memref_squeeze %dma_start3A_67 : memref<1x512x16xf32, #tpu.memory_space<vmem>> -> memref<512x16xf32, #tpu.memory_space<vmem>>
      %dma_start3A_69 = arith.constant 0 : i32
      %dma_start3A_70 = tpu.memref_slice %arg7[%dma_start3A_63, %dma_start3A_69] : memref<14x512xi32, #tpu.memory_space<vmem>> -> memref<1x512xi32, #tpu.memory_space<vmem>>
      %dma_start3A_71 = tpu.memref_squeeze %dma_start3A_70 : memref<1x512xi32, #tpu.memory_space<vmem>> -> memref<512xi32, #tpu.memory_space<vmem>>
      %dma_start3A_72 = arith.constant 0 : i32
      %dma_start3A_73 = arith.constant 0 : i32
      %dma_start3A_74 = tpu.memref_slice %arg2[%dma_start3A_72, %dma_start3A_73] : memref<51200x16xf32, #tpu.memory_space<hbm>> -> memref<51200x16xf32, #tpu.memory_space<hbm>>
      tpu.enqueue_indirect_dma source(%dma_start3A_74 : memref<51200x16xf32, #tpu.memory_space<hbm>>) target(%dma_start3A_68 : memref<512x16xf32, #tpu.memory_space<vmem>>) offsets(%dma_start3A_71 : memref<512xi32, #tpu.memory_space<vmem>>) semaphore(%arg10 : memref<!tpu.dma_semaphore, #tpu.memory_space<semaphore_mem>>)
      %scan3A_75 = arith.constant 0 : i32
      %scan3A_76 = arith.constant 0 : i32
      %scan3A_77 = arith.constant 14 : i32
      %scan3A_78 = arith.addi %scan3A_76, %scan3A_77 : i32
      %scan3A_79 = arith.constant 1 : i32
      scf.for %scan3A_92 = %scan3A_76 to %scan3A_78 step %scan3A_79  : i32 {
        %ge3A = arith.constant 1 : i32
        %ge3A_93 = arith.cmpi sge, %scan3A_92, %ge3A : i32
        %convert_element_type3A = arith.extui %ge3A_93 : i1 to i32
        %cond3A = arith.constant 0 : i32
        %cond3A_94 = arith.cmpi ne, %convert_element_type3A, %cond3A : i32
        scf.if %cond3A_94 {
          %dma_wait3A_146 = arith.constant 0 : i32
          %dma_wait3A_147 = arith.constant 0 : i32
          %dma_wait3A_148 = arith.constant 0 : i32
          %dma_wait3A_149 = arith.constant 0 : i32
          %dma_wait3A_150 = tpu.memref_slice %arg9[%dma_wait3A_146, %dma_wait3A_148, %dma_wait3A_149] : memref<6x512x16xf32, #tpu.memory_space<vmem>> -> memref<1x512x16xf32, #tpu.memory_space<vmem>>
          %dma_wait3A_151 = tpu.memref_squeeze %dma_wait3A_150 : memref<1x512x16xf32, #tpu.memory_space<vmem>> -> memref<512x16xf32, #tpu.memory_space<vmem>>
          %dma_wait3A_152 = arith.constant 0 : i32
          %dma_wait3A_153 = tpu.memref_slice %arg8[%dma_wait3A_147, %dma_wait3A_152] : memref<14x512xi32, #tpu.memory_space<vmem>> -> memref<1x512xi32, #tpu.memory_space<vmem>>
          %dma_wait3A_154 = tpu.memref_squeeze %dma_wait3A_153 : memref<1x512xi32, #tpu.memory_space<vmem>> -> memref<512xi32, #tpu.memory_space<vmem>>
          %dma_wait3A_155 = arith.constant 0 : i32
          %dma_wait3A_156 = arith.constant 0 : i32
          %dma_wait3A_157 = tpu.memref_slice %arg12[%dma_wait3A_155, %dma_wait3A_156] : memref<51200x16xf32, #tpu.memory_space<vmem_shared>> -> memref<51200x16xf32, #tpu.memory_space<vmem_shared>>
          tpu.wait_indirect_dma semaphore(%arg11 : memref<!tpu.dma_semaphore, #tpu.memory_space<semaphore_mem>>) src(%dma_wait3A_151 : memref<512x16xf32, #tpu.memory_space<vmem>>) dst(%dma_wait3A_157 : memref<51200x16xf32, #tpu.memory_space<vmem_shared>>)
        } else {
        }
        %jit3A = arith.constant 6 : i32
        %eq3A = arith.constant 0 : i32
        %eq3A_95 = arith.cmpi eq, %jit3A, %eq3A : i32
        %jit3A_96 = arith.constant 1 : i32
        %select_n3A = arith.select %eq3A_95, %jit3A_96, %jit3A : i32
        %rem3A = arith.remsi %scan3A_92, %select_n3A : i32
        %ne3A = arith.constant 0 : i32
        %ne3A_97 = arith.cmpi ne, %rem3A, %ne3A : i32
        %lt3A = arith.constant 0 : i32
        %lt3A_98 = arith.cmpi slt, %rem3A, %lt3A : i32
        %lt3A_99 = arith.constant 0 : i32
        %lt3A_100 = arith.cmpi slt, %select_n3A, %lt3A_99 : i32
        %ne3A_101 = arith.xori %lt3A_98, %lt3A_100 : i1
        %and3A = arith.andi %ne3A_101, %ne3A_97 : i1
        %add3A = arith.addi %rem3A, %select_n3A : i32
        %select_n3A_102 = arith.select %and3A, %add3A, %rem3A : i32
        %dma_wait3A_103 = arith.constant 0 : i32
        %dma_wait3A_104 = arith.constant 0 : i32
        %dma_wait3A_105 = tpu.memref_slice %arg9[%select_n3A_102, %dma_wait3A_103, %dma_wait3A_104] : memref<6x512x16xf32, #tpu.memory_space<vmem>> -> memref<1x512x16xf32, #tpu.memory_space<vmem>>
        %dma_wait3A_106 = tpu.memref_squeeze %dma_wait3A_105 : memref<1x512x16xf32, #tpu.memory_space<vmem>> -> memref<512x16xf32, #tpu.memory_space<vmem>>
        %dma_wait3A_107 = arith.constant 0 : i32
        %dma_wait3A_108 = tpu.memref_slice %arg7[%scan3A_92, %dma_wait3A_107] : memref<14x512xi32, #tpu.memory_space<vmem>> -> memref<1x512xi32, #tpu.memory_space<vmem>>
        %dma_wait3A_109 = tpu.memref_squeeze %dma_wait3A_108 : memref<1x512xi32, #tpu.memory_space<vmem>> -> memref<512xi32, #tpu.memory_space<vmem>>
        %dma_wait3A_110 = arith.constant 0 : i32
        %dma_wait3A_111 = arith.constant 0 : i32
        %dma_wait3A_112 = tpu.memref_slice %arg2[%dma_wait3A_110, %dma_wait3A_111] : memref<51200x16xf32, #tpu.memory_space<hbm>> -> memref<51200x16xf32, #tpu.memory_space<hbm>>
        tpu.wait_indirect_dma semaphore(%arg10 : memref<!tpu.dma_semaphore, #tpu.memory_space<semaphore_mem>>) src(%dma_wait3A_112 : memref<51200x16xf32, #tpu.memory_space<hbm>>) dst(%dma_wait3A_106 : memref<512x16xf32, #tpu.memory_space<vmem>>)
        %jit3A_113 = arith.constant 6 : i32
        %eq3A_114 = arith.constant 0 : i32
        %eq3A_115 = arith.cmpi eq, %jit3A_113, %eq3A_114 : i32
        %jit3A_116 = arith.constant 1 : i32
        %select_n3A_117 = arith.select %eq3A_115, %jit3A_116, %jit3A_113 : i32
        %rem3A_118 = arith.remsi %scan3A_92, %select_n3A_117 : i32
        %ne3A_119 = arith.constant 0 : i32
        %ne3A_120 = arith.cmpi ne, %rem3A_118, %ne3A_119 : i32
        %lt3A_121 = arith.constant 0 : i32
        %lt3A_122 = arith.cmpi slt, %rem3A_118, %lt3A_121 : i32
        %lt3A_123 = arith.constant 0 : i32
        %lt3A_124 = arith.cmpi slt, %select_n3A_117, %lt3A_123 : i32
        %ne3A_125 = arith.xori %lt3A_122, %lt3A_124 : i1
        %and3A_126 = arith.andi %ne3A_125, %ne3A_120 : i1
        %add3A_127 = arith.addi %rem3A_118, %select_n3A_117 : i32
        %select_n3A_128 = arith.select %and3A_126, %add3A_127, %rem3A_118 : i32
        %dma_start3A_129 = arith.constant 0 : i32
        %dma_start3A_130 = arith.constant 0 : i32
        %dma_start3A_131 = tpu.memref_slice %arg9[%select_n3A_128, %dma_start3A_129, %dma_start3A_130] : memref<6x512x16xf32, #tpu.memory_space<vmem>> -> memref<1x512x16xf32, #tpu.memory_space<vmem>>
        %dma_start3A_132 = tpu.memref_squeeze %dma_start3A_131 : memref<1x512x16xf32, #tpu.memory_space<vmem>> -> memref<512x16xf32, #tpu.memory_space<vmem>>
        %dma_start3A_133 = arith.constant 0 : i32
        %dma_start3A_134 = tpu.memref_slice %arg8[%scan3A_92, %dma_start3A_133] : memref<14x512xi32, #tpu.memory_space<vmem>> -> memref<1x512xi32, #tpu.memory_space<vmem>>
        %dma_start3A_135 = tpu.memref_squeeze %dma_start3A_134 : memref<1x512xi32, #tpu.memory_space<vmem>> -> memref<512xi32, #tpu.memory_space<vmem>>
        %dma_start3A_136 = arith.constant 0 : i32
        %dma_start3A_137 = arith.constant 0 : i32
        %dma_start3A_138 = tpu.memref_slice %arg12[%dma_start3A_136, %dma_start3A_137] : memref<51200x16xf32, #tpu.memory_space<vmem_shared>> -> memref<51200x16xf32, #tpu.memory_space<vmem_shared>>
        tpu.enqueue_indirect_dma source(%dma_start3A_132 : memref<512x16xf32, #tpu.memory_space<vmem>>) target(%dma_start3A_138 : memref<51200x16xf32, #tpu.memory_space<vmem_shared>>) offsets(%dma_start3A_135 : memref<512xi32, #tpu.memory_space<vmem>>) semaphore(%arg11 : memref<!tpu.dma_semaphore, #tpu.memory_space<semaphore_mem>>) {add = true}
        %add3A_139 = arith.constant 5 : i32
        %add3A_140 = arith.addi %scan3A_92, %add3A_139 : i32
        %lt3A_141 = arith.constant 14 : i32
        %lt3A_142 = arith.cmpi slt, %add3A_140, %lt3A_141 : i32
        %convert_element_type3A_143 = arith.extui %lt3A_142 : i1 to i32
        %cond3A_144 = arith.constant 0 : i32
        %cond3A_145 = arith.cmpi ne, %convert_element_type3A_143, %cond3A_144 : i32
        scf.if %cond3A_145 {
          %add3A_146 = arith.constant 5 : i32
          %add3A_147 = arith.addi %scan3A_92, %add3A_146 : i32
          %add3A_148 = arith.constant 5 : i32
          %add3A_149 = arith.addi %scan3A_92, %add3A_148 : i32
          %jit3A_150 = arith.constant 6 : i32
          %eq3A_151 = arith.constant 0 : i32
          %eq3A_152 = arith.cmpi eq, %jit3A_150, %eq3A_151 : i32
          %jit3A_153 = arith.constant 1 : i32
          %select_n3A_154 = arith.select %eq3A_152, %jit3A_153, %jit3A_150 : i32
          %rem3A_155 = arith.remsi %add3A_149, %select_n3A_154 : i32
          %ne3A_156 = arith.constant 0 : i32
          %ne3A_157 = arith.cmpi ne, %rem3A_155, %ne3A_156 : i32
          %lt3A_158 = arith.constant 0 : i32
          %lt3A_159 = arith.cmpi slt, %rem3A_155, %lt3A_158 : i32
          %lt3A_160 = arith.constant 0 : i32
          %lt3A_161 = arith.cmpi slt, %select_n3A_154, %lt3A_160 : i32
          %ne3A_162 = arith.xori %lt3A_159, %lt3A_161 : i1
          %and3A_163 = arith.andi %ne3A_162, %ne3A_157 : i1
          %add3A_164 = arith.addi %rem3A_155, %select_n3A_154 : i32
          %select_n3A_165 = arith.select %and3A_163, %add3A_164, %rem3A_155 : i32
          %dma_start3A_166 = arith.constant 0 : i32
          %dma_start3A_167 = arith.constant 0 : i32
          %dma_start3A_168 = tpu.memref_slice %arg9[%select_n3A_165, %dma_start3A_166, %dma_start3A_167] : memref<6x512x16xf32, #tpu.memory_space<vmem>> -> memref<1x512x16xf32, #tpu.memory_space<vmem>>
          %dma_start3A_169 = tpu.memref_squeeze %dma_start3A_168 : memref<1x512x16xf32, #tpu.memory_space<vmem>> -> memref<512x16xf32, #tpu.memory_space<vmem>>
          %dma_start3A_170 = arith.constant 0 : i32
          %dma_start3A_171 = tpu.memref_slice %arg7[%add3A_147, %dma_start3A_170] : memref<14x512xi32, #tpu.memory_space<vmem>> -> memref<1x512xi32, #tpu.memory_space<vmem>>
          %dma_start3A_172 = tpu.memref_squeeze %dma_start3A_171 : memref<1x512xi32, #tpu.memory_space<vmem>> -> memref<512xi32, #tpu.memory_space<vmem>>
          %dma_start3A_173 = arith.constant 0 : i32
          %dma_start3A_174 = arith.constant 0 : i32
          %dma_start3A_175 = tpu.memref_slice %arg2[%dma_start3A_173, %dma_start3A_174] : memref<51200x16xf32, #tpu.memory_space<hbm>> -> memref<51200x16xf32, #tpu.memory_space<hbm>>
          tpu.enqueue_indirect_dma source(%dma_start3A_175 : memref<51200x16xf32, #tpu.memory_space<hbm>>) target(%dma_start3A_169 : memref<512x16xf32, #tpu.memory_space<vmem>>) offsets(%dma_start3A_172 : memref<512xi32, #tpu.memory_space<vmem>>) semaphore(%arg10 : memref<!tpu.dma_semaphore, #tpu.memory_space<semaphore_mem>>)
        } else {
        }
      }
      %scan3A_80 = arith.constant 14 : i32
      %dma_wait3A = arith.constant 0 : i32
      %dma_wait3A_81 = arith.constant 0 : i32
      %dma_wait3A_82 = arith.constant 0 : i32
      %dma_wait3A_83 = arith.constant 0 : i32
      %dma_wait3A_84 = tpu.memref_slice %arg9[%dma_wait3A, %dma_wait3A_82, %dma_wait3A_83] : memref<6x512x16xf32, #tpu.memory_space<vmem>> -> memref<1x512x16xf32, #tpu.memory_space<vmem>>
      %dma_wait3A_85 = tpu.memref_squeeze %dma_wait3A_84 : memref<1x512x16xf32, #tpu.memory_space<vmem>> -> memref<512x16xf32, #tpu.memory_space<vmem>>
      %dma_wait3A_86 = arith.constant 0 : i32
      %dma_wait3A_87 = tpu.memref_slice %arg8[%dma_wait3A_81, %dma_wait3A_86] : memref<14x512xi32, #tpu.memory_space<vmem>> -> memref<1x512xi32, #tpu.memory_space<vmem>>
      %dma_wait3A_88 = tpu.memref_squeeze %dma_wait3A_87 : memref<1x512xi32, #tpu.memory_space<vmem>> -> memref<512xi32, #tpu.memory_space<vmem>>
      %dma_wait3A_89 = arith.constant 0 : i32
      %dma_wait3A_90 = arith.constant 0 : i32
      %dma_wait3A_91 = tpu.memref_slice %arg12[%dma_wait3A_89, %dma_wait3A_90] : memref<51200x16xf32, #tpu.memory_space<vmem_shared>> -> memref<51200x16xf32, #tpu.memory_space<vmem_shared>>
      tpu.wait_indirect_dma semaphore(%arg11 : memref<!tpu.dma_semaphore, #tpu.memory_space<semaphore_mem>>) src(%dma_wait3A_85 : memref<512x16xf32, #tpu.memory_space<vmem>>) dst(%dma_wait3A_91 : memref<51200x16xf32, #tpu.memory_space<vmem_shared>>)
    }
    %scan3A_5 = arith.constant 7 : i32
    %barrier3A_6 = arith.constant 0 : index
    tpu.barrier barrier_id(%barrier3A_6)
    %mul3A_7 = arith.constant 3200 : i32
    %mul3A_8 = arith.muli %arg1, %mul3A_7 : i32
    %mul3A_9 = arith.constant 3200 : i32
    %mul3A_10 = arith.muli %arg1, %mul3A_9 : i32
    "tpu.region"() ({
      %run_scoped3A = tpu.sem_alloc : memref<!tpu.dma_semaphore, #tpu.memory_space<semaphore_mem>>
      %dma_start3A = arith.constant 0 : i32
      %dma_start3A_11 = tpu.memref_slice %arg6[%mul3A_10, %dma_start3A] : memref<51200x16xf32, #tpu.memory_space<hbm>> -> memref<3200x16xf32, #tpu.memory_space<hbm>>
      %dma_start3A_12 = arith.constant 0 : i32
      %dma_start3A_13 = tpu.memref_slice %arg12[%mul3A_8, %dma_start3A_12] : memref<51200x16xf32, #tpu.memory_space<vmem_shared>> -> memref<3200x16xf32, #tpu.memory_space<vmem_shared>>
      tpu.enqueue_dma source(%dma_start3A_13 : memref<3200x16xf32, #tpu.memory_space<vmem_shared>>) target(%dma_start3A_11 : memref<3200x16xf32, #tpu.memory_space<hbm>>) target_semaphore(%run_scoped3A : memref<!tpu.dma_semaphore, #tpu.memory_space<semaphore_mem>>)
      %dma_wait3A = arith.constant 0 : i32
      %dma_wait3A_14 = tpu.memref_slice %arg6[%mul3A_10, %dma_wait3A] : memref<51200x16xf32, #tpu.memory_space<hbm>> -> memref<3200x16xf32, #tpu.memory_space<hbm>>
      %dma_wait3A_15 = arith.constant 0 : i32
      %dma_wait3A_16 = tpu.memref_slice %arg12[%mul3A_8, %dma_wait3A_15] : memref<51200x16xf32, #tpu.memory_space<vmem_shared>> -> memref<3200x16xf32, #tpu.memory_space<vmem_shared>>
      tpu.wait_dma2 semaphore(%run_scoped3A : memref<!tpu.dma_semaphore, #tpu.memory_space<semaphore_mem>>) src(%dma_wait3A_16 : memref<3200x16xf32, #tpu.memory_space<vmem_shared>>) dst(%dma_wait3A_14 : memref<3200x16xf32, #tpu.memory_space<hbm>>)
      tpu.yield
    }) : () -> ()
    return
  }
}

module attributes {stable_mosaic.version = 14 : i64} {
  func.func @_prep_body(%arg0: i32, %arg1: memref<2048x1xf32, #tpu.memory_space<vmem>>, %arg2: memref<2048x2xf32, #tpu.memory_space<vmem>>, %arg3: memref<3x16xf32, #tpu.memory_space<vmem>>, %arg4: memref<2x32xf32, #tpu.memory_space<vmem>>, %arg5: memref<1x16xf32, #tpu.memory_space<vmem>>, %arg6: memref<1x32xf32, #tpu.memory_space<vmem>>, %arg7: memref<2048x16xf32, #tpu.memory_space<vmem>>, %arg8: memref<2048x16xf32, #tpu.memory_space<vmem>>, %arg9: memref<2048x32xf32, #tpu.memory_space<vmem>>, %arg10: memref<2048x1xi32, #tpu.memory_space<vmem>>) attributes {dimension_semantics = [#tpu.dimension_semantics<arbitrary>], iteration_bounds = array<i64: 25>, scalar_prefetch = 0 : i64, scratch_operands = 0 : i64, tpu.core_type = #tpu.core_type<tc>, window_params = [{transform_indices = @transform_0, window_bounds = array<i64: 2048, 1>}, {transform_indices = @transform_1, window_bounds = array<i64: 2048, 2>}, {pipeline_mode = #tpu.pipeline_mode<synchronous>, transform_indices = @transform_2, window_bounds = array<i64: 3, 16>}, {pipeline_mode = #tpu.pipeline_mode<synchronous>, transform_indices = @transform_3, window_bounds = array<i64: 2, 32>}, {pipeline_mode = #tpu.pipeline_mode<synchronous>, transform_indices = @transform_4, window_bounds = array<i64: 1, 16>}, {pipeline_mode = #tpu.pipeline_mode<synchronous>, transform_indices = @transform_5, window_bounds = array<i64: 1, 32>}, {transform_indices = @transform_6, window_bounds = array<i64: 2048, 16>}, {transform_indices = @transform_7, window_bounds = array<i64: 2048, 16>}, {transform_indices = @transform_8, window_bounds = array<i64: 2048, 32>}, {transform_indices = @transform_9, window_bounds = array<i64: 2048, 1>}]} {
    %get3A = arith.constant 0 : index
    %get3A_0 = arith.constant 0 : index
    %get3A_1 = vector.load %arg1[%get3A, %get3A_0] : memref<2048x1xf32, #tpu.memory_space<vmem>>, vector<2048x1xf32>
    %get3A_2 = arith.constant 0 : index
    %get3A_3 = arith.constant 0 : index
    %get3A_4 = vector.load %arg2[%get3A_2, %get3A_3] : memref<2048x2xf32, #tpu.memory_space<vmem>>, vector<2048x2xf32>
    %get3A_5 = arith.constant 0 : index
    %get3A_6 = arith.constant 0 : index
    %get3A_7 = vector.load %arg3[%get3A_5, %get3A_6] : memref<3x16xf32, #tpu.memory_space<vmem>>, vector<3x16xf32>
    %get3A_8 = arith.constant 0 : index
    %get3A_9 = arith.constant 0 : index
    %get3A_10 = vector.load %arg4[%get3A_8, %get3A_9] : memref<2x32xf32, #tpu.memory_space<vmem>>, vector<2x32xf32>
    %slice3A = vector.extract_strided_slice %get3A_4 {offsets = [0, 0], sizes = [2048, 1], strides = [1, 1]} : vector<2048x2xf32> to vector<2048x1xf32>
    %slice3A_11 = vector.extract_strided_slice %get3A_4 {offsets = [0, 1], sizes = [2048, 1], strides = [1, 1]} : vector<2048x2xf32> to vector<2048x1xf32>
    %slice3A_12 = vector.extract_strided_slice %get3A_7 {offsets = [1, 0], sizes = [1, 16], strides = [1, 1]} : vector<3x16xf32> to vector<1x16xf32>
    %mul3A = vector.broadcast %slice3A : vector<2048x1xf32> to vector<2048x16xf32>
    %mul3A_13 = vector.broadcast %slice3A_12 : vector<1x16xf32> to vector<2048x16xf32>
    %mul3A_14 = arith.mulf %mul3A, %mul3A_13 : vector<2048x16xf32>
    %slice3A_15 = vector.extract_strided_slice %get3A_7 {offsets = [2, 0], sizes = [1, 16], strides = [1, 1]} : vector<3x16xf32> to vector<1x16xf32>
    %mul3A_16 = vector.broadcast %slice3A_11 : vector<2048x1xf32> to vector<2048x16xf32>
    %mul3A_17 = vector.broadcast %slice3A_15 : vector<1x16xf32> to vector<2048x16xf32>
    %mul3A_18 = arith.mulf %mul3A_16, %mul3A_17 : vector<2048x16xf32>
    %add3A = arith.addf %mul3A_14, %mul3A_18 : vector<2048x16xf32>
    %slice3A_19 = vector.extract_strided_slice %get3A_7 {offsets = [0, 0], sizes = [1, 16], strides = [1, 1]} : vector<3x16xf32> to vector<1x16xf32>
    %mul3A_20 = vector.broadcast %get3A_1 : vector<2048x1xf32> to vector<2048x16xf32>
    %mul3A_21 = vector.broadcast %slice3A_19 : vector<1x16xf32> to vector<2048x16xf32>
    %mul3A_22 = arith.mulf %mul3A_20, %mul3A_21 : vector<2048x16xf32>
    %add3A_23 = arith.addf %mul3A_22, %add3A : vector<2048x16xf32>
    %swap3A = arith.constant 0 : index
    %swap3A_24 = arith.constant 0 : index
    %swap3A_25 = vector.load %arg7[%swap3A, %swap3A_24] : memref<2048x16xf32, #tpu.memory_space<vmem>>, vector<2048x16xf32>
    tpu.vector_store %arg7[%swap3A, %swap3A_24], %add3A_23 {strides = array<i32>} : memref<2048x16xf32, #tpu.memory_space<vmem>>, vector<2048x16xf32>,
    %get3A_26 = arith.constant 0 : index
    %get3A_27 = arith.constant 0 : index
    %get3A_28 = vector.load %arg5[%get3A_26, %get3A_27] : memref<1x16xf32, #tpu.memory_space<vmem>>, vector<1x16xf32>
    %sub3A = vector.broadcast %get3A_28 : vector<1x16xf32> to vector<2048x16xf32>
    %sub3A_29 = arith.subf %sub3A, %add3A : vector<2048x16xf32>
    %swap3A_30 = arith.constant 0 : index
    %swap3A_31 = arith.constant 0 : index
    %swap3A_32 = vector.load %arg8[%swap3A_30, %swap3A_31] : memref<2048x16xf32, #tpu.memory_space<vmem>>, vector<2048x16xf32>
    tpu.vector_store %arg8[%swap3A_30, %swap3A_31], %sub3A_29 {strides = array<i32>} : memref<2048x16xf32, #tpu.memory_space<vmem>>, vector<2048x16xf32>,
    %get3A_33 = arith.constant 0 : index
    %get3A_34 = arith.constant 0 : index
    %get3A_35 = vector.load %arg6[%get3A_33, %get3A_34] : memref<1x32xf32, #tpu.memory_space<vmem>>, vector<1x32xf32>
    %slice3A_36 = vector.extract_strided_slice %get3A_10 {offsets = [0, 0], sizes = [1, 32], strides = [1, 1]} : vector<2x32xf32> to vector<1x32xf32>
    %mul3A_37 = vector.broadcast %slice3A : vector<2048x1xf32> to vector<2048x32xf32>
    %mul3A_38 = vector.broadcast %slice3A_36 : vector<1x32xf32> to vector<2048x32xf32>
    %mul3A_39 = arith.mulf %mul3A_37, %mul3A_38 : vector<2048x32xf32>
    %slice3A_40 = vector.extract_strided_slice %get3A_10 {offsets = [1, 0], sizes = [1, 32], strides = [1, 1]} : vector<2x32xf32> to vector<1x32xf32>
    %mul3A_41 = vector.broadcast %slice3A_11 : vector<2048x1xf32> to vector<2048x32xf32>
    %mul3A_42 = vector.broadcast %slice3A_40 : vector<1x32xf32> to vector<2048x32xf32>
    %mul3A_43 = arith.mulf %mul3A_41, %mul3A_42 : vector<2048x32xf32>
    %add3A_44 = arith.addf %mul3A_39, %mul3A_43 : vector<2048x32xf32>
    %sub3A_45 = vector.broadcast %get3A_35 : vector<1x32xf32> to vector<2048x32xf32>
    %sub3A_46 = arith.subf %sub3A_45, %add3A_44 : vector<2048x32xf32>
    %swap3A_47 = arith.constant 0 : index
    %swap3A_48 = arith.constant 0 : index
    %swap3A_49 = vector.load %arg9[%swap3A_47, %swap3A_48] : memref<2048x32xf32, #tpu.memory_space<vmem>>, vector<2048x32xf32>
    tpu.vector_store %arg9[%swap3A_47, %swap3A_48], %sub3A_46 {strides = array<i32>} : memref<2048x32xf32, #tpu.memory_space<vmem>>, vector<2048x32xf32>,
    %mul3A_50 = arith.constant 6.250000e-02 : f32
    %mul3A_51 = vector.broadcast %mul3A_50 : f32 to vector<2048x1xf32>
    %mul3A_52 = arith.mulf %slice3A, %mul3A_51 : vector<2048x1xf32>
    %floor3A = math.floor %mul3A_52 : vector<2048x1xf32>
    %jit3A = arith.constant 0 : i32
    %jit3A_53 = arith.constant 7 : i32
    %convert_element_type3A = arith.sitofp %jit3A : i32 to f32
    %max3A = vector.broadcast %convert_element_type3A : f32 to vector<2048x1xf32>
    %max3A_54 = arith.maximumf %max3A, %floor3A : vector<2048x1xf32>
    %convert_element_type3A_55 = arith.sitofp %jit3A_53 : i32 to f32
    %min3A = vector.broadcast %convert_element_type3A_55 : f32 to vector<2048x1xf32>
    %min3A_56 = arith.minimumf %min3A, %max3A_54 : vector<2048x1xf32>
    %convert_element_type3A_57 = arith.fptosi %min3A_56 : vector<2048x1xf32> to vector<2048x1xi32>
    %mul3A_58 = arith.constant 6.250000e-02 : f32
    %mul3A_59 = vector.broadcast %mul3A_58 : f32 to vector<2048x1xf32>
    %mul3A_60 = arith.mulf %slice3A_11, %mul3A_59 : vector<2048x1xf32>
    %floor3A_61 = math.floor %mul3A_60 : vector<2048x1xf32>
    %jit3A_62 = arith.constant 0 : i32
    %jit3A_63 = arith.constant 7 : i32
    %convert_element_type3A_64 = arith.sitofp %jit3A_62 : i32 to f32
    %max3A_65 = vector.broadcast %convert_element_type3A_64 : f32 to vector<2048x1xf32>
    %max3A_66 = arith.maximumf %max3A_65, %floor3A_61 : vector<2048x1xf32>
    %convert_element_type3A_67 = arith.sitofp %jit3A_63 : i32 to f32
    %min3A_68 = vector.broadcast %convert_element_type3A_67 : f32 to vector<2048x1xf32>
    %min3A_69 = arith.minimumf %min3A_68, %max3A_66 : vector<2048x1xf32>
    %convert_element_type3A_70 = arith.fptosi %min3A_69 : vector<2048x1xf32> to vector<2048x1xi32>
    %mul3A_71 = arith.constant 8 : i32
    %mul3A_72 = vector.broadcast %mul3A_71 : i32 to vector<2048x1xi32>
    %mul3A_73 = arith.muli %convert_element_type3A_70, %mul3A_72 : vector<2048x1xi32>
    %add3A_74 = arith.addi %mul3A_73, %convert_element_type3A_57 : vector<2048x1xi32>
    %swap3A_75 = arith.constant 0 : index
    %swap3A_76 = arith.constant 0 : index
    %swap3A_77 = vector.load %arg10[%swap3A_75, %swap3A_76] : memref<2048x1xi32, #tpu.memory_space<vmem>>, vector<2048x1xi32>
    tpu.vector_store %arg10[%swap3A_75, %swap3A_76], %add3A_74 {strides = array<i32>} : memref<2048x1xi32, #tpu.memory_space<vmem>>, vector<2048x1xi32>,
    return
  }
  func.func @transform_0(%arg0: i32) -> (i32, i32) {
    %c0_i32 = arith.constant 0 : i32
    %c0_i32_0 = arith.constant 0 : i32
    return %arg0, %c0_i32 : i32, i32
  }
  func.func @transform_1(%arg0: i32) -> (i32, i32) {
    %c0_i32 = arith.constant 0 : i32
    %c0_i32_0 = arith.constant 0 : i32
    return %arg0, %c0_i32 : i32, i32
  }
  func.func @transform_2(%arg0: i32) -> (i32, i32) {
    %c0_i32 = arith.constant 0 : i32
    %c0_i32_0 = arith.constant 0 : i32
    %c0_i32_1 = arith.constant 0 : i32
    return %c0_i32, %c0_i32_0 : i32, i32
  }
  func.func @transform_3(%arg0: i32) -> (i32, i32) {
    %c0_i32 = arith.constant 0 : i32
    %c0_i32_0 = arith.constant 0 : i32
    %c0_i32_1 = arith.constant 0 : i32
    return %c0_i32, %c0_i32_0 : i32, i32
  }
  func.func @transform_4(%arg0: i32) -> (i32, i32) {
    %c0_i32 = arith.constant 0 : i32
    %c0_i32_0 = arith.constant 0 : i32
    %c0_i32_1 = arith.constant 0 : i32
    return %c0_i32, %c0_i32_0 : i32, i32
  }
  func.func @transform_5(%arg0: i32) -> (i32, i32) {
    %c0_i32 = arith.constant 0 : i32
    %c0_i32_0 = arith.constant 0 : i32
    %c0_i32_1 = arith.constant 0 : i32
    return %c0_i32, %c0_i32_0 : i32, i32
  }
  func.func @transform_6(%arg0: i32) -> (i32, i32) {
    %c0_i32 = arith.constant 0 : i32
    %c0_i32_0 = arith.constant 0 : i32
    return %arg0, %c0_i32 : i32, i32
  }
  func.func @transform_7(%arg0: i32) -> (i32, i32) {
    %c0_i32 = arith.constant 0 : i32
    %c0_i32_0 = arith.constant 0 : i32
    return %arg0, %c0_i32 : i32, i32
  }
  func.func @transform_8(%arg0: i32) -> (i32, i32) {
    %c0_i32 = arith.constant 0 : i32
    %c0_i32_0 = arith.constant 0 : i32
    return %arg0, %c0_i32 : i32, i32
  }
  func.func @transform_9(%arg0: i32) -> (i32, i32) {
    %c0_i32 = arith.constant 0 : i32
    %c0_i32_0 = arith.constant 0 : i32
    return %arg0, %c0_i32 : i32, i32
  }
}

module attributes {stable_mosaic.version = 14 : i64} {
  func.func @_mid_body(%arg0: i32, %arg1: memref<2048x16xf32, #tpu.memory_space<vmem>>, %arg2: memref<2048x16xf32, #tpu.memory_space<vmem>>, %arg3: memref<2048x16xf32, #tpu.memory_space<vmem>>, %arg4: memref<2048x32xf32, #tpu.memory_space<vmem>>, %arg5: memref<16x32xf32, #tpu.memory_space<vmem>>, %arg6: memref<1x32xf32, #tpu.memory_space<vmem>>, %arg7: memref<1x16xf32, #tpu.memory_space<vmem>>, %arg8: memref<1x16xf32, #tpu.memory_space<vmem>>, %arg9: memref<1x16xf32, #tpu.memory_space<vmem>>, %arg10: memref<1x16xf32, #tpu.memory_space<vmem>>, %arg11: memref<2048x16xf32, #tpu.memory_space<vmem>>, %arg12: memref<2048x16xf32, #tpu.memory_space<vmem>>) attributes {dimension_semantics = [#tpu.dimension_semantics<arbitrary>], iteration_bounds = array<i64: 25>, scalar_prefetch = 0 : i64, scratch_operands = 0 : i64, tpu.core_type = #tpu.core_type<tc>, window_params = [{transform_indices = @transform_0, window_bounds = array<i64: 2048, 16>}, {transform_indices = @transform_1, window_bounds = array<i64: 2048, 16>}, {transform_indices = @transform_2, window_bounds = array<i64: 2048, 16>}, {transform_indices = @transform_3, window_bounds = array<i64: 2048, 32>}, {pipeline_mode = #tpu.pipeline_mode<synchronous>, transform_indices = @transform_4, window_bounds = array<i64: 16, 32>}, {pipeline_mode = #tpu.pipeline_mode<synchronous>, transform_indices = @transform_5, window_bounds = array<i64: 1, 32>}, {pipeline_mode = #tpu.pipeline_mode<synchronous>, transform_indices = @transform_6, window_bounds = array<i64: 1, 16>}, {pipeline_mode = #tpu.pipeline_mode<synchronous>, transform_indices = @transform_7, window_bounds = array<i64: 1, 16>}, {pipeline_mode = #tpu.pipeline_mode<synchronous>, transform_indices = @transform_8, window_bounds = array<i64: 1, 16>}, {pipeline_mode = #tpu.pipeline_mode<synchronous>, transform_indices = @transform_9, window_bounds = array<i64: 1, 16>}, {transform_indices = @transform_10, window_bounds = array<i64: 2048, 16>}, {transform_indices = @transform_11, window_bounds = array<i64: 2048, 16>}]} {
    %get3A = arith.constant 0 : index
    %get3A_0 = arith.constant 0 : index
    %get3A_1 = vector.load %arg1[%get3A, %get3A_0] : memref<2048x16xf32, #tpu.memory_space<vmem>>, vector<2048x16xf32>
    %get3A_2 = arith.constant 0 : index
    %get3A_3 = arith.constant 0 : index
    %get3A_4 = vector.load %arg2[%get3A_2, %get3A_3] : memref<2048x16xf32, #tpu.memory_space<vmem>>, vector<2048x16xf32>
    %get3A_5 = arith.constant 0 : index
    %get3A_6 = arith.constant 0 : index
    %get3A_7 = vector.load %arg3[%get3A_5, %get3A_6] : memref<2048x16xf32, #tpu.memory_space<vmem>>, vector<2048x16xf32>
    %mul3A = arith.mulf %get3A_4, %get3A_7 : vector<2048x16xf32>
    %add3A = arith.addf %get3A_1, %mul3A : vector<2048x16xf32>
    %get3A_8 = arith.constant 0 : index
    %get3A_9 = arith.constant 0 : index
    %get3A_10 = vector.load %arg9[%get3A_8, %get3A_9] : memref<1x16xf32, #tpu.memory_space<vmem>>, vector<1x16xf32>
    %get3A_11 = arith.constant 0 : index
    %get3A_12 = arith.constant 0 : index
    %get3A_13 = vector.load %arg8[%get3A_11, %get3A_12] : memref<1x16xf32, #tpu.memory_space<vmem>>, vector<1x16xf32>
    %add3A_14 = arith.constant 9.99999974E-6 : f32
    %add3A_15 = vector.broadcast %add3A_14 : f32 to vector<1x16xf32>
    %add3A_16 = arith.addf %get3A_13, %add3A_15 : vector<1x16xf32>
    %rsqrt3A = math.rsqrt %add3A_16 : vector<1x16xf32>
    %mul3A_17 = arith.mulf %get3A_10, %rsqrt3A : vector<1x16xf32>
    %get3A_18 = arith.constant 0 : index
    %get3A_19 = arith.constant 0 : index
    %get3A_20 = vector.load %arg7[%get3A_18, %get3A_19] : memref<1x16xf32, #tpu.memory_space<vmem>>, vector<1x16xf32>
    %sub3A = vector.broadcast %get3A_20 : vector<1x16xf32> to vector<2048x16xf32>
    %sub3A_21 = arith.subf %add3A, %sub3A : vector<2048x16xf32>
    %mul3A_22 = vector.broadcast %mul3A_17 : vector<1x16xf32> to vector<2048x16xf32>
    %mul3A_23 = arith.mulf %sub3A_21, %mul3A_22 : vector<2048x16xf32>
    %get3A_24 = arith.constant 0 : index
    %get3A_25 = arith.constant 0 : index
    %get3A_26 = vector.load %arg10[%get3A_24, %get3A_25] : memref<1x16xf32, #tpu.memory_space<vmem>>, vector<1x16xf32>
    %add3A_27 = vector.broadcast %get3A_26 : vector<1x16xf32> to vector<2048x16xf32>
    %add3A_28 = arith.addf %mul3A_23, %add3A_27 : vector<2048x16xf32>
    %max3A = arith.constant 0.000000e+00 : f32
    %max3A_29 = vector.broadcast %max3A : f32 to vector<2048x16xf32>
    %max3A_30 = arith.maximumf %add3A_28, %max3A_29 : vector<2048x16xf32>
    %get3A_31 = arith.constant 0 : index
    %get3A_32 = arith.constant 0 : index
    %get3A_33 = vector.load %arg5[%get3A_31, %get3A_32] : memref<16x32xf32, #tpu.memory_space<vmem>>, vector<16x32xf32>
    %dot_general3A = arith.constant dense<0.000000e+00> : vector<2048x32xf32>
    %dot_general3A_34 = tpu.matmul %max3A_30, %get3A_33, %dot_general3A {dimension_numbers = #tpu.dot_dimension_numbers<[1], [0], [0], [1], [0, 0, 1, 1], [], []>, transpose_lhs_hint = false} : vector<2048x16xf32>, vector<16x32xf32>, vector<2048x32xf32> -> vector<2048x32xf32>
    %get3A_35 = arith.constant 0 : index
    %get3A_36 = arith.constant 0 : index
    %get3A_37 = vector.load %arg6[%get3A_35, %get3A_36] : memref<1x32xf32, #tpu.memory_space<vmem>>, vector<1x32xf32>
    %get3A_38 = arith.constant 0 : index
    %get3A_39 = arith.constant 0 : index
    %get3A_40 = vector.load %arg4[%get3A_38, %get3A_39] : memref<2048x32xf32, #tpu.memory_space<vmem>>, vector<2048x32xf32>
    %sub3A_41 = vector.broadcast %get3A_37 : vector<1x32xf32> to vector<2048x32xf32>
    %sub3A_42 = arith.subf %sub3A_41, %get3A_40 : vector<2048x32xf32>
    %add3A_43 = arith.addf %dot_general3A_34, %sub3A_42 : vector<2048x32xf32>
    %slice3A = vector.extract_strided_slice %add3A_43 {offsets = [0, 0], sizes = [2048, 16], strides = [1, 1]} : vector<2048x32xf32> to vector<2048x16xf32>
    %swap3A = arith.constant 0 : index
    %swap3A_44 = arith.constant 0 : index
    %swap3A_45 = vector.load %arg11[%swap3A, %swap3A_44] : memref<2048x16xf32, #tpu.memory_space<vmem>>, vector<2048x16xf32>
    tpu.vector_store %arg11[%swap3A, %swap3A_44], %slice3A {strides = array<i32>} : memref<2048x16xf32, #tpu.memory_space<vmem>>, vector<2048x16xf32>,
    %slice3A_46 = vector.extract_strided_slice %add3A_43 {offsets = [0, 16], sizes = [2048, 16], strides = [1, 1]} : vector<2048x32xf32> to vector<2048x16xf32>
    %swap3A_47 = arith.constant 0 : index
    %swap3A_48 = arith.constant 0 : index
    %swap3A_49 = vector.load %arg12[%swap3A_47, %swap3A_48] : memref<2048x16xf32, #tpu.memory_space<vmem>>, vector<2048x16xf32>
    tpu.vector_store %arg12[%swap3A_47, %swap3A_48], %slice3A_46 {strides = array<i32>} : memref<2048x16xf32, #tpu.memory_space<vmem>>, vector<2048x16xf32>,
    return
  }
  func.func @transform_0(%arg0: i32) -> (i32, i32) {
    %c0_i32 = arith.constant 0 : i32
    %c0_i32_0 = arith.constant 0 : i32
    return %arg0, %c0_i32 : i32, i32
  }
  func.func @transform_1(%arg0: i32) -> (i32, i32) {
    %c0_i32 = arith.constant 0 : i32
    %c0_i32_0 = arith.constant 0 : i32
    return %arg0, %c0_i32 : i32, i32
  }
  func.func @transform_2(%arg0: i32) -> (i32, i32) {
    %c0_i32 = arith.constant 0 : i32
    %c0_i32_0 = arith.constant 0 : i32
    return %arg0, %c0_i32 : i32, i32
  }
  func.func @transform_3(%arg0: i32) -> (i32, i32) {
    %c0_i32 = arith.constant 0 : i32
    %c0_i32_0 = arith.constant 0 : i32
    return %arg0, %c0_i32 : i32, i32
  }
  func.func @transform_4(%arg0: i32) -> (i32, i32) {
    %c0_i32 = arith.constant 0 : i32
    %c0_i32_0 = arith.constant 0 : i32
    %c0_i32_1 = arith.constant 0 : i32
    return %c0_i32, %c0_i32_0 : i32, i32
  }
  func.func @transform_5(%arg0: i32) -> (i32, i32) {
    %c0_i32 = arith.constant 0 : i32
    %c0_i32_0 = arith.constant 0 : i32
    %c0_i32_1 = arith.constant 0 : i32
    return %c0_i32, %c0_i32_0 : i32, i32
  }
  func.func @transform_6(%arg0: i32) -> (i32, i32) {
    %c0_i32 = arith.constant 0 : i32
    %c0_i32_0 = arith.constant 0 : i32
    %c0_i32_1 = arith.constant 0 : i32
    return %c0_i32, %c0_i32_0 : i32, i32
  }
  func.func @transform_7(%arg0: i32) -> (i32, i32) {
    %c0_i32 = arith.constant 0 : i32
    %c0_i32_0 = arith.constant 0 : i32
    %c0_i32_1 = arith.constant 0 : i32
    return %c0_i32, %c0_i32_0 : i32, i32
  }
  func.func @transform_8(%arg0: i32) -> (i32, i32) {
    %c0_i32 = arith.constant 0 : i32
    %c0_i32_0 = arith.constant 0 : i32
    %c0_i32_1 = arith.constant 0 : i32
    return %c0_i32, %c0_i32_0 : i32, i32
  }
  func.func @transform_9(%arg0: i32) -> (i32, i32) {
    %c0_i32 = arith.constant 0 : i32
    %c0_i32_0 = arith.constant 0 : i32
    %c0_i32_1 = arith.constant 0 : i32
    return %c0_i32, %c0_i32_0 : i32, i32
  }
  func.func @transform_10(%arg0: i32) -> (i32, i32) {
    %c0_i32 = arith.constant 0 : i32
    %c0_i32_0 = arith.constant 0 : i32
    return %arg0, %c0_i32 : i32, i32
  }
  func.func @transform_11(%arg0: i32) -> (i32, i32) {
    %c0_i32 = arith.constant 0 : i32
    %c0_i32_0 = arith.constant 0 : i32
    return %arg0, %c0_i32 : i32, i32
  }
}

module attributes {stable_mosaic.version = 14 : i64} {
  func.func @_final_body(%arg0: i32, %arg1: memref<2048x16xf32, #tpu.memory_space<vmem>>, %arg2: memref<2048x16xf32, #tpu.memory_space<vmem>>, %arg3: memref<2048x16xf32, #tpu.memory_space<vmem>>, %arg4: memref<2048x32xf32, #tpu.memory_space<vmem>>, %arg5: memref<2048x1xi32, #tpu.memory_space<vmem>>, %arg6: memref<1x32xf32, #tpu.memory_space<vmem>>, %arg7: memref<1x32xf32, #tpu.memory_space<vmem>>, %arg8: memref<1x32xf32, #tpu.memory_space<vmem>>, %arg9: memref<1x32xf32, #tpu.memory_space<vmem>>, %arg10: memref<32x64xf32, #tpu.memory_space<vmem>>) attributes {dimension_semantics = [#tpu.dimension_semantics<arbitrary>], iteration_bounds = array<i64: 25>, scalar_prefetch = 0 : i64, scratch_operands = 0 : i64, tpu.core_type = #tpu.core_type<tc>, window_params = [{transform_indices = @transform_0, window_bounds = array<i64: 2048, 16>}, {transform_indices = @transform_1, window_bounds = array<i64: 2048, 16>}, {transform_indices = @transform_2, window_bounds = array<i64: 2048, 16>}, {transform_indices = @transform_3, window_bounds = array<i64: 2048, 32>}, {transform_indices = @transform_4, window_bounds = array<i64: 2048, 1>}, {pipeline_mode = #tpu.pipeline_mode<synchronous>, transform_indices = @transform_5, window_bounds = array<i64: 1, 32>}, {pipeline_mode = #tpu.pipeline_mode<synchronous>, transform_indices = @transform_6, window_bounds = array<i64: 1, 32>}, {pipeline_mode = #tpu.pipeline_mode<synchronous>, transform_indices = @transform_7, window_bounds = array<i64: 1, 32>}, {pipeline_mode = #tpu.pipeline_mode<synchronous>, transform_indices = @transform_8, window_bounds = array<i64: 1, 32>}, {pipeline_mode = #tpu.pipeline_mode<synchronous>, transform_indices = @transform_9, window_bounds = array<i64: 32, 64>}]} {
    %get3A = arith.constant 0 : index
    %get3A_0 = arith.constant 0 : index
    %get3A_1 = vector.load %arg1[%get3A, %get3A_0] : memref<2048x16xf32, #tpu.memory_space<vmem>>, vector<2048x16xf32>
    %get3A_2 = arith.constant 0 : index
    %get3A_3 = arith.constant 0 : index
    %get3A_4 = vector.load %arg2[%get3A_2, %get3A_3] : memref<2048x16xf32, #tpu.memory_space<vmem>>, vector<2048x16xf32>
    %concatenate3A = tpu.concatenate %get3A_1, %get3A_4 in 1 : vector<2048x16xf32>, vector<2048x16xf32> -> vector<2048x32xf32>
    %get3A_5 = arith.constant 0 : index
    %get3A_6 = arith.constant 0 : index
    %get3A_7 = vector.load %arg3[%get3A_5, %get3A_6] : memref<2048x16xf32, #tpu.memory_space<vmem>>, vector<2048x16xf32>
    %slice3A = vector.extract_strided_slice %get3A_7 {offsets = [0, 0], sizes = [2048, 1], strides = [1, 1]} : vector<2048x16xf32> to vector<2048x1xf32>
    %get3A_8 = arith.constant 0 : index
    %get3A_9 = arith.constant 0 : index
    %get3A_10 = vector.load %arg4[%get3A_8, %get3A_9] : memref<2048x32xf32, #tpu.memory_space<vmem>>, vector<2048x32xf32>
    %mul3A = vector.broadcast %slice3A : vector<2048x1xf32> to vector<2048x32xf32>
    %mul3A_11 = arith.mulf %mul3A, %get3A_10 : vector<2048x32xf32>
    %add3A = arith.addf %concatenate3A, %mul3A_11 : vector<2048x32xf32>
    %get3A_12 = arith.constant 0 : index
    %get3A_13 = arith.constant 0 : index
    %get3A_14 = vector.load %arg8[%get3A_12, %get3A_13] : memref<1x32xf32, #tpu.memory_space<vmem>>, vector<1x32xf32>
    %get3A_15 = arith.constant 0 : index
    %get3A_16 = arith.constant 0 : index
    %get3A_17 = vector.load %arg7[%get3A_15, %get3A_16] : memref<1x32xf32, #tpu.memory_space<vmem>>, vector<1x32xf32>
    %add3A_18 = arith.constant 9.99999974E-6 : f32
    %add3A_19 = vector.broadcast %add3A_18 : f32 to vector<1x32xf32>
    %add3A_20 = arith.addf %get3A_17, %add3A_19 : vector<1x32xf32>
    %rsqrt3A = math.rsqrt %add3A_20 : vector<1x32xf32>
    %mul3A_21 = arith.mulf %get3A_14, %rsqrt3A : vector<1x32xf32>
    %get3A_22 = arith.constant 0 : index
    %get3A_23 = arith.constant 0 : index
    %get3A_24 = vector.load %arg6[%get3A_22, %get3A_23] : memref<1x32xf32, #tpu.memory_space<vmem>>, vector<1x32xf32>
    %sub3A = vector.broadcast %get3A_24 : vector<1x32xf32> to vector<2048x32xf32>
    %sub3A_25 = arith.subf %add3A, %sub3A : vector<2048x32xf32>
    %mul3A_26 = vector.broadcast %mul3A_21 : vector<1x32xf32> to vector<2048x32xf32>
    %mul3A_27 = arith.mulf %sub3A_25, %mul3A_26 : vector<2048x32xf32>
    %get3A_28 = arith.constant 0 : index
    %get3A_29 = arith.constant 0 : index
    %get3A_30 = vector.load %arg9[%get3A_28, %get3A_29] : memref<1x32xf32, #tpu.memory_space<vmem>>, vector<1x32xf32>
    %add3A_31 = vector.broadcast %get3A_30 : vector<1x32xf32> to vector<2048x32xf32>
    %add3A_32 = arith.addf %mul3A_27, %add3A_31 : vector<2048x32xf32>
    %max3A = arith.constant 0.000000e+00 : f32
    %max3A_33 = vector.broadcast %max3A : f32 to vector<2048x32xf32>
    %max3A_34 = arith.maximumf %add3A_32, %max3A_33 : vector<2048x32xf32>
    %mul3A_35 = arith.constant 2048 : i32
    %mul3A_36 = arith.muli %arg0, %mul3A_35 : i32
    %iota3A = tpu.iota {dimensions = array<i32: 0>} : vector<2048x1xi32>
    %add3A_37 = vector.broadcast %mul3A_36 : i32 to vector<2048x1xi32>
    %add3A_38 = arith.addi %add3A_37, %iota3A : vector<2048x1xi32>
    %lt3A = arith.constant 50000 : i32
    %lt3A_39 = vector.broadcast %lt3A : i32 to vector<2048x1xi32>
    %lt3A_40 = arith.cmpi slt, %add3A_38, %lt3A_39 : vector<2048x1xi32>
    %iota3A_41 = tpu.iota {dimensions = array<i32: 1>} : vector<1x64xi32>
    %get3A_42 = arith.constant 0 : index
    %get3A_43 = arith.constant 0 : index
    %get3A_44 = vector.load %arg5[%get3A_42, %get3A_43] : memref<2048x1xi32, #tpu.memory_space<vmem>>, vector<2048x1xi32>
    %eq3A = vector.broadcast %get3A_44 : vector<2048x1xi32> to vector<2048x64xi32>
    %eq3A_45 = vector.broadcast %iota3A_41 : vector<1x64xi32> to vector<2048x64xi32>
    %eq3A_46 = arith.cmpi eq, %eq3A, %eq3A_45 : vector<2048x64xi32>
    %and3A = vector.broadcast %lt3A_40 : vector<2048x1xi1> to vector<2048x64xi1>
    %and3A_47 = arith.andi %eq3A_46, %and3A : vector<2048x64xi1>
    %convert_element_type3A = arith.extui %and3A_47 : vector<2048x64xi1> to vector<2048x64xi32>
    %convert_element_type3A_48 = arith.sitofp %convert_element_type3A : vector<2048x64xi32> to vector<2048x64xf32>
    %slice3A_49 = vector.extract_strided_slice %max3A_34 {offsets = [0, 0], sizes = [2048, 1], strides = [1, 1]} : vector<2048x32xf32> to vector<2048x1xf32>
    %mul3A_50 = vector.broadcast %slice3A_49 : vector<2048x1xf32> to vector<2048x64xf32>
    %mul3A_51 = arith.mulf %convert_element_type3A_48, %mul3A_50 : vector<2048x64xf32>
    %reduce_max3A = arith.constant dense<0xFF800000> : vector<64xf32>
    %reduce_max3A_52 = vector.multi_reduction <maximumf>, %mul3A_51, %reduce_max3A [0] : vector<2048x64xf32> to vector<64xf32>
    %slice3A_53 = vector.extract_strided_slice %max3A_34 {offsets = [0, 1], sizes = [2048, 1], strides = [1, 1]} : vector<2048x32xf32> to vector<2048x1xf32>
    %mul3A_54 = vector.broadcast %slice3A_53 : vector<2048x1xf32> to vector<2048x64xf32>
    %mul3A_55 = arith.mulf %convert_element_type3A_48, %mul3A_54 : vector<2048x64xf32>
    %reduce_max3A_56 = arith.constant dense<0xFF800000> : vector<64xf32>
    %reduce_max3A_57 = vector.multi_reduction <maximumf>, %mul3A_55, %reduce_max3A_56 [0] : vector<2048x64xf32> to vector<64xf32>
    %slice3A_58 = vector.extract_strided_slice %max3A_34 {offsets = [0, 2], sizes = [2048, 1], strides = [1, 1]} : vector<2048x32xf32> to vector<2048x1xf32>
    %mul3A_59 = vector.broadcast %slice3A_58 : vector<2048x1xf32> to vector<2048x64xf32>
    %mul3A_60 = arith.mulf %convert_element_type3A_48, %mul3A_59 : vector<2048x64xf32>
    %reduce_max3A_61 = arith.constant dense<0xFF800000> : vector<64xf32>
    %reduce_max3A_62 = vector.multi_reduction <maximumf>, %mul3A_60, %reduce_max3A_61 [0] : vector<2048x64xf32> to vector<64xf32>
    %slice3A_63 = vector.extract_strided_slice %max3A_34 {offsets = [0, 3], sizes = [2048, 1], strides = [1, 1]} : vector<2048x32xf32> to vector<2048x1xf32>
    %mul3A_64 = vector.broadcast %slice3A_63 : vector<2048x1xf32> to vector<2048x64xf32>
    %mul3A_65 = arith.mulf %convert_element_type3A_48, %mul3A_64 : vector<2048x64xf32>
    %reduce_max3A_66 = arith.constant dense<0xFF800000> : vector<64xf32>
    %reduce_max3A_67 = vector.multi_reduction <maximumf>, %mul3A_65, %reduce_max3A_66 [0] : vector<2048x64xf32> to vector<64xf32>
    %slice3A_68 = vector.extract_strided_slice %max3A_34 {offsets = [0, 4], sizes = [2048, 1], strides = [1, 1]} : vector<2048x32xf32> to vector<2048x1xf32>
    %mul3A_69 = vector.broadcast %slice3A_68 : vector<2048x1xf32> to vector<2048x64xf32>
    %mul3A_70 = arith.mulf %convert_element_type3A_48, %mul3A_69 : vector<2048x64xf32>
    %reduce_max3A_71 = arith.constant dense<0xFF800000> : vector<64xf32>
    %reduce_max3A_72 = vector.multi_reduction <maximumf>, %mul3A_70, %reduce_max3A_71 [0] : vector<2048x64xf32> to vector<64xf32>
    %slice3A_73 = vector.extract_strided_slice %max3A_34 {offsets = [0, 5], sizes = [2048, 1], strides = [1, 1]} : vector<2048x32xf32> to vector<2048x1xf32>
    %mul3A_74 = vector.broadcast %slice3A_73 : vector<2048x1xf32> to vector<2048x64xf32>
    %mul3A_75 = arith.mulf %convert_element_type3A_48, %mul3A_74 : vector<2048x64xf32>
    %reduce_max3A_76 = arith.constant dense<0xFF800000> : vector<64xf32>
    %reduce_max3A_77 = vector.multi_reduction <maximumf>, %mul3A_75, %reduce_max3A_76 [0] : vector<2048x64xf32> to vector<64xf32>
    %slice3A_78 = vector.extract_strided_slice %max3A_34 {offsets = [0, 6], sizes = [2048, 1], strides = [1, 1]} : vector<2048x32xf32> to vector<2048x1xf32>
    %mul3A_79 = vector.broadcast %slice3A_78 : vector<2048x1xf32> to vector<2048x64xf32>
    %mul3A_80 = arith.mulf %convert_element_type3A_48, %mul3A_79 : vector<2048x64xf32>
    %reduce_max3A_81 = arith.constant dense<0xFF800000> : vector<64xf32>
    %reduce_max3A_82 = vector.multi_reduction <maximumf>, %mul3A_80, %reduce_max3A_81 [0] : vector<2048x64xf32> to vector<64xf32>
    %slice3A_83 = vector.extract_strided_slice %max3A_34 {offsets = [0, 7], sizes = [2048, 1], strides = [1, 1]} : vector<2048x32xf32> to vector<2048x1xf32>
    %mul3A_84 = vector.broadcast %slice3A_83 : vector<2048x1xf32> to vector<2048x64xf32>
    %mul3A_85 = arith.mulf %convert_element_type3A_48, %mul3A_84 : vector<2048x64xf32>
    %reduce_max3A_86 = arith.constant dense<0xFF800000> : vector<64xf32>
    %reduce_max3A_87 = vector.multi_reduction <maximumf>, %mul3A_85, %reduce_max3A_86 [0] : vector<2048x64xf32> to vector<64xf32>
    %slice3A_88 = vector.extract_strided_slice %max3A_34 {offsets = [0, 8], sizes = [2048, 1], strides = [1, 1]} : vector<2048x32xf32> to vector<2048x1xf32>
    %mul3A_89 = vector.broadcast %slice3A_88 : vector<2048x1xf32> to vector<2048x64xf32>
    %mul3A_90 = arith.mulf %convert_element_type3A_48, %mul3A_89 : vector<2048x64xf32>
    %reduce_max3A_91 = arith.constant dense<0xFF800000> : vector<64xf32>
    %reduce_max3A_92 = vector.multi_reduction <maximumf>, %mul3A_90, %reduce_max3A_91 [0] : vector<2048x64xf32> to vector<64xf32>
    %slice3A_93 = vector.extract_strided_slice %max3A_34 {offsets = [0, 9], sizes = [2048, 1], strides = [1, 1]} : vector<2048x32xf32> to vector<2048x1xf32>
    %mul3A_94 = vector.broadcast %slice3A_93 : vector<2048x1xf32> to vector<2048x64xf32>
    %mul3A_95 = arith.mulf %convert_element_type3A_48, %mul3A_94 : vector<2048x64xf32>
    %reduce_max3A_96 = arith.constant dense<0xFF800000> : vector<64xf32>
    %reduce_max3A_97 = vector.multi_reduction <maximumf>, %mul3A_95, %reduce_max3A_96 [0] : vector<2048x64xf32> to vector<64xf32>
    %slice3A_98 = vector.extract_strided_slice %max3A_34 {offsets = [0, 10], sizes = [2048, 1], strides = [1, 1]} : vector<2048x32xf32> to vector<2048x1xf32>
    %mul3A_99 = vector.broadcast %slice3A_98 : vector<2048x1xf32> to vector<2048x64xf32>
    %mul3A_100 = arith.mulf %convert_element_type3A_48, %mul3A_99 : vector<2048x64xf32>
    %reduce_max3A_101 = arith.constant dense<0xFF800000> : vector<64xf32>
    %reduce_max3A_102 = vector.multi_reduction <maximumf>, %mul3A_100, %reduce_max3A_101 [0] : vector<2048x64xf32> to vector<64xf32>
    %slice3A_103 = vector.extract_strided_slice %max3A_34 {offsets = [0, 11], sizes = [2048, 1], strides = [1, 1]} : vector<2048x32xf32> to vector<2048x1xf32>
    %mul3A_104 = vector.broadcast %slice3A_103 : vector<2048x1xf32> to vector<2048x64xf32>
    %mul3A_105 = arith.mulf %convert_element_type3A_48, %mul3A_104 : vector<2048x64xf32>
    %reduce_max3A_106 = arith.constant dense<0xFF800000> : vector<64xf32>
    %reduce_max3A_107 = vector.multi_reduction <maximumf>, %mul3A_105, %reduce_max3A_106 [0] : vector<2048x64xf32> to vector<64xf32>
    %slice3A_108 = vector.extract_strided_slice %max3A_34 {offsets = [0, 12], sizes = [2048, 1], strides = [1, 1]} : vector<2048x32xf32> to vector<2048x1xf32>
    %mul3A_109 = vector.broadcast %slice3A_108 : vector<2048x1xf32> to vector<2048x64xf32>
    %mul3A_110 = arith.mulf %convert_element_type3A_48, %mul3A_109 : vector<2048x64xf32>
    %reduce_max3A_111 = arith.constant dense<0xFF800000> : vector<64xf32>
    %reduce_max3A_112 = vector.multi_reduction <maximumf>, %mul3A_110, %reduce_max3A_111 [0] : vector<2048x64xf32> to vector<64xf32>
    %slice3A_113 = vector.extract_strided_slice %max3A_34 {offsets = [0, 13], sizes = [2048, 1], strides = [1, 1]} : vector<2048x32xf32> to vector<2048x1xf32>
    %mul3A_114 = vector.broadcast %slice3A_113 : vector<2048x1xf32> to vector<2048x64xf32>
    %mul3A_115 = arith.mulf %convert_element_type3A_48, %mul3A_114 : vector<2048x64xf32>
    %reduce_max3A_116 = arith.constant dense<0xFF800000> : vector<64xf32>
    %reduce_max3A_117 = vector.multi_reduction <maximumf>, %mul3A_115, %reduce_max3A_116 [0] : vector<2048x64xf32> to vector<64xf32>
    %slice3A_118 = vector.extract_strided_slice %max3A_34 {offsets = [0, 14], sizes = [2048, 1], strides = [1, 1]} : vector<2048x32xf32> to vector<2048x1xf32>
    %mul3A_119 = vector.broadcast %slice3A_118 : vector<2048x1xf32> to vector<2048x64xf32>
    %mul3A_120 = arith.mulf %convert_element_type3A_48, %mul3A_119 : vector<2048x64xf32>
    %reduce_max3A_121 = arith.constant dense<0xFF800000> : vector<64xf32>
    %reduce_max3A_122 = vector.multi_reduction <maximumf>, %mul3A_120, %reduce_max3A_121 [0] : vector<2048x64xf32> to vector<64xf32>
    %slice3A_123 = vector.extract_strided_slice %max3A_34 {offsets = [0, 15], sizes = [2048, 1], strides = [1, 1]} : vector<2048x32xf32> to vector<2048x1xf32>
    %mul3A_124 = vector.broadcast %slice3A_123 : vector<2048x1xf32> to vector<2048x64xf32>
    %mul3A_125 = arith.mulf %convert_element_type3A_48, %mul3A_124 : vector<2048x64xf32>
    %reduce_max3A_126 = arith.constant dense<0xFF800000> : vector<64xf32>
    %reduce_max3A_127 = vector.multi_reduction <maximumf>, %mul3A_125, %reduce_max3A_126 [0] : vector<2048x64xf32> to vector<64xf32>
    %slice3A_128 = vector.extract_strided_slice %max3A_34 {offsets = [0, 16], sizes = [2048, 1], strides = [1, 1]} : vector<2048x32xf32> to vector<2048x1xf32>
    %mul3A_129 = vector.broadcast %slice3A_128 : vector<2048x1xf32> to vector<2048x64xf32>
    %mul3A_130 = arith.mulf %convert_element_type3A_48, %mul3A_129 : vector<2048x64xf32>
    %reduce_max3A_131 = arith.constant dense<0xFF800000> : vector<64xf32>
    %reduce_max3A_132 = vector.multi_reduction <maximumf>, %mul3A_130, %reduce_max3A_131 [0] : vector<2048x64xf32> to vector<64xf32>
    %slice3A_133 = vector.extract_strided_slice %max3A_34 {offsets = [0, 17], sizes = [2048, 1], strides = [1, 1]} : vector<2048x32xf32> to vector<2048x1xf32>
    %mul3A_134 = vector.broadcast %slice3A_133 : vector<2048x1xf32> to vector<2048x64xf32>
    %mul3A_135 = arith.mulf %convert_element_type3A_48, %mul3A_134 : vector<2048x64xf32>
    %reduce_max3A_136 = arith.constant dense<0xFF800000> : vector<64xf32>
    %reduce_max3A_137 = vector.multi_reduction <maximumf>, %mul3A_135, %reduce_max3A_136 [0] : vector<2048x64xf32> to vector<64xf32>
    %slice3A_138 = vector.extract_strided_slice %max3A_34 {offsets = [0, 18], sizes = [2048, 1], strides = [1, 1]} : vector<2048x32xf32> to vector<2048x1xf32>
    %mul3A_139 = vector.broadcast %slice3A_138 : vector<2048x1xf32> to vector<2048x64xf32>
    %mul3A_140 = arith.mulf %convert_element_type3A_48, %mul3A_139 : vector<2048x64xf32>
    %reduce_max3A_141 = arith.constant dense<0xFF800000> : vector<64xf32>
    %reduce_max3A_142 = vector.multi_reduction <maximumf>, %mul3A_140, %reduce_max3A_141 [0] : vector<2048x64xf32> to vector<64xf32>
    %slice3A_143 = vector.extract_strided_slice %max3A_34 {offsets = [0, 19], sizes = [2048, 1], strides = [1, 1]} : vector<2048x32xf32> to vector<2048x1xf32>
    %mul3A_144 = vector.broadcast %slice3A_143 : vector<2048x1xf32> to vector<2048x64xf32>
    %mul3A_145 = arith.mulf %convert_element_type3A_48, %mul3A_144 : vector<2048x64xf32>
    %reduce_max3A_146 = arith.constant dense<0xFF800000> : vector<64xf32>
    %reduce_max3A_147 = vector.multi_reduction <maximumf>, %mul3A_145, %reduce_max3A_146 [0] : vector<2048x64xf32> to vector<64xf32>
    %slice3A_148 = vector.extract_strided_slice %max3A_34 {offsets = [0, 20], sizes = [2048, 1], strides = [1, 1]} : vector<2048x32xf32> to vector<2048x1xf32>
    %mul3A_149 = vector.broadcast %slice3A_148 : vector<2048x1xf32> to vector<2048x64xf32>
    %mul3A_150 = arith.mulf %convert_element_type3A_48, %mul3A_149 : vector<2048x64xf32>
    %reduce_max3A_151 = arith.constant dense<0xFF800000> : vector<64xf32>
    %reduce_max3A_152 = vector.multi_reduction <maximumf>, %mul3A_150, %reduce_max3A_151 [0] : vector<2048x64xf32> to vector<64xf32>
    %slice3A_153 = vector.extract_strided_slice %max3A_34 {offsets = [0, 21], sizes = [2048, 1], strides = [1, 1]} : vector<2048x32xf32> to vector<2048x1xf32>
    %mul3A_154 = vector.broadcast %slice3A_153 : vector<2048x1xf32> to vector<2048x64xf32>
    %mul3A_155 = arith.mulf %convert_element_type3A_48, %mul3A_154 : vector<2048x64xf32>
    %reduce_max3A_156 = arith.constant dense<0xFF800000> : vector<64xf32>
    %reduce_max3A_157 = vector.multi_reduction <maximumf>, %mul3A_155, %reduce_max3A_156 [0] : vector<2048x64xf32> to vector<64xf32>
    %slice3A_158 = vector.extract_strided_slice %max3A_34 {offsets = [0, 22], sizes = [2048, 1], strides = [1, 1]} : vector<2048x32xf32> to vector<2048x1xf32>
    %mul3A_159 = vector.broadcast %slice3A_158 : vector<2048x1xf32> to vector<2048x64xf32>
    %mul3A_160 = arith.mulf %convert_element_type3A_48, %mul3A_159 : vector<2048x64xf32>
    %reduce_max3A_161 = arith.constant dense<0xFF800000> : vector<64xf32>
    %reduce_max3A_162 = vector.multi_reduction <maximumf>, %mul3A_160, %reduce_max3A_161 [0] : vector<2048x64xf32> to vector<64xf32>
    %slice3A_163 = vector.extract_strided_slice %max3A_34 {offsets = [0, 23], sizes = [2048, 1], strides = [1, 1]} : vector<2048x32xf32> to vector<2048x1xf32>
    %mul3A_164 = vector.broadcast %slice3A_163 : vector<2048x1xf32> to vector<2048x64xf32>
    %mul3A_165 = arith.mulf %convert_element_type3A_48, %mul3A_164 : vector<2048x64xf32>
    %reduce_max3A_166 = arith.constant dense<0xFF800000> : vector<64xf32>
    %reduce_max3A_167 = vector.multi_reduction <maximumf>, %mul3A_165, %reduce_max3A_166 [0] : vector<2048x64xf32> to vector<64xf32>
    %slice3A_168 = vector.extract_strided_slice %max3A_34 {offsets = [0, 24], sizes = [2048, 1], strides = [1, 1]} : vector<2048x32xf32> to vector<2048x1xf32>
    %mul3A_169 = vector.broadcast %slice3A_168 : vector<2048x1xf32> to vector<2048x64xf32>
    %mul3A_170 = arith.mulf %convert_element_type3A_48, %mul3A_169 : vector<2048x64xf32>
    %reduce_max3A_171 = arith.constant dense<0xFF800000> : vector<64xf32>
    %reduce_max3A_172 = vector.multi_reduction <maximumf>, %mul3A_170, %reduce_max3A_171 [0] : vector<2048x64xf32> to vector<64xf32>
    %slice3A_173 = vector.extract_strided_slice %max3A_34 {offsets = [0, 25], sizes = [2048, 1], strides = [1, 1]} : vector<2048x32xf32> to vector<2048x1xf32>
    %mul3A_174 = vector.broadcast %slice3A_173 : vector<2048x1xf32> to vector<2048x64xf32>
    %mul3A_175 = arith.mulf %convert_element_type3A_48, %mul3A_174 : vector<2048x64xf32>
    %reduce_max3A_176 = arith.constant dense<0xFF800000> : vector<64xf32>
    %reduce_max3A_177 = vector.multi_reduction <maximumf>, %mul3A_175, %reduce_max3A_176 [0] : vector<2048x64xf32> to vector<64xf32>
    %slice3A_178 = vector.extract_strided_slice %max3A_34 {offsets = [0, 26], sizes = [2048, 1], strides = [1, 1]} : vector<2048x32xf32> to vector<2048x1xf32>
    %mul3A_179 = vector.broadcast %slice3A_178 : vector<2048x1xf32> to vector<2048x64xf32>
    %mul3A_180 = arith.mulf %convert_element_type3A_48, %mul3A_179 : vector<2048x64xf32>
    %reduce_max3A_181 = arith.constant dense<0xFF800000> : vector<64xf32>
    %reduce_max3A_182 = vector.multi_reduction <maximumf>, %mul3A_180, %reduce_max3A_181 [0] : vector<2048x64xf32> to vector<64xf32>
    %slice3A_183 = vector.extract_strided_slice %max3A_34 {offsets = [0, 27], sizes = [2048, 1], strides = [1, 1]} : vector<2048x32xf32> to vector<2048x1xf32>
    %mul3A_184 = vector.broadcast %slice3A_183 : vector<2048x1xf32> to vector<2048x64xf32>
    %mul3A_185 = arith.mulf %convert_element_type3A_48, %mul3A_184 : vector<2048x64xf32>
    %reduce_max3A_186 = arith.constant dense<0xFF800000> : vector<64xf32>
    %reduce_max3A_187 = vector.multi_reduction <maximumf>, %mul3A_185, %reduce_max3A_186 [0] : vector<2048x64xf32> to vector<64xf32>
    %slice3A_188 = vector.extract_strided_slice %max3A_34 {offsets = [0, 28], sizes = [2048, 1], strides = [1, 1]} : vector<2048x32xf32> to vector<2048x1xf32>
    %mul3A_189 = vector.broadcast %slice3A_188 : vector<2048x1xf32> to vector<2048x64xf32>
    %mul3A_190 = arith.mulf %convert_element_type3A_48, %mul3A_189 : vector<2048x64xf32>
    %reduce_max3A_191 = arith.constant dense<0xFF800000> : vector<64xf32>
    %reduce_max3A_192 = vector.multi_reduction <maximumf>, %mul3A_190, %reduce_max3A_191 [0] : vector<2048x64xf32> to vector<64xf32>
    %slice3A_193 = vector.extract_strided_slice %max3A_34 {offsets = [0, 29], sizes = [2048, 1], strides = [1, 1]} : vector<2048x32xf32> to vector<2048x1xf32>
    %mul3A_194 = vector.broadcast %slice3A_193 : vector<2048x1xf32> to vector<2048x64xf32>
    %mul3A_195 = arith.mulf %convert_element_type3A_48, %mul3A_194 : vector<2048x64xf32>
    %reduce_max3A_196 = arith.constant dense<0xFF800000> : vector<64xf32>
    %reduce_max3A_197 = vector.multi_reduction <maximumf>, %mul3A_195, %reduce_max3A_196 [0] : vector<2048x64xf32> to vector<64xf32>
    %slice3A_198 = vector.extract_strided_slice %max3A_34 {offsets = [0, 30], sizes = [2048, 1], strides = [1, 1]} : vector<2048x32xf32> to vector<2048x1xf32>
    %mul3A_199 = vector.broadcast %slice3A_198 : vector<2048x1xf32> to vector<2048x64xf32>
    %mul3A_200 = arith.mulf %convert_element_type3A_48, %mul3A_199 : vector<2048x64xf32>
    %reduce_max3A_201 = arith.constant dense<0xFF800000> : vector<64xf32>
    %reduce_max3A_202 = vector.multi_reduction <maximumf>, %mul3A_200, %reduce_max3A_201 [0] : vector<2048x64xf32> to vector<64xf32>
    %slice3A_203 = vector.extract_strided_slice %max3A_34 {offsets = [0, 31], sizes = [2048, 1], strides = [1, 1]} : vector<2048x32xf32> to vector<2048x1xf32>
    %mul3A_204 = vector.broadcast %slice3A_203 : vector<2048x1xf32> to vector<2048x64xf32>
    %mul3A_205 = arith.mulf %convert_element_type3A_48, %mul3A_204 : vector<2048x64xf32>
    %reduce_max3A_206 = arith.constant dense<0xFF800000> : vector<64xf32>
    %reduce_max3A_207 = vector.multi_reduction <maximumf>, %mul3A_205, %reduce_max3A_206 [0] : vector<2048x64xf32> to vector<64xf32>
    %stack3A = vector.shape_cast %reduce_max3A_52 : vector<64xf32> to vector<1x64xf32>
    %stack3A_208 = vector.shape_cast %reduce_max3A_57 : vector<64xf32> to vector<1x64xf32>
    %stack3A_209 = vector.shape_cast %reduce_max3A_62 : vector<64xf32> to vector<1x64xf32>
    %stack3A_210 = vector.shape_cast %reduce_max3A_67 : vector<64xf32> to vector<1x64xf32>
    %stack3A_211 = vector.shape_cast %reduce_max3A_72 : vector<64xf32> to vector<1x64xf32>
    %stack3A_212 = vector.shape_cast %reduce_max3A_77 : vector<64xf32> to vector<1x64xf32>
    %stack3A_213 = vector.shape_cast %reduce_max3A_82 : vector<64xf32> to vector<1x64xf32>
    %stack3A_214 = vector.shape_cast %reduce_max3A_87 : vector<64xf32> to vector<1x64xf32>
    %stack3A_215 = vector.shape_cast %reduce_max3A_92 : vector<64xf32> to vector<1x64xf32>
    %stack3A_216 = vector.shape_cast %reduce_max3A_97 : vector<64xf32> to vector<1x64xf32>
    %stack3A_217 = vector.shape_cast %reduce_max3A_102 : vector<64xf32> to vector<1x64xf32>
    %stack3A_218 = vector.shape_cast %reduce_max3A_107 : vector<64xf32> to vector<1x64xf32>
    %stack3A_219 = vector.shape_cast %reduce_max3A_112 : vector<64xf32> to vector<1x64xf32>
    %stack3A_220 = vector.shape_cast %reduce_max3A_117 : vector<64xf32> to vector<1x64xf32>
    %stack3A_221 = vector.shape_cast %reduce_max3A_122 : vector<64xf32> to vector<1x64xf32>
    %stack3A_222 = vector.shape_cast %reduce_max3A_127 : vector<64xf32> to vector<1x64xf32>
    %stack3A_223 = vector.shape_cast %reduce_max3A_132 : vector<64xf32> to vector<1x64xf32>
    %stack3A_224 = vector.shape_cast %reduce_max3A_137 : vector<64xf32> to vector<1x64xf32>
    %stack3A_225 = vector.shape_cast %reduce_max3A_142 : vector<64xf32> to vector<1x64xf32>
    %stack3A_226 = vector.shape_cast %reduce_max3A_147 : vector<64xf32> to vector<1x64xf32>
    %stack3A_227 = vector.shape_cast %reduce_max3A_152 : vector<64xf32> to vector<1x64xf32>
    %stack3A_228 = vector.shape_cast %reduce_max3A_157 : vector<64xf32> to vector<1x64xf32>
    %stack3A_229 = vector.shape_cast %reduce_max3A_162 : vector<64xf32> to vector<1x64xf32>
    %stack3A_230 = vector.shape_cast %reduce_max3A_167 : vector<64xf32> to vector<1x64xf32>
    %stack3A_231 = vector.shape_cast %reduce_max3A_172 : vector<64xf32> to vector<1x64xf32>
    %stack3A_232 = vector.shape_cast %reduce_max3A_177 : vector<64xf32> to vector<1x64xf32>
    %stack3A_233 = vector.shape_cast %reduce_max3A_182 : vector<64xf32> to vector<1x64xf32>
    %stack3A_234 = vector.shape_cast %reduce_max3A_187 : vector<64xf32> to vector<1x64xf32>
    %stack3A_235 = vector.shape_cast %reduce_max3A_192 : vector<64xf32> to vector<1x64xf32>
    %stack3A_236 = vector.shape_cast %reduce_max3A_197 : vector<64xf32> to vector<1x64xf32>
    %stack3A_237 = vector.shape_cast %reduce_max3A_202 : vector<64xf32> to vector<1x64xf32>
    %stack3A_238 = vector.shape_cast %reduce_max3A_207 : vector<64xf32> to vector<1x64xf32>
    %stack3A_239 = tpu.concatenate %stack3A, %stack3A_208, %stack3A_209, %stack3A_210, %stack3A_211, %stack3A_212, %stack3A_213, %stack3A_214, %stack3A_215, %stack3A_216, %stack3A_217, %stack3A_218, %stack3A_219, %stack3A_220, %stack3A_221, %stack3A_222, %stack3A_223, %stack3A_224, %stack3A_225, %stack3A_226, %stack3A_227, %stack3A_228, %stack3A_229, %stack3A_230, %stack3A_231, %stack3A_232, %stack3A_233, %stack3A_234, %stack3A_235, %stack3A_236, %stack3A_237, %stack3A_238 in 0 : vector<1x64xf32>, vector<1x64xf32>, vector<1x64xf32>, vector<1x64xf32>, vector<1x64xf32>, vector<1x64xf32>, vector<1x64xf32>, vector<1x64xf32>, vector<1x64xf32>, vector<1x64xf32>, vector<1x64xf32>, vector<1x64xf32>, vector<1x64xf32>, vector<1x64xf32>, vector<1x64xf32>, vector<1x64xf32>, vector<1x64xf32>, vector<1x64xf32>, vector<1x64xf32>, vector<1x64xf32>, vector<1x64xf32>, vector<1x64xf32>, vector<1x64xf32>, vector<1x64xf32>, vector<1x64xf32>, vector<1x64xf32>, vector<1x64xf32>, vector<1x64xf32>, vector<1x64xf32>, vector<1x64xf32>, vector<1x64xf32>, vector<1x64xf32> -> vector<32x64xf32>
    %eq3A_240 = arith.constant 0 : i32
    %eq3A_241 = arith.cmpi eq, %arg0, %eq3A_240 : i32
    %convert_element_type3A_242 = arith.extui %eq3A_241 : i1 to i32
    %cond3A = arith.constant 0 : i32
    %cond3A_243 = arith.cmpi ne, %convert_element_type3A_242, %cond3A : i32
    scf.if %cond3A_243 {
      %swap3A = arith.constant 0 : index
      %swap3A_248 = arith.constant 0 : index
      %swap3A_249 = vector.load %arg10[%swap3A, %swap3A_248] : memref<32x64xf32, #tpu.memory_space<vmem>>, vector<32x64xf32>
      tpu.vector_store %arg10[%swap3A, %swap3A_248], %stack3A_239 {strides = array<i32>} : memref<32x64xf32, #tpu.memory_space<vmem>>, vector<32x64xf32>,
    } else {
    }
    %gt3A = arith.constant 0 : i32
    %gt3A_244 = arith.cmpi sgt, %arg0, %gt3A : i32
    %convert_element_type3A_245 = arith.extui %gt3A_244 : i1 to i32
    %cond3A_246 = arith.constant 0 : i32
    %cond3A_247 = arith.cmpi ne, %convert_element_type3A_245, %cond3A_246 : i32
    scf.if %cond3A_247 {
      %get3A_248 = arith.constant 0 : index
      %get3A_249 = arith.constant 0 : index
      %get3A_250 = vector.load %arg10[%get3A_248, %get3A_249] : memref<32x64xf32, #tpu.memory_space<vmem>>, vector<32x64xf32>
      %max3A_251 = arith.maximumf %get3A_250, %stack3A_239 : vector<32x64xf32>
      %swap3A = arith.constant 0 : index
      %swap3A_252 = arith.constant 0 : index
      %swap3A_253 = vector.load %arg10[%swap3A, %swap3A_252] : memref<32x64xf32, #tpu.memory_space<vmem>>, vector<32x64xf32>
      tpu.vector_store %arg10[%swap3A, %swap3A_252], %max3A_251 {strides = array<i32>} : memref<32x64xf32, #tpu.memory_space<vmem>>, vector<32x64xf32>,
    } else {
    }
    return
  }
  func.func @transform_0(%arg0: i32) -> (i32, i32) {
    %c0_i32 = arith.constant 0 : i32
    %c0_i32_0 = arith.constant 0 : i32
    return %arg0, %c0_i32 : i32, i32
  }
  func.func @transform_1(%arg0: i32) -> (i32, i32) {
    %c0_i32 = arith.constant 0 : i32
    %c0_i32_0 = arith.constant 0 : i32
    return %arg0, %c0_i32 : i32, i32
  }
  func.func @transform_2(%arg0: i32) -> (i32, i32) {
    %c0_i32 = arith.constant 0 : i32
    %c0_i32_0 = arith.constant 0 : i32
    return %arg0, %c0_i32 : i32, i32
  }
  func.func @transform_3(%arg0: i32) -> (i32, i32) {
    %c0_i32 = arith.constant 0 : i32
    %c0_i32_0 = arith.constant 0 : i32
    return %arg0, %c0_i32 : i32, i32
  }
  func.func @transform_4(%arg0: i32) -> (i32, i32) {
    %c0_i32 = arith.constant 0 : i32
    %c0_i32_0 = arith.constant 0 : i32
    return %arg0, %c0_i32 : i32, i32
  }
  func.func @transform_5(%arg0: i32) -> (i32, i32) {
    %c0_i32 = arith.constant 0 : i32
    %c0_i32_0 = arith.constant 0 : i32
    %c0_i32_1 = arith.constant 0 : i32
    return %c0_i32, %c0_i32_0 : i32, i32
  }
  func.func @transform_6(%arg0: i32) -> (i32, i32) {
    %c0_i32 = arith.constant 0 : i32
    %c0_i32_0 = arith.constant 0 : i32
    %c0_i32_1 = arith.constant 0 : i32
    return %c0_i32, %c0_i32_0 : i32, i32
  }
  func.func @transform_7(%arg0: i32) -> (i32, i32) {
    %c0_i32 = arith.constant 0 : i32
    %c0_i32_0 = arith.constant 0 : i32
    %c0_i32_1 = arith.constant 0 : i32
    return %c0_i32, %c0_i32_0 : i32, i32
  }
  func.func @transform_8(%arg0: i32) -> (i32, i32) {
    %c0_i32 = arith.constant 0 : i32
    %c0_i32_0 = arith.constant 0 : i32
    %c0_i32_1 = arith.constant 0 : i32
    return %c0_i32, %c0_i32_0 : i32, i32
  }
  func.func @transform_9(%arg0: i32) -> (i32, i32) {
    %c0_i32 = arith.constant 0 : i32
    %c0_i32_0 = arith.constant 0 : i32
    %c0_i32_1 = arith.constant 0 : i32
    return %c0_i32, %c0_i32_0 : i32, i32
  }
}

</mosaic_0001>

<sc_bundles>
// kernel: kernel.12.cloned.1.call-start
scs
__scs_entry_jumppad:
0x0: {  	(pc) =	sbr.rel $0x88, $3  }
0x1: {  	(tag) =	ssettag $0x0;
	lr =	simm.s32 $0x1  }
0x2: {  	[smem:$0x3F92] =	sst lr;
	_ =	strace $0xD0000000  }
0x3: {  	_ = 	snop  }
0x4: {  	_ = 	snop  }
0x5: {  	_ = 	snop  }
0x6: {  	_ = 	snop  }
0x7: {  	_ = 	snop  }
__scs_overlays_trampoline_lowered:
0x8: {  	[smem:$0x3FA1] =	sst s0  }
0x9: {  	[smem:$0x3FA2] =	sst s1  }
0xa: {  	[smem:$0x3FA3] =	sst s2  }
0xb: {  	[smem:$0x3FA4] =	sst s3  }
0xc: {  	[smem:$0x3FA5] =	sst s4  }
0xd: {  	[smem:$0x3FA6] =	sst s5  }
0xe: {  	[smem:$0x3FA7] =	sst s6  }
0xf: {  	[smem:$0x3FA8] =	sst s7  }
0x10: {  	[smem:$0x3FA9] =	sst s8  }
0x11: {  	[smem:$0x3FAA] =	sst s9;
	s0 =	simm.s32 @!p0 $0x0  }
0x12: {  	s1 =	sld [smem:$0x3F90];
	s0 =	simm.s32 @p0 $0x1  }
0x13: {  	[smem:$0x3FAB] =	sst s0;
	s0 =	simm.s32 @!p1 $0x0  }
0x14: {  	s2 =	sld [smem:$0x3F8F];
	s0 =	simm.s32 @p1 $0x1  }
0x15: {  	[smem:$0x3FAC] =	sst s0;
	s0 =	simm.s32 @!p2 $0x0  }
0x16: {  	s3 =	sld [smem:$0x3FDB];
	s0 =	simm.s32 @p2 $0x1  }
0x17: {  	s4 =	simm.s32 $0x1BF5;
	[smem:$0x3FAE] =	sst s0  }
0x18: {  	s0 =	sld [smem:$0x3F91];
	_ =	swait.ge [sflag:s4], $0x0  }
0x19: {  	s7 =	sld [smem:$0x3F92]  }
0x1a: {  	s8 =	sadd.s32 $0xFFFFE003, lr  }
0x1b: {  	s9 =	sadd.s32 $0xFFFFFEF7, lr;
	s5 =	simm.s32 $0xFFFFFFFF;
	p2 =	slt.u32 s8, $0xFFFFF086  }
0x1c: {  	p1 =	slt.u32 s9, $0xF7A;
	s5 =	simm.s32 @!p2 $0x0  }
0x1d: {  	s5 =	simm.s32 @p1 $0x1;
	p0 =	seq.s32 s7, s2  }
0x1e: {  	s7 =	smul.u32 @!p0 $0xF7A, s2;
	p2 =	seq.s32 @!p0 s5, $0x0  }
0x1f: {  	s9 =	smul.u32 $0xF7A, s1;
	s8 =	simm.s32 @!p0 $0x1BF5;
	p2 =	por !p2, p0  }
0x20: {  	[sflag:s8] =	ssyncset.s32 @!p0 $0xFFFFF086;
	s6 =	sadd.s32 @!p0 s3, s7;
	s7 =	simm.s32 @!p0 $0x108  }
0x21: {  	s3 =	sadd.s32 s3, s9;
	s6 =	sadd.s32 @!p0 $0x88, s6;
	s7 =	simm.s32 @p2 $0x1082  }
0x22: {  	[simem:s7], [sflag:s8] =	dma.local @!p0 [hbm:s6], $0xF7A  }
0x23: {  	s9 =	sor.u32 $0xD0000000, s2;
	s6 =	simm.s32 $0x108;
	_ =	swait.ge @!p0 [sflag:s8], $0x0  }
0x24: {  	s3 =	sadd.s32 $0x88, s3;
	s6 =	simm.s32 @!p1 $0x1082;
	[sflag:s4] =	ssyncset.s32 $0xFFFFF086  }
0x25: {  	[simem:s6], [sflag:s4] =	dma.local [hbm:s3], $0xF7A  }
0x26: {  	[smem:$0x3F92] =	sst s1;
	(tag) =	ssettag s2;
	_ =	strace s9  }
0x27: {  	s1 =	sld [smem:$0x3FA2]  }
0x28: {  	s2 =	sld [smem:$0x3FA3]  }
0x29: {  	s4 =	sld [smem:$0x3FA5]  }
0x2a: {  	p0 =	seq.s32 s5, $0x0;
	s5 =	sld [smem:$0x3FA6]  }
0x2b: {  	s6 =	sld [smem:$0x3FA7]  }
0x2c: {  	s7 =	sld [smem:$0x3FA8]  }
0x2d: {  	s3 =	simm.s32 $0x108;
	s8 =	sld [smem:$0x3FA9]  }
0x2e: {  	s3 =	simm.s32 @!p0 $0x1082;
	s9 =	sld [smem:$0x3FAA]  }
0x2f: {  	lr =	sadd.s32 s0, s3;
	s0 =	sld [smem:$0x3FA1]  }
0x30: {  	s3 =	sld [smem:$0x3FA4]  }
0x31: {  	[smem:$0x3FAD] =	sst s10  }
0x32: {  	s10 =	sld [smem:$0x3FAB];
	_ =	sdelay $0x3  }
0x33: {  	p0 =	seq.s32 s10, $0x1;
	s10 =	sld [smem:$0x3FAD];
	_ =	sdelay $0x3  }
0x34: {  	[smem:$0x3FAD] =	sst s10  }
0x35: {  	s10 =	sld [smem:$0x3FAC];
	_ =	sdelay $0x3  }
0x36: {  	p1 =	seq.s32 s10, $0x1;
	s10 =	sld [smem:$0x3FAD];
	_ =	sdelay $0x3  }
0x37: {  	[smem:$0x3FAD] =	sst s10  }
0x38: {  	s10 =	sld [smem:$0x3FAE]  }
0x39: {  	_ = 	snop;
	(pc) =	sbr.ind lr, $3  }
0x3a: {  	_ = 	snop  }
0x3b: {  	_ = 	snop  }
0x3c: {  	p2 =	seq.s32 s10, $0x1;
	s10 =	sld [smem:$0x3FAD]  }
0x3d: {  	_ =	shalt  }
0x3e: {  	_ =	shalt  }
0x3f: {  	_ =	shalt  }
0x40: {  	_ =	shalt  }
0x41: {  	_ =	shalt  }
0x42: {  	_ =	shalt  }
0x43: {  	_ =	shalt  }
0x44: {  	_ =	shalt  }
0x45: {  	_ =	shalt  }
0x46: {  	_ =	shalt  }
0x47: {  	_ =	shalt  }
0x48: {  	_ =	shalt  }
0x49: {  	_ =	shalt  }
0x4a: {  	_ =	shalt  }
0x4b: {  	_ =	shalt  }
0x4c: {  	_ =	shalt  }
0x4d: {  	_ =	shalt  }
0x4e: {  	_ =	shalt  }
0x4f: {  	_ =	shalt  }
0x50: {  	_ =	shalt  }
0x51: {  	_ =	shalt  }
0x52: {  	_ =	shalt  }
0x53: {  	_ =	shalt  }
0x54: {  	_ =	shalt  }
0x55: {  	_ =	shalt  }
0x56: {  	_ =	shalt  }
0x57: {  	_ =	shalt  }
0x58: {  	_ =	shalt  }
0x59: {  	_ =	shalt  }
0x5a: {  	_ =	shalt  }
0x5b: {  	_ =	shalt  }
0x5c: {  	_ =	shalt  }
0x5d: {  	_ =	shalt  }
0x5e: {  	_ =	shalt  }
0x5f: {  	_ =	shalt  }
0x60: {  	_ =	shalt  }
0x61: {  	_ =	shalt  }
0x62: {  	_ =	shalt  }
0x63: {  	_ =	shalt  }
0x64: {  	_ =	shalt  }
0x65: {  	_ =	shalt  }
0x66: {  	_ =	shalt  }
0x67: {  	_ =	shalt  }
0x68: {  	_ =	shalt  }
0x69: {  	_ =	shalt  }
0x6a: {  	_ =	shalt  }
0x6b: {  	_ =	shalt  }
0x6c: {  	_ =	shalt  }
0x6d: {  	_ =	shalt  }
0x6e: {  	_ =	shalt  }
0x6f: {  	_ =	shalt  }
0x70: {  	_ =	shalt  }
0x71: {  	_ =	shalt  }
0x72: {  	_ =	shalt  }
0x73: {  	_ =	shalt  }
0x74: {  	_ =	shalt  }
0x75: {  	_ =	shalt  }
0x76: {  	_ =	shalt  }
0x77: {  	_ =	shalt  }
0x78: {  	_ =	shalt  }
0x79: {  	_ =	shalt  }
0x7a: {  	_ =	shalt  }
0x7b: {  	_ =	shalt  }
0x7c: {  	_ =	shalt  }
0x7d: {  	_ =	shalt  }
0x7e: {  	_ =	shalt  }
0x7f: {  	_ =	shalt  }
0x80: {  	_ =	shalt  }
0x81: {  	_ =	shalt  }
0x82: {  	_ =	shalt  }
0x83: {  	_ =	shalt  }
0x84: {  	_ =	shalt  }
0x85: {  	_ =	shalt  }
0x86: {  	_ =	shalt  }
0x87: {  	_ =	shalt  }
.Lfunc_end0:
.L_simem_size_0:
called_computation.1_lowered:
.L_overlay_start_0:
0x88: {  	s0 =	sld [smem:$0x3FD9]  }
0x89: {  	s1 =	sld [smem:$0x3FFE];
	_ =	sdelay $0x3  }
0x8a: {  	s0 =	sadd.s32 s1, s0  }
0x8b: {  	[smem:$0x3FB9] =	sst s0  }
0x8c: {  	_ = 	snop  }
0x8d: {  	(tm) =	ssettm $0x1  }
0x8e: {  	s15 =	sld [smem:$0x3FFB];
	_ =	sdelay $0x3  }
0x8f: {  	_ =	strace s15  }
0x90: {  	s0 =	sld [smem:$0x3FFC];
	_ =	sdelay $0x3  }
0x91: {  	_ =	strace s0  }
0x92: {  	s0 =	sld [smem:$0x3FFD];
	_ =	sdelay $0x3  }
0x93: {  	_ =	strace s0  }
0x94: {  	_ =	strace $0x8FFFFFFF  }
0x95: {  	s16 =	sld [smem:$0x3FDB];
	_ =	sdelay $0x1  }
0x96: {  	s17 =	simm.s32 $_scs_section_size  }
0x97: {  	s2 =	simm.s32 $_size__tile_overlayer_lowered;
	s3 =	simm.s32 $_tile_overlayer_lowered  }
0x98: {  	s20 =	simm.s32 $0x1BFF;
	s19 =	sshll.u32 s3, $0x1;
	s0 =	sadd.s32 s17, s16  }
0x99: {  	s4 =	simm.s32 $0x0;
	s18 =	sshll.u32 s2, $0x1;
	s2 =	sadd.s32 s19, s0  }
0x9a: {  	[timem:s4], [sflag:s20] =	dma.local [hbm:s2], s18  }
0x9b: {  	_ =	swait.ge [sflag:s20], s18  }
0x9c: {  	s1 =	ssub.s32 $0x0, s18;
	[sflag:s20] =	ssyncset.done $0x0  }
0x9d: {  	[sflag:s20] =	ssyncadd.s32 s1;
	_ =	sdelay $0x1  }
0x9e: {  	s21 =	simm.s32 $0x1B8B  }
0x9f: {  	_ =	swait.ge [sflag:s21], $0x1  }
0xa0: {  	[sflag:s21] =	ssyncset.done $0x0  }
0xa1: {  	s23 =	simm.s32 $0x1B8E;
	s22 =	sld [smem:$0x3FFE];
	[sflag:s21] =	ssyncadd.s32 $0xFFFFFFFF  }
0xa2: {  	s24 =	simm.s32 $execute0_lowered;
	[smem:$0x3FD2] =	sst s23  }
0xa3: {  	s2 =	sshll.u32 s24, $0x1;
	_ =	strace $0x80000046;
	[dreg:$0x1] =	wrdreg $0xFFFFFFFF  }
0xa4: {  	s25 =	simm.s32 $_size_execute0_lowered;
	s0 =	sadd.s32 s0, s2;
	[dreg:$0x0] =	wrdreg $0x0  }
0xa5: {  	s2 =	sshll.u32 s25, $0x1;
	[dreg:$0x2] =	wrdreg s0  }
0xa6: {  	[dreg:$0x3] =	wrdreg s2  }
0xa7: {  	[dreg:$0x4] =	wrdreg $0xC0  }
0xa8: {  	_ =	task [dreg:s4], $0x5FFFF  }
0xa9: {  	[dreg:$0x1] =	wrdreg $0xFFFFFFFF  }
0xaa: {  	[dreg:$0x0] =	wrdreg $0x60  }
0xab: {  	[dreg:$0x2] =	wrdreg s22  }
0xac: {  	[dreg:$0x3] =	wrdreg $0xF8000  }
0xad: {  	[dreg:$0x4] =	wrdreg $0xA  }
0xae: {  	_ =	task.clear_ibuf [dreg:s4], $0x5FFFF;
	_ =	strace $0x90000046  }
0xaf: {  	s26 =	simm.s32 $0xA;
	_ =	strace $0x80000048  }
0xb0: {  	_ =	swait.ge [sflag:s26], $0x1  }
0xb1: {  	[sflag:s26] =	ssyncadd.s32 $0xFFFFFFFF  }
0xb2: {  	_ =	strace $0x90000048  }
0xb3: {  	_ =	sfence  }
0xb4: {  	s28 =	sld [smem:$0x0];
	_ =	sdelay $0x1  }
0xb5: {  	s29 =	srdreg.scid  }
0xb6: {  	s30 =	sshll.u32 s29, $0xD;
	s31 =	sshrl.u32 s29, $0x2  }
0xb7: {  	s1 =	sand.u32 $0x1, s29;
	s2 =	sand.u32 $0x4000, s30;
	s0 =	sadd.s32 s31, s28  }
0xb8: {  	s1 =	sor.u32 s2, s1;
	s0 =	sshll.u32 s0, $0x11  }
0xb9: {  	s0 =	sor.u32 s0, s1  }
0xba: {  	s0 =	sadd.s32 $0x8F2B, s0  }
0xbb: {  	[sflag:s0] =	ssyncadd.remote.s32 $0x1  }
0xbc: {  	_ =	sfence.sel $0xFFFF  }
0xbd: {  	[dreg:$0x0] =	wrdreg $0xFFFFFFFF;
	(pc) =	sbr.abs _section_cstart, $3  }
0xbe: {  	[dreg:$0x1] =	wrdreg $0xFFFFFFFF  }
0xbf: {  	_ =	task.clear_ibuf [dreg:s4], $0x2FFFF;
	_ =	strace $0x9FFFFFFF  }
0xc0: {  	(tm) =	ssettm $0x7FFFFFFF  }
0xc1: {  	_ =	shalt  }
tec
execute0_lowered:
.L_overlay_start_1:
0x0: {  	(tag) =	ssettag $0x1  }
0x1: {  	s10 =	rddreg [dreg:$0x0]  }
0x2: {  	s2 =	rddreg [dreg:$0x1];
	s0 =	stileid.u32  }
0x3: {  	s4 =	simm.s32 $0x0;
	s13 =	simm.s32 $0x200;
	s14 =	simm.s32 $0x3800  }
0x4: {  	s15 =	simm.s32 $0x5800;
	s16 =	simm.s32 $0x400;
	s17 =	simm.s32 $0x7800  }
0x5: {  	s18 =	simm.s32 $0x600;
	s19 =	simm.s32 $0x9800;
	s1 =	smul.u32 $0xC800, s0  }
0x6: {  	s20 =	simm.s32 $0x800;
	[smem:$0x7FF] =	sst s4;
	s5 =	sshll.u32 s0, $0x6  }
0x7: {  	s7 =	sadd.s32 $0x4EA00, s10;
	_ =	strace $0x80000047;
	s6 =	sadd.s32 s1, s2  }
0x8: {  	s5 =	sor.u32 $0x1C03, s5;
	[dreg:$0x3] =	wrdreg s1;
	s6 =	sshrl.u32 s6, $0x3  }
0x9: {  	[spmem:s6], [sflag:s5] =	dma.local [hbm:s7], $0x1900  }
0xa: {  	s21 =	simm.s32 $0xB800;
	s22 =	simm.s32 $0x1;
	s7 =	simm.s32 $0x3  }
0xb: {  	s23 =	simm.s32 $0x2;
	s24 =	simm.s32 $0x0;
	_ =	swait.ge [sflag:s7], $0x1900  }
0xc: {  	s8 =	sadd.s32 $0x4A00, s10;
	s31 =	sadd.s32 $0x50400, s10;
	[sflag:s7] =	ssyncset.done $0x0  }
0xd: {  	s9 =	sadd.s32 $0x36200, s10;
	[dreg:$0x4] =	wrdreg s31;
	[sflag:s7] =	ssyncadd.s32 $0xFFFFE700  }
0xe: {  	s11 =	sadd.s32 $0x1DA00, s10;
	s12 =	smul.u32 $0xC400, s0;
	[bflag:$0x0] =	sbarrier.arrive $0xFFFF  }
.LBB2_1:
0xf: {  	s25 =	smul.u32 $0x1C00, s24;
	_ =	sdelay $0x1  }
0x10: {  	s25 =	sadd.s32 s12, s25  }
0x11: {  	s25 =	sshrl.u32 s25, $0x3  }
0x12: {  	s26 =	sadd.s32 s9, s25  }
0x13: {  	[tilespmem:s4], [sflag:$0x3] =	stream.linear.gather [hbm4b:s26+s4], $0x1C00, $0x38;
	[tilespmem:$0x1C000] =	vst v63  }
0x14: {  	_ =	swait.ge [sflag:s7], $0x1C00  }
0x15: {  	[sflag:s7] =	ssyncset.done $0x0  }
0x16: {  	s3 =	simm.s32 $0x1C00;
	s25 =	sadd.s32 s11, s25;
	[sflag:s7] =	ssyncadd.s32 $0xFFFFE400  }
0x17: {  	[tilespmem:s3], [sflag:$0x3] =	stream.linear.gather [hbm4b:s25+s4], $0x1C00, $0x38;
	[tilespmem:$0x1C000] =	vst v63  }
0x18: {  	_ =	swait.ge [sflag:s7], $0x1C00  }
0x19: {  	[sflag:s7] =	ssyncset.done $0x0  }
0x1a: {  	[sflag:s7] =	ssyncadd.s32 $0xFFFFE400  }
0x1b: {  	[tilespmem:s14], [sflag:$0x1] =	stream.indirect.gather [hbm4b:s8+s13], $0x10, s4, s13, $0xb8;
	[tilespmem:$0x1C000] =	vst v63  }
0x1c: {  	s10 =	smul.u32 $0xAB, s4;
	p0 =	por $0x0, $0x0  }
0x1d: {  	[tilespmem:s15], [sflag:$0x1] =	stream.indirect.gather [hbm4b:s8+s13], $0x10, s13, s13, $0xb8;
	[tilespmem:$0x1C000] =	vst v63  }
0x1e: {  	s28 =	simm.s32 @!p0 $0x5;
	s25 =	sshrl.u32 s10, $0xA  }
0x1f: {  	[tilespmem:s17], [sflag:$0x1] =	stream.indirect.gather [hbm4b:s8+s13], $0x10, s16, s13, $0xb8;
	[tilespmem:$0x1C000] =	vst v63  }
0x20: {  	p1 =	por $0x1, $0x1;
	s28 =	smul.u32 @!p0 $0xAB, s28;
	s25 =	sand.u32 $0x3F, s25  }
0x21: {  	[tilespmem:s19], [sflag:$0x1] =	stream.indirect.gather [hbm4b:s8+s13], $0x10, s18, s13, $0xb8;
	[tilespmem:$0x1C000] =	vst v63  }
0x22: {  	s29 =	simm.s32 @!p1 $0x2;
	s28 =	sshrl.u32 @!p0 s28, $0xA;
	s25 =	smul.u32 $0x6, s25  }
0x23: {  	[tilespmem:s21], [sflag:$0x1] =	stream.indirect.gather [hbm4b:s8+s13], $0x10, s20, s13, $0xb8;
	[tilespmem:$0x1C000] =	vst v63  }
0x24: {  	s28 =	sand.u32 @!p0 $0x3F, s28;
	_ =	swait.ge @!p1 [sflag:s29], $0x2000  }
0x25: {  	s28 =	smul.u32 @!p0 $0x6, s28;
	s25 =	ssub.s32 $0x0, s25;
	[sflag:s29] =	ssyncset.done @!p1 $0x0  }
0x26: {  	s26 =	simm.s32 $0x1;
	[sflag:s29] =	ssyncadd.s32 @!p1 $0xFFFFE000;
	s29 =	sand.u32 $0xFF, s25  }
0x27: {  	s30 =	ssub.s32 @!p0 $0x5, s28;
	_ =	swait.ge [sflag:s22], $0x2000;
	s29 =	sshll.u32 s29, $0xD  }
0x28: {  	s25 =	simm.s32 $0xA00;
	[sflag:s22] =	ssyncset.done $0x0;
	s28 =	sadd.s32 $0x3800, s29  }
0x29: {  	s29 =	sand.u32 @!p0 $0xFF, s30;
	s30 =	simm.s32 @!p0 $0x200;
	[sflag:s22] =	ssyncadd.s32 $0xFFFFE000  }
0x2a: {  	[spmem:s2] =	stream.indirect.scatter.add.f32 [tilespmem:s28], [sflag:$0x2], $0x10, s3, s13, $0xb8;
	[tilespmem:$0x1C000] =	vst v63  }
0x2b: {  	s31 =	sshll.u32 @!p0 s29, $0xD;
	s29 =	simm.s32 $0xC00;
	s28 =	simm.s32 $0x1E00  }
.LBB2_2:
0x2c: {  	s0 =	smul.u32 $0xAB, s26;
	s31 =	sadd.s32 @!p0 $0x3800, s31;
	s10 =	smov.u32 s26  }
0x2d: {  	s1 =	smov.u32 s28;
	p1 =	por p0, p0;
	p0 =	sgt.u32 s26, $0x8  }
0x2e: {  	[tilespmem:s31], [sflag:$0x1] =	stream.indirect.gather @!p1 [hbm4b:s8+s30], $0x10, s25, s30, $0xb8;
	[tilespmem:$0x1C000] =	vst v63  }
0x2f: {  	s26 =	sadd.s32 $0x1, s26;
	s30 =	sadd.s32 @!p0 $0x5, s10;
	s25 =	smov.u32 s29  }
0x30: {  	p2 =	seq.s32 s10, $0x0;
	s0 =	sshrl.u32 s0, $0xA;
	s31 =	smul.u32 @!p0 $0xAB, s30  }
0x31: {  	p1 =	sne.s32 s26, $0xE;
	s3 =	simm.s32 @!p2 $0x2;
	s0 =	sand.u32 $0x3F, s0  }
0x32: {  	s0 =	smul.u32 $0x6, s0;
	s31 =	sshrl.u32 @!p0 s31, $0xA;
	_ =	swait.ge @!p2 [sflag:s3], $0x2000  }
0x33: {  	s28 =	sadd.s32 $0x200, s28;
	s31 =	sand.u32 @!p0 $0x3F, s31;
	[sflag:s3] =	ssyncset.done @!p2 $0x0  }
0x34: {  	s0 =	ssub.s32 s10, s0;
	[sflag:s3] =	ssyncadd.s32 @!p2 $0xFFFFE000;
	s3 =	smul.u32 @!p0 $0x6, s31  }
.Ltmp0:
0x35: {  	s0 =	sand.u32 $0xFF, s0;
	_ =	swait.ge [sflag:s22], $0x2000;
	(pc) =	sbr.rel @p1 .LBB2_2-.Ltmp0, $4  }
0x36: {  	s0 =	sshll.u32 s0, $0xD;
	[sflag:s22] =	ssyncset.done $0x0;
	s3 =	ssub.s32 @!p0 s30, s3  }
0x37: {  	s0 =	sadd.s32 $0x3800, s0;
	[sflag:s22] =	ssyncadd.s32 $0xFFFFE000;
	s3 =	sand.u32 @!p0 $0xFF, s3  }
0x38: {  	[spmem:s2] =	stream.indirect.scatter.add.f32 [tilespmem:s0], [sflag:$0x2], $0x10, s1, s13, $0xb8;
	[tilespmem:$0x1C000] =	vst v63  }
0x39: {  	s29 =	sadd.s32 $0x200, s29;
	s30 =	simm.s32 @!p0 $0x200;
	s31 =	sshll.u32 @!p0 s3, $0xD  }
0x3a: {  	s0 =	sadd.s32 @!p0 $0x3800, s31;
	p0 =	por p0, p0;
	s24 =	sadd.s32 $0x1, s24  }
0x3b: {  	[tilespmem:s0], [sflag:$0x1] =	stream.indirect.gather @!p0 [hbm4b:s8+s30], $0x10, s25, s30, $0xb8;
	[tilespmem:$0x1C000] =	vst v63  }
0x3c: {  	p0 =	sne.s32 s24, $0x7  }
.Ltmp1:
0x3d: {  	_ = 	snop;
	(pc) =	sbr.rel @p0 .LBB2_1-.Ltmp1, $4  }
0x3e: {  	_ = 	snop  }
0x3f: {  	_ =	swait.ge [sflag:s23], $0x2000  }
0x40: {  	[sflag:s23] =	ssyncset.done $0x0  }
0x41: {  	[sflag:s23] =	ssyncadd.s32 $0xFFFFE000  }
0x42: {  	s0 =	rddreg [dreg:$0x3]  }
0x43: {  	s1 =	rddreg [dreg:$0x4];
	s0 =	sshrl.u32 s0, $0x3  }
0x44: {  	[bflag:$0x0] =	sbarrier.arrive $0xFFFF;
	s30 =	simm.s32 $0x3;
	s0 =	sadd.s32 s1, s0  }
0x45: {  	[hbm:s0], [sflag:s5] =	dma.local [spmem:s6], $0x1900  }
0x46: {  	_ =	swait.ge [sflag:s30], $0x1900  }
0x47: {  	[sflag:s30] =	ssyncset.done $0x0  }
0x48: {  	[sflag:s30] =	ssyncadd.s32 $0xFFFFE700  }
0x49: {  	_ =	sfence.sel $0x180000  }
0x4a: {  	[bflag:$0x0] =	sbarrier.arrive $0xFFFF  }
0x4b: {  	_ =	strace $0x90000047  }
0x4c: {  	s31 =	stileid.u32;
	[bflag:$0x2] =	sbarrier.arrive $0xFFFF  }
0x4d: {  	p0 =	sne.s32 s31, $0x0;
	s0 =	rddreg [dreg:$0x2]  }
0x4e: {  	s0 =	sadd.s32 @!p0 $0x100000, s0  }
0x4f: {  	[sflag:s0] =	ssyncadd.tile.s32 @!p0 $0x1;
	_ =	shalt  }
.Lfunc_end2:
_tile_overlayer_lowered:
.L_overlay_start_2:
0x50: {  	(tag) =	ssettag $0x2  }
0x51: {  	s0 =	rddreg [dreg:$0x0];
	s2 =	stileid.u32  }
0x52: {  	s1 =	rddreg [dreg:$0x1];
	p0 =	sne.s32 s2, $0x0  }
0x53: {  	s3 =	rddreg [dreg:$0x2];
	[bflag:$0x3] =	sbarrier.arrive $0xFFFF;
	s2 =	simm.s32 @!p0 $0x1C03  }
0x54: {  	[timem:s3], [sflag:s2] =	dma.local @!p0 [hbm:s0], s1  }
0x55: {  	s0 =	simm.s32 @!p0 $0x3  }
0x56: {  	_ =	swait.ge @!p0 [sflag:s0], s1  }
0x57: {  	s1 =	ssub.s32 @!p0 $0x0, s1;
	[sflag:s0] =	ssyncset.done @!p0 $0x0  }
0x58: {  	[sflag:s0] =	ssyncadd.s32 @!p0 s1  }
0x59: {  	[bflag:$0x3] =	sbarrier.arrive $0xFFFF  }
0x5a: {  	_ =	shalt  }

// kernel: kernel.15.cloned.1.call-start
scs
__scs_entry_jumppad:
0x0: {  	(pc) =	sbr.rel $0x88, $3  }
0x1: {  	(tag) =	ssettag $0x0;
	lr =	simm.s32 $0x1  }
0x2: {  	[smem:$0x3F92] =	sst lr;
	_ =	strace $0xD0000000  }
0x3: {  	_ = 	snop  }
0x4: {  	_ = 	snop  }
0x5: {  	_ = 	snop  }
0x6: {  	_ = 	snop  }
0x7: {  	_ = 	snop  }
__scs_overlays_trampoline_lowered:
0x8: {  	[smem:$0x3FA1] =	sst s0  }
0x9: {  	[smem:$0x3FA2] =	sst s1  }
0xa: {  	[smem:$0x3FA3] =	sst s2  }
0xb: {  	[smem:$0x3FA4] =	sst s3  }
0xc: {  	[smem:$0x3FA5] =	sst s4  }
0xd: {  	[smem:$0x3FA6] =	sst s5  }
0xe: {  	[smem:$0x3FA7] =	sst s6  }
0xf: {  	[smem:$0x3FA8] =	sst s7  }
0x10: {  	[smem:$0x3FA9] =	sst s8  }
0x11: {  	[smem:$0x3FAA] =	sst s9;
	s0 =	simm.s32 @!p0 $0x0  }
0x12: {  	s1 =	sld [smem:$0x3F90];
	s0 =	simm.s32 @p0 $0x1  }
0x13: {  	[smem:$0x3FAB] =	sst s0;
	s0 =	simm.s32 @!p1 $0x0  }
0x14: {  	s2 =	sld [smem:$0x3F8F];
	s0 =	simm.s32 @p1 $0x1  }
0x15: {  	[smem:$0x3FAC] =	sst s0;
	s0 =	simm.s32 @!p2 $0x0  }
0x16: {  	s3 =	sld [smem:$0x3FDB];
	s0 =	simm.s32 @p2 $0x1  }
0x17: {  	s4 =	simm.s32 $0x1BF5;
	[smem:$0x3FAE] =	sst s0  }
0x18: {  	s0 =	sld [smem:$0x3F91];
	_ =	swait.ge [sflag:s4], $0x0  }
0x19: {  	s7 =	sld [smem:$0x3F92]  }
0x1a: {  	s8 =	sadd.s32 $0xFFFFE003, lr  }
0x1b: {  	s9 =	sadd.s32 $0xFFFFFEF7, lr;
	s5 =	simm.s32 $0xFFFFFFFF;
	p2 =	slt.u32 s8, $0xFFFFF086  }
0x1c: {  	p1 =	slt.u32 s9, $0xF7A;
	s5 =	simm.s32 @!p2 $0x0  }
0x1d: {  	s5 =	simm.s32 @p1 $0x1;
	p0 =	seq.s32 s7, s2  }
0x1e: {  	s7 =	smul.u32 @!p0 $0xF7A, s2;
	p2 =	seq.s32 @!p0 s5, $0x0  }
0x1f: {  	s9 =	smul.u32 $0xF7A, s1;
	s8 =	simm.s32 @!p0 $0x1BF5;
	p2 =	por !p2, p0  }
0x20: {  	[sflag:s8] =	ssyncset.s32 @!p0 $0xFFFFF086;
	s6 =	sadd.s32 @!p0 s3, s7;
	s7 =	simm.s32 @!p0 $0x108  }
0x21: {  	s3 =	sadd.s32 s3, s9;
	s6 =	sadd.s32 @!p0 $0x88, s6;
	s7 =	simm.s32 @p2 $0x1082  }
0x22: {  	[simem:s7], [sflag:s8] =	dma.local @!p0 [hbm:s6], $0xF7A  }
0x23: {  	s9 =	sor.u32 $0xD0000000, s2;
	s6 =	simm.s32 $0x108;
	_ =	swait.ge @!p0 [sflag:s8], $0x0  }
0x24: {  	s3 =	sadd.s32 $0x88, s3;
	s6 =	simm.s32 @!p1 $0x1082;
	[sflag:s4] =	ssyncset.s32 $0xFFFFF086  }
0x25: {  	[simem:s6], [sflag:s4] =	dma.local [hbm:s3], $0xF7A  }
0x26: {  	[smem:$0x3F92] =	sst s1;
	(tag) =	ssettag s2;
	_ =	strace s9  }
0x27: {  	s1 =	sld [smem:$0x3FA2]  }
0x28: {  	s2 =	sld [smem:$0x3FA3]  }
0x29: {  	s4 =	sld [smem:$0x3FA5]  }
0x2a: {  	p0 =	seq.s32 s5, $0x0;
	s5 =	sld [smem:$0x3FA6]  }
0x2b: {  	s6 =	sld [smem:$0x3FA7]  }
0x2c: {  	s7 =	sld [smem:$0x3FA8]  }
0x2d: {  	s3 =	simm.s32 $0x108;
	s8 =	sld [smem:$0x3FA9]  }
0x2e: {  	s3 =	simm.s32 @!p0 $0x1082;
	s9 =	sld [smem:$0x3FAA]  }
0x2f: {  	lr =	sadd.s32 s0, s3;
	s0 =	sld [smem:$0x3FA1]  }
0x30: {  	s3 =	sld [smem:$0x3FA4]  }
0x31: {  	[smem:$0x3FAD] =	sst s10  }
0x32: {  	s10 =	sld [smem:$0x3FAB];
	_ =	sdelay $0x3  }
0x33: {  	p0 =	seq.s32 s10, $0x1;
	s10 =	sld [smem:$0x3FAD];
	_ =	sdelay $0x3  }
0x34: {  	[smem:$0x3FAD] =	sst s10  }
0x35: {  	s10 =	sld [smem:$0x3FAC];
	_ =	sdelay $0x3  }
0x36: {  	p1 =	seq.s32 s10, $0x1;
	s10 =	sld [smem:$0x3FAD];
	_ =	sdelay $0x3  }
0x37: {  	[smem:$0x3FAD] =	sst s10  }
0x38: {  	s10 =	sld [smem:$0x3FAE]  }
0x39: {  	_ = 	snop;
	(pc) =	sbr.ind lr, $3  }
0x3a: {  	_ = 	snop  }
0x3b: {  	_ = 	snop  }
0x3c: {  	p2 =	seq.s32 s10, $0x1;
	s10 =	sld [smem:$0x3FAD]  }
0x3d: {  	_ =	shalt  }
0x3e: {  	_ =	shalt  }
0x3f: {  	_ =	shalt  }
0x40: {  	_ =	shalt  }
0x41: {  	_ =	shalt  }
0x42: {  	_ =	shalt  }
0x43: {  	_ =	shalt  }
0x44: {  	_ =	shalt  }
0x45: {  	_ =	shalt  }
0x46: {  	_ =	shalt  }
0x47: {  	_ =	shalt  }
0x48: {  	_ =	shalt  }
0x49: {  	_ =	shalt  }
0x4a: {  	_ =	shalt  }
0x4b: {  	_ =	shalt  }
0x4c: {  	_ =	shalt  }
0x4d: {  	_ =	shalt  }
0x4e: {  	_ =	shalt  }
0x4f: {  	_ =	shalt  }
0x50: {  	_ =	shalt  }
0x51: {  	_ =	shalt  }
0x52: {  	_ =	shalt  }
0x53: {  	_ =	shalt  }
0x54: {  	_ =	shalt  }
0x55: {  	_ =	shalt  }
0x56: {  	_ =	shalt  }
0x57: {  	_ =	shalt  }
0x58: {  	_ =	shalt  }
0x59: {  	_ =	shalt  }
0x5a: {  	_ =	shalt  }
0x5b: {  	_ =	shalt  }
0x5c: {  	_ =	shalt  }
0x5d: {  	_ =	shalt  }
0x5e: {  	_ =	shalt  }
0x5f: {  	_ =	shalt  }
0x60: {  	_ =	shalt  }
0x61: {  	_ =	shalt  }
0x62: {  	_ =	shalt  }
0x63: {  	_ =	shalt  }
0x64: {  	_ =	shalt  }
0x65: {  	_ =	shalt  }
0x66: {  	_ =	shalt  }
0x67: {  	_ =	shalt  }
0x68: {  	_ =	shalt  }
0x69: {  	_ =	shalt  }
0x6a: {  	_ =	shalt  }
0x6b: {  	_ =	shalt  }
0x6c: {  	_ =	shalt  }
0x6d: {  	_ =	shalt  }
0x6e: {  	_ =	shalt  }
0x6f: {  	_ =	shalt  }
0x70: {  	_ =	shalt  }
0x71: {  	_ =	shalt  }
0x72: {  	_ =	shalt  }
0x73: {  	_ =	shalt  }
0x74: {  	_ =	shalt  }
0x75: {  	_ =	shalt  }
0x76: {  	_ =	shalt  }
0x77: {  	_ =	shalt  }
0x78: {  	_ =	shalt  }
0x79: {  	_ =	shalt  }
0x7a: {  	_ =	shalt  }
0x7b: {  	_ =	shalt  }
0x7c: {  	_ =	shalt  }
0x7d: {  	_ =	shalt  }
0x7e: {  	_ =	shalt  }
0x7f: {  	_ =	shalt  }
0x80: {  	_ =	shalt  }
0x81: {  	_ =	shalt  }
0x82: {  	_ =	shalt  }
0x83: {  	_ =	shalt  }
0x84: {  	_ =	shalt  }
0x85: {  	_ =	shalt  }
0x86: {  	_ =	shalt  }
0x87: {  	_ =	shalt  }
.Lfunc_end0:
.L_simem_size_0:
called_computation.2_lowered:
.L_overlay_start_0:
0x88: {  	s0 =	sld [smem:$0x3FD9]  }
0x89: {  	s1 =	sld [smem:$0x3FFE];
	_ =	sdelay $0x3  }
0x8a: {  	s0 =	sadd.s32 s1, s0  }
0x8b: {  	[smem:$0x3FB9] =	sst s0  }
0x8c: {  	_ = 	snop  }
0x8d: {  	(tm) =	ssettm $0x1  }
0x8e: {  	s15 =	sld [smem:$0x3FFB];
	_ =	sdelay $0x3  }
0x8f: {  	_ =	strace s15  }
0x90: {  	s0 =	sld [smem:$0x3FFC];
	_ =	sdelay $0x3  }
0x91: {  	_ =	strace s0  }
0x92: {  	s0 =	sld [smem:$0x3FFD];
	_ =	sdelay $0x3  }
0x93: {  	_ =	strace s0  }
0x94: {  	_ =	strace $0x8FFFFFFF  }
0x95: {  	s16 =	sld [smem:$0x3FDB];
	_ =	sdelay $0x1  }
0x96: {  	s17 =	simm.s32 $_scs_section_size  }
0x97: {  	s2 =	simm.s32 $_size__tile_overlayer_lowered;
	s3 =	simm.s32 $_tile_overlayer_lowered  }
0x98: {  	s20 =	simm.s32 $0x1BFF;
	s19 =	sshll.u32 s3, $0x1;
	s0 =	sadd.s32 s17, s16  }
0x99: {  	s4 =	simm.s32 $0x0;
	s18 =	sshll.u32 s2, $0x1;
	s2 =	sadd.s32 s19, s0  }
0x9a: {  	[timem:s4], [sflag:s20] =	dma.local [hbm:s2], s18  }
0x9b: {  	_ =	swait.ge [sflag:s20], s18  }
0x9c: {  	s1 =	ssub.s32 $0x0, s18;
	[sflag:s20] =	ssyncset.done $0x0  }
0x9d: {  	[sflag:s20] =	ssyncadd.s32 s1;
	_ =	sdelay $0x1  }
0x9e: {  	s21 =	simm.s32 $0x1B8B  }
0x9f: {  	_ =	swait.ge [sflag:s21], $0x1  }
0xa0: {  	[sflag:s21] =	ssyncset.done $0x0  }
0xa1: {  	s23 =	simm.s32 $0x1B8E;
	s22 =	sld [smem:$0x3FFE];
	[sflag:s21] =	ssyncadd.s32 $0xFFFFFFFF  }
0xa2: {  	s24 =	simm.s32 $execute0_lowered;
	[smem:$0x3FD2] =	sst s23  }
0xa3: {  	s2 =	sshll.u32 s24, $0x1;
	_ =	strace $0x8000004F;
	[dreg:$0x1] =	wrdreg $0xFFFFFFFF  }
0xa4: {  	s25 =	simm.s32 $_size_execute0_lowered;
	s0 =	sadd.s32 s0, s2;
	[dreg:$0x0] =	wrdreg $0x0  }
0xa5: {  	s2 =	sshll.u32 s25, $0x1;
	[dreg:$0x2] =	wrdreg s0  }
0xa6: {  	[dreg:$0x3] =	wrdreg s2  }
0xa7: {  	[dreg:$0x4] =	wrdreg $0xC0  }
0xa8: {  	_ =	task [dreg:s4], $0x5FFFF  }
0xa9: {  	[dreg:$0x1] =	wrdreg $0xFFFFFFFF  }
0xaa: {  	[dreg:$0x0] =	wrdreg $0x60  }
0xab: {  	[dreg:$0x2] =	wrdreg s22  }
0xac: {  	[dreg:$0x3] =	wrdreg $0xF8000  }
0xad: {  	[dreg:$0x4] =	wrdreg $0x9  }
0xae: {  	_ =	task.clear_ibuf [dreg:s4], $0x5FFFF;
	_ =	strace $0x9000004F  }
0xaf: {  	s26 =	simm.s32 $0x9;
	_ =	strace $0x80000051  }
0xb0: {  	_ =	swait.ge [sflag:s26], $0x1  }
0xb1: {  	[sflag:s26] =	ssyncadd.s32 $0xFFFFFFFF  }
0xb2: {  	_ =	strace $0x90000051  }
0xb3: {  	_ =	sfence  }
0xb4: {  	s28 =	sld [smem:$0x0];
	_ =	sdelay $0x1  }
0xb5: {  	s29 =	srdreg.scid  }
0xb6: {  	s30 =	sshll.u32 s29, $0xD;
	s31 =	sshrl.u32 s29, $0x2  }
0xb7: {  	s1 =	sand.u32 $0x1, s29;
	s2 =	sand.u32 $0x4000, s30;
	s0 =	sadd.s32 s31, s28  }
0xb8: {  	s1 =	sor.u32 s2, s1;
	s0 =	sshll.u32 s0, $0x11  }
0xb9: {  	s0 =	sor.u32 s0, s1  }
0xba: {  	s0 =	sadd.s32 $0x8F2B, s0  }
0xbb: {  	[sflag:s0] =	ssyncadd.remote.s32 $0x1  }
0xbc: {  	_ =	sfence.sel $0xFFFF  }
0xbd: {  	[dreg:$0x0] =	wrdreg $0xFFFFFFFF;
	(pc) =	sbr.abs _section_cstart, $3  }
0xbe: {  	[dreg:$0x1] =	wrdreg $0xFFFFFFFF  }
0xbf: {  	_ =	task.clear_ibuf [dreg:s4], $0x2FFFF;
	_ =	strace $0x9FFFFFFF  }
0xc0: {  	(tm) =	ssettm $0x7FFFFFFF  }
0xc1: {  	_ =	shalt  }
tec
execute0_lowered:
.L_overlay_start_1:
0x0: {  	(tag) =	ssettag $0x1  }
0x1: {  	s10 =	rddreg [dreg:$0x0]  }
0x2: {  	s2 =	rddreg [dreg:$0x1];
	s0 =	stileid.u32  }
0x3: {  	s4 =	simm.s32 $0x0;
	s13 =	simm.s32 $0x200;
	s14 =	simm.s32 $0x3800  }
0x4: {  	s15 =	simm.s32 $0x5800;
	s16 =	simm.s32 $0x400;
	s17 =	simm.s32 $0x7800  }
0x5: {  	s18 =	simm.s32 $0x600;
	s19 =	simm.s32 $0x9800;
	s1 =	smul.u32 $0xC800, s0  }
0x6: {  	s20 =	simm.s32 $0x800;
	[smem:$0x7FF] =	sst s4;
	s5 =	sshll.u32 s0, $0x6  }
0x7: {  	s7 =	sadd.s32 $0x4EA00, s10;
	_ =	strace $0x80000050;
	s6 =	sadd.s32 s1, s2  }
0x8: {  	s5 =	sor.u32 $0x1C03, s5;
	[dreg:$0x3] =	wrdreg s1;
	s6 =	sshrl.u32 s6, $0x3  }
0x9: {  	[spmem:s6], [sflag:s5] =	dma.local [hbm:s7], $0x1900  }
0xa: {  	s21 =	simm.s32 $0xB800;
	s22 =	simm.s32 $0x1;
	s7 =	simm.s32 $0x3  }
0xb: {  	s23 =	simm.s32 $0x2;
	s24 =	simm.s32 $0x0;
	_ =	swait.ge [sflag:s7], $0x1900  }
0xc: {  	s8 =	sadd.s32 $0x69400, s10;
	s31 =	sadd.s32 $0x82400, s10;
	[sflag:s7] =	ssyncset.done $0x0  }
0xd: {  	s9 =	sadd.s32 $0x36200, s10;
	[dreg:$0x4] =	wrdreg s31;
	[sflag:s7] =	ssyncadd.s32 $0xFFFFE700  }
0xe: {  	s11 =	sadd.s32 $0x1DA00, s10;
	s12 =	smul.u32 $0xC400, s0;
	[bflag:$0x0] =	sbarrier.arrive $0xFFFF  }
.LBB2_1:
0xf: {  	s25 =	smul.u32 $0x1C00, s24;
	_ =	sdelay $0x1  }
0x10: {  	s25 =	sadd.s32 s12, s25  }
0x11: {  	s25 =	sshrl.u32 s25, $0x3  }
0x12: {  	s26 =	sadd.s32 s9, s25  }
0x13: {  	[tilespmem:s4], [sflag:$0x3] =	stream.linear.gather [hbm4b:s26+s4], $0x1C00, $0x38;
	[tilespmem:$0x1C000] =	vst v63  }
0x14: {  	_ =	swait.ge [sflag:s7], $0x1C00  }
0x15: {  	[sflag:s7] =	ssyncset.done $0x0  }
0x16: {  	s3 =	simm.s32 $0x1C00;
	s25 =	sadd.s32 s11, s25;
	[sflag:s7] =	ssyncadd.s32 $0xFFFFE400  }
0x17: {  	[tilespmem:s3], [sflag:$0x3] =	stream.linear.gather [hbm4b:s25+s4], $0x1C00, $0x38;
	[tilespmem:$0x1C000] =	vst v63  }
0x18: {  	_ =	swait.ge [sflag:s7], $0x1C00  }
0x19: {  	[sflag:s7] =	ssyncset.done $0x0  }
0x1a: {  	[sflag:s7] =	ssyncadd.s32 $0xFFFFE400  }
0x1b: {  	[tilespmem:s14], [sflag:$0x1] =	stream.indirect.gather [hbm4b:s8+s13], $0x10, s4, s13, $0xb8;
	[tilespmem:$0x1C000] =	vst v63  }
0x1c: {  	s10 =	smul.u32 $0xAB, s4;
	p0 =	por $0x0, $0x0  }
0x1d: {  	[tilespmem:s15], [sflag:$0x1] =	stream.indirect.gather [hbm4b:s8+s13], $0x10, s13, s13, $0xb8;
	[tilespmem:$0x1C000] =	vst v63  }
0x1e: {  	s28 =	simm.s32 @!p0 $0x5;
	s25 =	sshrl.u32 s10, $0xA  }
0x1f: {  	[tilespmem:s17], [sflag:$0x1] =	stream.indirect.gather [hbm4b:s8+s13], $0x10, s16, s13, $0xb8;
	[tilespmem:$0x1C000] =	vst v63  }
0x20: {  	p1 =	por $0x1, $0x1;
	s28 =	smul.u32 @!p0 $0xAB, s28;
	s25 =	sand.u32 $0x3F, s25  }
0x21: {  	[tilespmem:s19], [sflag:$0x1] =	stream.indirect.gather [hbm4b:s8+s13], $0x10, s18, s13, $0xb8;
	[tilespmem:$0x1C000] =	vst v63  }
0x22: {  	s29 =	simm.s32 @!p1 $0x2;
	s28 =	sshrl.u32 @!p0 s28, $0xA;
	s25 =	smul.u32 $0x6, s25  }
0x23: {  	[tilespmem:s21], [sflag:$0x1] =	stream.indirect.gather [hbm4b:s8+s13], $0x10, s20, s13, $0xb8;
	[tilespmem:$0x1C000] =	vst v63  }
0x24: {  	s28 =	sand.u32 @!p0 $0x3F, s28;
	_ =	swait.ge @!p1 [sflag:s29], $0x2000  }
0x25: {  	s28 =	smul.u32 @!p0 $0x6, s28;
	s25 =	ssub.s32 $0x0, s25;
	[sflag:s29] =	ssyncset.done @!p1 $0x0  }
0x26: {  	s26 =	simm.s32 $0x1;
	[sflag:s29] =	ssyncadd.s32 @!p1 $0xFFFFE000;
	s29 =	sand.u32 $0xFF, s25  }
0x27: {  	s30 =	ssub.s32 @!p0 $0x5, s28;
	_ =	swait.ge [sflag:s22], $0x2000;
	s29 =	sshll.u32 s29, $0xD  }
0x28: {  	s25 =	simm.s32 $0xA00;
	[sflag:s22] =	ssyncset.done $0x0;
	s28 =	sadd.s32 $0x3800, s29  }
0x29: {  	s29 =	sand.u32 @!p0 $0xFF, s30;
	s30 =	simm.s32 @!p0 $0x200;
	[sflag:s22] =	ssyncadd.s32 $0xFFFFE000  }
0x2a: {  	[spmem:s2] =	stream.indirect.scatter.add.f32 [tilespmem:s28], [sflag:$0x2], $0x10, s3, s13, $0xb8;
	[tilespmem:$0x1C000] =	vst v63  }
0x2b: {  	s31 =	sshll.u32 @!p0 s29, $0xD;
	s29 =	simm.s32 $0xC00;
	s28 =	simm.s32 $0x1E00  }
.LBB2_2:
0x2c: {  	s0 =	smul.u32 $0xAB, s26;
	s31 =	sadd.s32 @!p0 $0x3800, s31;
	s10 =	smov.u32 s26  }
0x2d: {  	s1 =	smov.u32 s28;
	p1 =	por p0, p0;
	p0 =	sgt.u32 s26, $0x8  }
0x2e: {  	[tilespmem:s31], [sflag:$0x1] =	stream.indirect.gather @!p1 [hbm4b:s8+s30], $0x10, s25, s30, $0xb8;
	[tilespmem:$0x1C000] =	vst v63  }
0x2f: {  	s26 =	sadd.s32 $0x1, s26;
	s30 =	sadd.s32 @!p0 $0x5, s10;
	s25 =	smov.u32 s29  }
0x30: {  	p2 =	seq.s32 s10, $0x0;
	s0 =	sshrl.u32 s0, $0xA;
	s31 =	smul.u32 @!p0 $0xAB, s30  }
0x31: {  	p1 =	sne.s32 s26, $0xE;
	s3 =	simm.s32 @!p2 $0x2;
	s0 =	sand.u32 $0x3F, s0  }
0x32: {  	s0 =	smul.u32 $0x6, s0;
	s31 =	sshrl.u32 @!p0 s31, $0xA;
	_ =	swait.ge @!p2 [sflag:s3], $0x2000  }
0x33: {  	s28 =	sadd.s32 $0x200, s28;
	s31 =	sand.u32 @!p0 $0x3F, s31;
	[sflag:s3] =	ssyncset.done @!p2 $0x0  }
0x34: {  	s0 =	ssub.s32 s10, s0;
	[sflag:s3] =	ssyncadd.s32 @!p2 $0xFFFFE000;
	s3 =	smul.u32 @!p0 $0x6, s31  }
.Ltmp0:
0x35: {  	s0 =	sand.u32 $0xFF, s0;
	_ =	swait.ge [sflag:s22], $0x2000;
	(pc) =	sbr.rel @p1 .LBB2_2-.Ltmp0, $4  }
0x36: {  	s0 =	sshll.u32 s0, $0xD;
	[sflag:s22] =	ssyncset.done $0x0;
	s3 =	ssub.s32 @!p0 s30, s3  }
0x37: {  	s0 =	sadd.s32 $0x3800, s0;
	[sflag:s22] =	ssyncadd.s32 $0xFFFFE000;
	s3 =	sand.u32 @!p0 $0xFF, s3  }
0x38: {  	[spmem:s2] =	stream.indirect.scatter.add.f32 [tilespmem:s0], [sflag:$0x2], $0x10, s1, s13, $0xb8;
	[tilespmem:$0x1C000] =	vst v63  }
0x39: {  	s29 =	sadd.s32 $0x200, s29;
	s30 =	simm.s32 @!p0 $0x200;
	s31 =	sshll.u32 @!p0 s3, $0xD  }
0x3a: {  	s0 =	sadd.s32 @!p0 $0x3800, s31;
	p0 =	por p0, p0;
	s24 =	sadd.s32 $0x1, s24  }
0x3b: {  	[tilespmem:s0], [sflag:$0x1] =	stream.indirect.gather @!p0 [hbm4b:s8+s30], $0x10, s25, s30, $0xb8;
	[tilespmem:$0x1C000] =	vst v63  }
0x3c: {  	p0 =	sne.s32 s24, $0x7  }
.Ltmp1:
0x3d: {  	_ = 	snop;
	(pc) =	sbr.rel @p0 .LBB2_1-.Ltmp1, $4  }
0x3e: {  	_ = 	snop  }
0x3f: {  	_ =	swait.ge [sflag:s23], $0x2000  }
0x40: {  	[sflag:s23] =	ssyncset.done $0x0  }
0x41: {  	[sflag:s23] =	ssyncadd.s32 $0xFFFFE000  }
0x42: {  	s0 =	rddreg [dreg:$0x3]  }
0x43: {  	s1 =	rddreg [dreg:$0x4];
	s0 =	sshrl.u32 s0, $0x3  }
0x44: {  	[bflag:$0x0] =	sbarrier.arrive $0xFFFF;
	s30 =	simm.s32 $0x3;
	s0 =	sadd.s32 s1, s0  }
0x45: {  	[hbm:s0], [sflag:s5] =	dma.local [spmem:s6], $0x1900  }
0x46: {  	_ =	swait.ge [sflag:s30], $0x1900  }
0x47: {  	[sflag:s30] =	ssyncset.done $0x0  }
0x48: {  	[sflag:s30] =	ssyncadd.s32 $0xFFFFE700  }
0x49: {  	_ =	sfence.sel $0x180000  }
0x4a: {  	[bflag:$0x0] =	sbarrier.arrive $0xFFFF  }
0x4b: {  	_ =	strace $0x90000050  }
0x4c: {  	s31 =	stileid.u32;
	[bflag:$0x2] =	sbarrier.arrive $0xFFFF  }
0x4d: {  	p0 =	sne.s32 s31, $0x0;
	s0 =	rddreg [dreg:$0x2]  }
0x4e: {  	s0 =	sadd.s32 @!p0 $0x100000, s0  }
0x4f: {  	[sflag:s0] =	ssyncadd.tile.s32 @!p0 $0x1;
	_ =	shalt  }
.Lfunc_end2:
_tile_overlayer_lowered:
.L_overlay_start_2:
0x50: {  	(tag) =	ssettag $0x2  }
0x51: {  	s0 =	rddreg [dreg:$0x0];
	s2 =	stileid.u32  }
0x52: {  	s1 =	rddreg [dreg:$0x1];
	p0 =	sne.s32 s2, $0x0  }
0x53: {  	s3 =	rddreg [dreg:$0x2];
	[bflag:$0x3] =	sbarrier.arrive $0xFFFF;
	s2 =	simm.s32 @!p0 $0x1C03  }
0x54: {  	[timem:s3], [sflag:s2] =	dma.local @!p0 [hbm:s0], s1  }
0x55: {  	s0 =	simm.s32 @!p0 $0x3  }
0x56: {  	_ =	swait.ge @!p0 [sflag:s0], s1  }
0x57: {  	s1 =	ssub.s32 @!p0 $0x0, s1;
	[sflag:s0] =	ssyncset.done @!p0 $0x0  }
0x58: {  	[sflag:s0] =	ssyncadd.s32 @!p0 s1  }
0x59: {  	[bflag:$0x3] =	sbarrier.arrive $0xFFFF  }
0x5a: {  	_ =	shalt  }

// kernel: kernel.18.cloned.1.call-start
scs
__scs_entry_jumppad:
0x0: {  	(pc) =	sbr.rel $0x88, $3  }
0x1: {  	(tag) =	ssettag $0x0;
	lr =	simm.s32 $0x1  }
0x2: {  	[smem:$0x3F92] =	sst lr;
	_ =	strace $0xD0000000  }
0x3: {  	_ = 	snop  }
0x4: {  	_ = 	snop  }
0x5: {  	_ = 	snop  }
0x6: {  	_ = 	snop  }
0x7: {  	_ = 	snop  }
__scs_overlays_trampoline_lowered:
0x8: {  	[smem:$0x3FA1] =	sst s0  }
0x9: {  	[smem:$0x3FA2] =	sst s1  }
0xa: {  	[smem:$0x3FA3] =	sst s2  }
0xb: {  	[smem:$0x3FA4] =	sst s3  }
0xc: {  	[smem:$0x3FA5] =	sst s4  }
0xd: {  	[smem:$0x3FA6] =	sst s5  }
0xe: {  	[smem:$0x3FA7] =	sst s6  }
0xf: {  	[smem:$0x3FA8] =	sst s7  }
0x10: {  	[smem:$0x3FA9] =	sst s8  }
0x11: {  	[smem:$0x3FAA] =	sst s9;
	s0 =	simm.s32 @!p0 $0x0  }
0x12: {  	s1 =	sld [smem:$0x3F90];
	s0 =	simm.s32 @p0 $0x1  }
0x13: {  	[smem:$0x3FAB] =	sst s0;
	s0 =	simm.s32 @!p1 $0x0  }
0x14: {  	s2 =	sld [smem:$0x3F8F];
	s0 =	simm.s32 @p1 $0x1  }
0x15: {  	[smem:$0x3FAC] =	sst s0;
	s0 =	simm.s32 @!p2 $0x0  }
0x16: {  	s3 =	sld [smem:$0x3FDB];
	s0 =	simm.s32 @p2 $0x1  }
0x17: {  	s4 =	simm.s32 $0x1BF5;
	[smem:$0x3FAE] =	sst s0  }
0x18: {  	s0 =	sld [smem:$0x3F91];
	_ =	swait.ge [sflag:s4], $0x0  }
0x19: {  	s7 =	sld [smem:$0x3F92]  }
0x1a: {  	s8 =	sadd.s32 $0xFFFFE003, lr  }
0x1b: {  	s9 =	sadd.s32 $0xFFFFFEF7, lr;
	s5 =	simm.s32 $0xFFFFFFFF;
	p2 =	slt.u32 s8, $0xFFFFF086  }
0x1c: {  	p1 =	slt.u32 s9, $0xF7A;
	s5 =	simm.s32 @!p2 $0x0  }
0x1d: {  	s5 =	simm.s32 @p1 $0x1;
	p0 =	seq.s32 s7, s2  }
0x1e: {  	s7 =	smul.u32 @!p0 $0xF7A, s2;
	p2 =	seq.s32 @!p0 s5, $0x0  }
0x1f: {  	s9 =	smul.u32 $0xF7A, s1;
	s8 =	simm.s32 @!p0 $0x1BF5;
	p2 =	por !p2, p0  }
0x20: {  	[sflag:s8] =	ssyncset.s32 @!p0 $0xFFFFF086;
	s6 =	sadd.s32 @!p0 s3, s7;
	s7 =	simm.s32 @!p0 $0x108  }
0x21: {  	s3 =	sadd.s32 s3, s9;
	s6 =	sadd.s32 @!p0 $0x88, s6;
	s7 =	simm.s32 @p2 $0x1082  }
0x22: {  	[simem:s7], [sflag:s8] =	dma.local @!p0 [hbm:s6], $0xF7A  }
0x23: {  	s9 =	sor.u32 $0xD0000000, s2;
	s6 =	simm.s32 $0x108;
	_ =	swait.ge @!p0 [sflag:s8], $0x0  }
0x24: {  	s3 =	sadd.s32 $0x88, s3;
	s6 =	simm.s32 @!p1 $0x1082;
	[sflag:s4] =	ssyncset.s32 $0xFFFFF086  }
0x25: {  	[simem:s6], [sflag:s4] =	dma.local [hbm:s3], $0xF7A  }
0x26: {  	[smem:$0x3F92] =	sst s1;
	(tag) =	ssettag s2;
	_ =	strace s9  }
0x27: {  	s1 =	sld [smem:$0x3FA2]  }
0x28: {  	s2 =	sld [smem:$0x3FA3]  }
0x29: {  	s4 =	sld [smem:$0x3FA5]  }
0x2a: {  	p0 =	seq.s32 s5, $0x0;
	s5 =	sld [smem:$0x3FA6]  }
0x2b: {  	s6 =	sld [smem:$0x3FA7]  }
0x2c: {  	s7 =	sld [smem:$0x3FA8]  }
0x2d: {  	s3 =	simm.s32 $0x108;
	s8 =	sld [smem:$0x3FA9]  }
0x2e: {  	s3 =	simm.s32 @!p0 $0x1082;
	s9 =	sld [smem:$0x3FAA]  }
0x2f: {  	lr =	sadd.s32 s0, s3;
	s0 =	sld [smem:$0x3FA1]  }
0x30: {  	s3 =	sld [smem:$0x3FA4]  }
0x31: {  	[smem:$0x3FAD] =	sst s10  }
0x32: {  	s10 =	sld [smem:$0x3FAB];
	_ =	sdelay $0x3  }
0x33: {  	p0 =	seq.s32 s10, $0x1;
	s10 =	sld [smem:$0x3FAD];
	_ =	sdelay $0x3  }
0x34: {  	[smem:$0x3FAD] =	sst s10  }
0x35: {  	s10 =	sld [smem:$0x3FAC];
	_ =	sdelay $0x3  }
0x36: {  	p1 =	seq.s32 s10, $0x1;
	s10 =	sld [smem:$0x3FAD];
	_ =	sdelay $0x3  }
0x37: {  	[smem:$0x3FAD] =	sst s10  }
0x38: {  	s10 =	sld [smem:$0x3FAE]  }
0x39: {  	_ = 	snop;
	(pc) =	sbr.ind lr, $3  }
0x3a: {  	_ = 	snop  }
0x3b: {  	_ = 	snop  }
0x3c: {  	p2 =	seq.s32 s10, $0x1;
	s10 =	sld [smem:$0x3FAD]  }
0x3d: {  	_ =	shalt  }
0x3e: {  	_ =	shalt  }
0x3f: {  	_ =	shalt  }
0x40: {  	_ =	shalt  }
0x41: {  	_ =	shalt  }
0x42: {  	_ =	shalt  }
0x43: {  	_ =	shalt  }
0x44: {  	_ =	shalt  }
0x45: {  	_ =	shalt  }
0x46: {  	_ =	shalt  }
0x47: {  	_ =	shalt  }
0x48: {  	_ =	shalt  }
0x49: {  	_ =	shalt  }
0x4a: {  	_ =	shalt  }
0x4b: {  	_ =	shalt  }
0x4c: {  	_ =	shalt  }
0x4d: {  	_ =	shalt  }
0x4e: {  	_ =	shalt  }
0x4f: {  	_ =	shalt  }
0x50: {  	_ =	shalt  }
0x51: {  	_ =	shalt  }
0x52: {  	_ =	shalt  }
0x53: {  	_ =	shalt  }
0x54: {  	_ =	shalt  }
0x55: {  	_ =	shalt  }
0x56: {  	_ =	shalt  }
0x57: {  	_ =	shalt  }
0x58: {  	_ =	shalt  }
0x59: {  	_ =	shalt  }
0x5a: {  	_ =	shalt  }
0x5b: {  	_ =	shalt  }
0x5c: {  	_ =	shalt  }
0x5d: {  	_ =	shalt  }
0x5e: {  	_ =	shalt  }
0x5f: {  	_ =	shalt  }
0x60: {  	_ =	shalt  }
0x61: {  	_ =	shalt  }
0x62: {  	_ =	shalt  }
0x63: {  	_ =	shalt  }
0x64: {  	_ =	shalt  }
0x65: {  	_ =	shalt  }
0x66: {  	_ =	shalt  }
0x67: {  	_ =	shalt  }
0x68: {  	_ =	shalt  }
0x69: {  	_ =	shalt  }
0x6a: {  	_ =	shalt  }
0x6b: {  	_ =	shalt  }
0x6c: {  	_ =	shalt  }
0x6d: {  	_ =	shalt  }
0x6e: {  	_ =	shalt  }
0x6f: {  	_ =	shalt  }
0x70: {  	_ =	shalt  }
0x71: {  	_ =	shalt  }
0x72: {  	_ =	shalt  }
0x73: {  	_ =	shalt  }
0x74: {  	_ =	shalt  }
0x75: {  	_ =	shalt  }
0x76: {  	_ =	shalt  }
0x77: {  	_ =	shalt  }
0x78: {  	_ =	shalt  }
0x79: {  	_ =	shalt  }
0x7a: {  	_ =	shalt  }
0x7b: {  	_ =	shalt  }
0x7c: {  	_ =	shalt  }
0x7d: {  	_ =	shalt  }
0x7e: {  	_ =	shalt  }
0x7f: {  	_ =	shalt  }
0x80: {  	_ =	shalt  }
0x81: {  	_ =	shalt  }
0x82: {  	_ =	shalt  }
0x83: {  	_ =	shalt  }
0x84: {  	_ =	shalt  }
0x85: {  	_ =	shalt  }
0x86: {  	_ =	shalt  }
0x87: {  	_ =	shalt  }
.Lfunc_end0:
.L_simem_size_0:
called_computation.3_lowered:
.L_overlay_start_0:
0x88: {  	s0 =	sld [smem:$0x3FD9]  }
0x89: {  	s1 =	sld [smem:$0x3FFE];
	_ =	sdelay $0x3  }
0x8a: {  	s0 =	sadd.s32 s1, s0  }
0x8b: {  	[smem:$0x3FB9] =	sst s0  }
0x8c: {  	_ = 	snop  }
0x8d: {  	(tm) =	ssettm $0x1  }
0x8e: {  	s15 =	sld [smem:$0x3FFB];
	_ =	sdelay $0x3  }
0x8f: {  	_ =	strace s15  }
0x90: {  	s0 =	sld [smem:$0x3FFC];
	_ =	sdelay $0x3  }
0x91: {  	_ =	strace s0  }
0x92: {  	s0 =	sld [smem:$0x3FFD];
	_ =	sdelay $0x3  }
0x93: {  	_ =	strace s0  }
0x94: {  	_ =	strace $0x8FFFFFFF  }
0x95: {  	s16 =	sld [smem:$0x3FDB];
	_ =	sdelay $0x1  }
0x96: {  	s17 =	simm.s32 $_scs_section_size  }
0x97: {  	s2 =	simm.s32 $_size__tile_overlayer_lowered;
	s3 =	simm.s32 $_tile_overlayer_lowered  }
0x98: {  	s20 =	simm.s32 $0x1BFF;
	s19 =	sshll.u32 s3, $0x1;
	s0 =	sadd.s32 s17, s16  }
0x99: {  	s4 =	simm.s32 $0x0;
	s18 =	sshll.u32 s2, $0x1;
	s2 =	sadd.s32 s19, s0  }
0x9a: {  	[timem:s4], [sflag:s20] =	dma.local [hbm:s2], s18  }
0x9b: {  	_ =	swait.ge [sflag:s20], s18  }
0x9c: {  	s1 =	ssub.s32 $0x0, s18;
	[sflag:s20] =	ssyncset.done $0x0  }
0x9d: {  	[sflag:s20] =	ssyncadd.s32 s1;
	_ =	sdelay $0x1  }
0x9e: {  	s21 =	simm.s32 $0x1B8B  }
0x9f: {  	_ =	swait.ge [sflag:s21], $0x1  }
0xa0: {  	[sflag:s21] =	ssyncset.done $0x0  }
0xa1: {  	s23 =	simm.s32 $0x1B8E;
	s22 =	sld [smem:$0x3FFE];
	[sflag:s21] =	ssyncadd.s32 $0xFFFFFFFF  }
0xa2: {  	s24 =	simm.s32 $execute0_lowered;
	[smem:$0x3FD2] =	sst s23  }
0xa3: {  	s2 =	sshll.u32 s24, $0x1;
	_ =	strace $0x8000004C;
	[dreg:$0x1] =	wrdreg $0xFFFFFFFF  }
0xa4: {  	s25 =	simm.s32 $_size_execute0_lowered;
	s0 =	sadd.s32 s0, s2;
	[dreg:$0x0] =	wrdreg $0x0  }
0xa5: {  	s2 =	sshll.u32 s25, $0x1;
	[dreg:$0x2] =	wrdreg s0  }
0xa6: {  	[dreg:$0x3] =	wrdreg s2  }
0xa7: {  	[dreg:$0x4] =	wrdreg $0xC0  }
0xa8: {  	_ =	task [dreg:s4], $0x5FFFF  }
0xa9: {  	[dreg:$0x1] =	wrdreg $0xFFFFFFFF  }
0xaa: {  	[dreg:$0x0] =	wrdreg $0x60  }
0xab: {  	[dreg:$0x2] =	wrdreg s22  }
0xac: {  	[dreg:$0x3] =	wrdreg $0xF8000  }
0xad: {  	[dreg:$0x4] =	wrdreg $0xA  }
0xae: {  	_ =	task.clear_ibuf [dreg:s4], $0x5FFFF;
	_ =	strace $0x9000004C  }
0xaf: {  	s26 =	simm.s32 $0xA;
	_ =	strace $0x8000004E  }
0xb0: {  	_ =	swait.ge [sflag:s26], $0x1  }
0xb1: {  	[sflag:s26] =	ssyncadd.s32 $0xFFFFFFFF  }
0xb2: {  	_ =	strace $0x9000004E  }
0xb3: {  	_ =	sfence  }
0xb4: {  	s28 =	sld [smem:$0x0];
	_ =	sdelay $0x1  }
0xb5: {  	s29 =	srdreg.scid  }
0xb6: {  	s30 =	sshll.u32 s29, $0xD;
	s31 =	sshrl.u32 s29, $0x2  }
0xb7: {  	s1 =	sand.u32 $0x1, s29;
	s2 =	sand.u32 $0x4000, s30;
	s0 =	sadd.s32 s31, s28  }
0xb8: {  	s1 =	sor.u32 s2, s1;
	s0 =	sshll.u32 s0, $0x11  }
0xb9: {  	s0 =	sor.u32 s0, s1  }
0xba: {  	s0 =	sadd.s32 $0x8F2B, s0  }
0xbb: {  	[sflag:s0] =	ssyncadd.remote.s32 $0x1  }
0xbc: {  	_ =	sfence.sel $0xFFFF  }
0xbd: {  	[dreg:$0x0] =	wrdreg $0xFFFFFFFF;
	(pc) =	sbr.abs _section_cstart, $3  }
0xbe: {  	[dreg:$0x1] =	wrdreg $0xFFFFFFFF  }
0xbf: {  	_ =	task.clear_ibuf [dreg:s4], $0x2FFFF;
	_ =	strace $0x9FFFFFFF  }
0xc0: {  	(tm) =	ssettm $0x7FFFFFFF  }
0xc1: {  	_ =	shalt  }
tec
execute0_lowered:
.L_overlay_start_1:
0x0: {  	(tag) =	ssettag $0x1  }
0x1: {  	s10 =	rddreg [dreg:$0x0]  }
0x2: {  	s2 =	rddreg [dreg:$0x1];
	s0 =	stileid.u32  }
0x3: {  	s4 =	simm.s32 $0x0;
	s13 =	simm.s32 $0x200;
	s14 =	simm.s32 $0x3800  }
0x4: {  	s15 =	simm.s32 $0x5800;
	s16 =	simm.s32 $0x400;
	s17 =	simm.s32 $0x7800  }
0x5: {  	s18 =	simm.s32 $0x600;
	s19 =	simm.s32 $0x9800;
	s1 =	smul.u32 $0xC800, s0  }
0x6: {  	s20 =	simm.s32 $0x800;
	[smem:$0x7FF] =	sst s4;
	s5 =	sshll.u32 s0, $0x6  }
0x7: {  	s7 =	sadd.s32 $0x4EA00, s10;
	_ =	strace $0x8000004D;
	s6 =	sadd.s32 s1, s2  }
0x8: {  	s5 =	sor.u32 $0x1C03, s5;
	[dreg:$0x3] =	wrdreg s1;
	s6 =	sshrl.u32 s6, $0x3  }
0x9: {  	[spmem:s6], [sflag:s5] =	dma.local [hbm:s7], $0x1900  }
0xa: {  	s21 =	simm.s32 $0xB800;
	s22 =	simm.s32 $0x1;
	s7 =	simm.s32 $0x3  }
0xb: {  	s23 =	simm.s32 $0x2;
	s24 =	simm.s32 $0x0;
	_ =	swait.ge [sflag:s7], $0x1900  }
0xc: {  	s8 =	sadd.s32 $0x4A00, s10;
	s31 =	sadd.s32 $0x50400, s10;
	[sflag:s7] =	ssyncset.done $0x0  }
0xd: {  	s9 =	sadd.s32 $0x36200, s10;
	[dreg:$0x4] =	wrdreg s31;
	[sflag:s7] =	ssyncadd.s32 $0xFFFFE700  }
0xe: {  	s11 =	sadd.s32 $0x1DA00, s10;
	s12 =	smul.u32 $0xC400, s0;
	[bflag:$0x0] =	sbarrier.arrive $0xFFFF  }
.LBB2_1:
0xf: {  	s25 =	smul.u32 $0x1C00, s24;
	_ =	sdelay $0x1  }
0x10: {  	s25 =	sadd.s32 s12, s25  }
0x11: {  	s25 =	sshrl.u32 s25, $0x3  }
0x12: {  	s26 =	sadd.s32 s9, s25  }
0x13: {  	[tilespmem:s4], [sflag:$0x3] =	stream.linear.gather [hbm4b:s26+s4], $0x1C00, $0x38;
	[tilespmem:$0x1C000] =	vst v63  }
0x14: {  	_ =	swait.ge [sflag:s7], $0x1C00  }
0x15: {  	[sflag:s7] =	ssyncset.done $0x0  }
0x16: {  	s3 =	simm.s32 $0x1C00;
	s25 =	sadd.s32 s11, s25;
	[sflag:s7] =	ssyncadd.s32 $0xFFFFE400  }
0x17: {  	[tilespmem:s3], [sflag:$0x3] =	stream.linear.gather [hbm4b:s25+s4], $0x1C00, $0x38;
	[tilespmem:$0x1C000] =	vst v63  }
0x18: {  	_ =	swait.ge [sflag:s7], $0x1C00  }
0x19: {  	[sflag:s7] =	ssyncset.done $0x0  }
0x1a: {  	[sflag:s7] =	ssyncadd.s32 $0xFFFFE400  }
0x1b: {  	[tilespmem:s14], [sflag:$0x1] =	stream.indirect.gather [hbm4b:s8+s13], $0x10, s4, s13, $0xb8;
	[tilespmem:$0x1C000] =	vst v63  }
0x1c: {  	s10 =	smul.u32 $0xAB, s4;
	p0 =	por $0x0, $0x0  }
0x1d: {  	[tilespmem:s15], [sflag:$0x1] =	stream.indirect.gather [hbm4b:s8+s13], $0x10, s13, s13, $0xb8;
	[tilespmem:$0x1C000] =	vst v63  }
0x1e: {  	s28 =	simm.s32 @!p0 $0x5;
	s25 =	sshrl.u32 s10, $0xA  }
0x1f: {  	[tilespmem:s17], [sflag:$0x1] =	stream.indirect.gather [hbm4b:s8+s13], $0x10, s16, s13, $0xb8;
	[tilespmem:$0x1C000] =	vst v63  }
0x20: {  	p1 =	por $0x1, $0x1;
	s28 =	smul.u32 @!p0 $0xAB, s28;
	s25 =	sand.u32 $0x3F, s25  }
0x21: {  	[tilespmem:s19], [sflag:$0x1] =	stream.indirect.gather [hbm4b:s8+s13], $0x10, s18, s13, $0xb8;
	[tilespmem:$0x1C000] =	vst v63  }
0x22: {  	s29 =	simm.s32 @!p1 $0x2;
	s28 =	sshrl.u32 @!p0 s28, $0xA;
	s25 =	smul.u32 $0x6, s25  }
0x23: {  	[tilespmem:s21], [sflag:$0x1] =	stream.indirect.gather [hbm4b:s8+s13], $0x10, s20, s13, $0xb8;
	[tilespmem:$0x1C000] =	vst v63  }
0x24: {  	s28 =	sand.u32 @!p0 $0x3F, s28;
	_ =	swait.ge @!p1 [sflag:s29], $0x2000  }
0x25: {  	s28 =	smul.u32 @!p0 $0x6, s28;
	s25 =	ssub.s32 $0x0, s25;
	[sflag:s29] =	ssyncset.done @!p1 $0x0  }
0x26: {  	s26 =	simm.s32 $0x1;
	[sflag:s29] =	ssyncadd.s32 @!p1 $0xFFFFE000;
	s29 =	sand.u32 $0xFF, s25  }
0x27: {  	s30 =	ssub.s32 @!p0 $0x5, s28;
	_ =	swait.ge [sflag:s22], $0x2000;
	s29 =	sshll.u32 s29, $0xD  }
0x28: {  	s25 =	simm.s32 $0xA00;
	[sflag:s22] =	ssyncset.done $0x0;
	s28 =	sadd.s32 $0x3800, s29  }
0x29: {  	s29 =	sand.u32 @!p0 $0xFF, s30;
	s30 =	simm.s32 @!p0 $0x200;
	[sflag:s22] =	ssyncadd.s32 $0xFFFFE000  }
0x2a: {  	[spmem:s2] =	stream.indirect.scatter.add.f32 [tilespmem:s28], [sflag:$0x2], $0x10, s3, s13, $0xb8;
	[tilespmem:$0x1C000] =	vst v63  }
0x2b: {  	s31 =	sshll.u32 @!p0 s29, $0xD;
	s29 =	simm.s32 $0xC00;
	s28 =	simm.s32 $0x1E00  }
.LBB2_2:
0x2c: {  	s0 =	smul.u32 $0xAB, s26;
	s31 =	sadd.s32 @!p0 $0x3800, s31;
	s10 =	smov.u32 s26  }
0x2d: {  	s1 =	smov.u32 s28;
	p1 =	por p0, p0;
	p0 =	sgt.u32 s26, $0x8  }
0x2e: {  	[tilespmem:s31], [sflag:$0x1] =	stream.indirect.gather @!p1 [hbm4b:s8+s30], $0x10, s25, s30, $0xb8;
	[tilespmem:$0x1C000] =	vst v63  }
0x2f: {  	s26 =	sadd.s32 $0x1, s26;
	s30 =	sadd.s32 @!p0 $0x5, s10;
	s25 =	smov.u32 s29  }
0x30: {  	p2 =	seq.s32 s10, $0x0;
	s0 =	sshrl.u32 s0, $0xA;
	s31 =	smul.u32 @!p0 $0xAB, s30  }
0x31: {  	p1 =	sne.s32 s26, $0xE;
	s3 =	simm.s32 @!p2 $0x2;
	s0 =	sand.u32 $0x3F, s0  }
0x32: {  	s0 =	smul.u32 $0x6, s0;
	s31 =	sshrl.u32 @!p0 s31, $0xA;
	_ =	swait.ge @!p2 [sflag:s3], $0x2000  }
0x33: {  	s28 =	sadd.s32 $0x200, s28;
	s31 =	sand.u32 @!p0 $0x3F, s31;
	[sflag:s3] =	ssyncset.done @!p2 $0x0  }
0x34: {  	s0 =	ssub.s32 s10, s0;
	[sflag:s3] =	ssyncadd.s32 @!p2 $0xFFFFE000;
	s3 =	smul.u32 @!p0 $0x6, s31  }
.Ltmp0:
0x35: {  	s0 =	sand.u32 $0xFF, s0;
	_ =	swait.ge [sflag:s22], $0x2000;
	(pc) =	sbr.rel @p1 .LBB2_2-.Ltmp0, $4  }
0x36: {  	s0 =	sshll.u32 s0, $0xD;
	[sflag:s22] =	ssyncset.done $0x0;
	s3 =	ssub.s32 @!p0 s30, s3  }
0x37: {  	s0 =	sadd.s32 $0x3800, s0;
	[sflag:s22] =	ssyncadd.s32 $0xFFFFE000;
	s3 =	sand.u32 @!p0 $0xFF, s3  }
0x38: {  	[spmem:s2] =	stream.indirect.scatter.add.f32 [tilespmem:s0], [sflag:$0x2], $0x10, s1, s13, $0xb8;
	[tilespmem:$0x1C000] =	vst v63  }
0x39: {  	s29 =	sadd.s32 $0x200, s29;
	s30 =	simm.s32 @!p0 $0x200;
	s31 =	sshll.u32 @!p0 s3, $0xD  }
0x3a: {  	s0 =	sadd.s32 @!p0 $0x3800, s31;
	p0 =	por p0, p0;
	s24 =	sadd.s32 $0x1, s24  }
0x3b: {  	[tilespmem:s0], [sflag:$0x1] =	stream.indirect.gather @!p0 [hbm4b:s8+s30], $0x10, s25, s30, $0xb8;
	[tilespmem:$0x1C000] =	vst v63  }
0x3c: {  	p0 =	sne.s32 s24, $0x7  }
.Ltmp1:
0x3d: {  	_ = 	snop;
	(pc) =	sbr.rel @p0 .LBB2_1-.Ltmp1, $4  }
0x3e: {  	_ = 	snop  }
0x3f: {  	_ =	swait.ge [sflag:s23], $0x2000  }
0x40: {  	[sflag:s23] =	ssyncset.done $0x0  }
0x41: {  	[sflag:s23] =	ssyncadd.s32 $0xFFFFE000  }
0x42: {  	s0 =	rddreg [dreg:$0x3]  }
0x43: {  	s1 =	rddreg [dreg:$0x4];
	s0 =	sshrl.u32 s0, $0x3  }
0x44: {  	[bflag:$0x0] =	sbarrier.arrive $0xFFFF;
	s30 =	simm.s32 $0x3;
	s0 =	sadd.s32 s1, s0  }
0x45: {  	[hbm:s0], [sflag:s5] =	dma.local [spmem:s6], $0x1900  }
0x46: {  	_ =	swait.ge [sflag:s30], $0x1900  }
0x47: {  	[sflag:s30] =	ssyncset.done $0x0  }
0x48: {  	[sflag:s30] =	ssyncadd.s32 $0xFFFFE700  }
0x49: {  	_ =	sfence.sel $0x180000  }
0x4a: {  	[bflag:$0x0] =	sbarrier.arrive $0xFFFF  }
0x4b: {  	_ =	strace $0x9000004D  }
0x4c: {  	s31 =	stileid.u32;
	[bflag:$0x2] =	sbarrier.arrive $0xFFFF  }
0x4d: {  	p0 =	sne.s32 s31, $0x0;
	s0 =	rddreg [dreg:$0x2]  }
0x4e: {  	s0 =	sadd.s32 @!p0 $0x100000, s0  }
0x4f: {  	[sflag:s0] =	ssyncadd.tile.s32 @!p0 $0x1;
	_ =	shalt  }
.Lfunc_end2:
_tile_overlayer_lowered:
.L_overlay_start_2:
0x50: {  	(tag) =	ssettag $0x2  }
0x51: {  	s0 =	rddreg [dreg:$0x0];
	s2 =	stileid.u32  }
0x52: {  	s1 =	rddreg [dreg:$0x1];
	p0 =	sne.s32 s2, $0x0  }
0x53: {  	s3 =	rddreg [dreg:$0x2];
	[bflag:$0x3] =	sbarrier.arrive $0xFFFF;
	s2 =	simm.s32 @!p0 $0x1C03  }
0x54: {  	[timem:s3], [sflag:s2] =	dma.local @!p0 [hbm:s0], s1  }
0x55: {  	s0 =	simm.s32 @!p0 $0x3  }
0x56: {  	_ =	swait.ge @!p0 [sflag:s0], s1  }
0x57: {  	s1 =	ssub.s32 @!p0 $0x0, s1;
	[sflag:s0] =	ssyncset.done @!p0 $0x0  }
0x58: {  	[sflag:s0] =	ssyncadd.s32 @!p0 s1  }
0x59: {  	[bflag:$0x3] =	sbarrier.arrive $0xFFFF  }
0x5a: {  	_ =	shalt  }

// kernel: kernel.9.cloned.1.call-start
scs
__scs_entry_jumppad:
0x0: {  	(pc) =	sbr.rel $0x88, $3  }
0x1: {  	(tag) =	ssettag $0x0;
	lr =	simm.s32 $0x1  }
0x2: {  	[smem:$0x3F92] =	sst lr;
	_ =	strace $0xD0000000  }
0x3: {  	_ = 	snop  }
0x4: {  	_ = 	snop  }
0x5: {  	_ = 	snop  }
0x6: {  	_ = 	snop  }
0x7: {  	_ = 	snop  }
__scs_overlays_trampoline_lowered:
0x8: {  	[smem:$0x3FA1] =	sst s0  }
0x9: {  	[smem:$0x3FA2] =	sst s1  }
0xa: {  	[smem:$0x3FA3] =	sst s2  }
0xb: {  	[smem:$0x3FA4] =	sst s3  }
0xc: {  	[smem:$0x3FA5] =	sst s4  }
0xd: {  	[smem:$0x3FA6] =	sst s5  }
0xe: {  	[smem:$0x3FA7] =	sst s6  }
0xf: {  	[smem:$0x3FA8] =	sst s7  }
0x10: {  	[smem:$0x3FA9] =	sst s8  }
0x11: {  	[smem:$0x3FAA] =	sst s9;
	s0 =	simm.s32 @!p0 $0x0  }
0x12: {  	s1 =	sld [smem:$0x3F90];
	s0 =	simm.s32 @p0 $0x1  }
0x13: {  	[smem:$0x3FAB] =	sst s0;
	s0 =	simm.s32 @!p1 $0x0  }
0x14: {  	s2 =	sld [smem:$0x3F8F];
	s0 =	simm.s32 @p1 $0x1  }
0x15: {  	[smem:$0x3FAC] =	sst s0;
	s0 =	simm.s32 @!p2 $0x0  }
0x16: {  	s3 =	sld [smem:$0x3FDB];
	s0 =	simm.s32 @p2 $0x1  }
0x17: {  	s4 =	simm.s32 $0x1BF5;
	[smem:$0x3FAE] =	sst s0  }
0x18: {  	s0 =	sld [smem:$0x3F91];
	_ =	swait.ge [sflag:s4], $0x0  }
0x19: {  	s7 =	sld [smem:$0x3F92]  }
0x1a: {  	s8 =	sadd.s32 $0xFFFFE003, lr  }
0x1b: {  	s9 =	sadd.s32 $0xFFFFFEF7, lr;
	s5 =	simm.s32 $0xFFFFFFFF;
	p2 =	slt.u32 s8, $0xFFFFF086  }
0x1c: {  	p1 =	slt.u32 s9, $0xF7A;
	s5 =	simm.s32 @!p2 $0x0  }
0x1d: {  	s5 =	simm.s32 @p1 $0x1;
	p0 =	seq.s32 s7, s2  }
0x1e: {  	s7 =	smul.u32 @!p0 $0xF7A, s2;
	p2 =	seq.s32 @!p0 s5, $0x0  }
0x1f: {  	s9 =	smul.u32 $0xF7A, s1;
	s8 =	simm.s32 @!p0 $0x1BF5;
	p2 =	por !p2, p0  }
0x20: {  	[sflag:s8] =	ssyncset.s32 @!p0 $0xFFFFF086;
	s6 =	sadd.s32 @!p0 s3, s7;
	s7 =	simm.s32 @!p0 $0x108  }
0x21: {  	s3 =	sadd.s32 s3, s9;
	s6 =	sadd.s32 @!p0 $0x88, s6;
	s7 =	simm.s32 @p2 $0x1082  }
0x22: {  	[simem:s7], [sflag:s8] =	dma.local @!p0 [hbm:s6], $0xF7A  }
0x23: {  	s9 =	sor.u32 $0xD0000000, s2;
	s6 =	simm.s32 $0x108;
	_ =	swait.ge @!p0 [sflag:s8], $0x0  }
0x24: {  	s3 =	sadd.s32 $0x88, s3;
	s6 =	simm.s32 @!p1 $0x1082;
	[sflag:s4] =	ssyncset.s32 $0xFFFFF086  }
0x25: {  	[simem:s6], [sflag:s4] =	dma.local [hbm:s3], $0xF7A  }
0x26: {  	[smem:$0x3F92] =	sst s1;
	(tag) =	ssettag s2;
	_ =	strace s9  }
0x27: {  	s1 =	sld [smem:$0x3FA2]  }
0x28: {  	s2 =	sld [smem:$0x3FA3]  }
0x29: {  	s4 =	sld [smem:$0x3FA5]  }
0x2a: {  	p0 =	seq.s32 s5, $0x0;
	s5 =	sld [smem:$0x3FA6]  }
0x2b: {  	s6 =	sld [smem:$0x3FA7]  }
0x2c: {  	s7 =	sld [smem:$0x3FA8]  }
0x2d: {  	s3 =	simm.s32 $0x108;
	s8 =	sld [smem:$0x3FA9]  }
0x2e: {  	s3 =	simm.s32 @!p0 $0x1082;
	s9 =	sld [smem:$0x3FAA]  }
0x2f: {  	lr =	sadd.s32 s0, s3;
	s0 =	sld [smem:$0x3FA1]  }
0x30: {  	s3 =	sld [smem:$0x3FA4]  }
0x31: {  	[smem:$0x3FAD] =	sst s10  }
0x32: {  	s10 =	sld [smem:$0x3FAB];
	_ =	sdelay $0x3  }
0x33: {  	p0 =	seq.s32 s10, $0x1;
	s10 =	sld [smem:$0x3FAD];
	_ =	sdelay $0x3  }
0x34: {  	[smem:$0x3FAD] =	sst s10  }
0x35: {  	s10 =	sld [smem:$0x3FAC];
	_ =	sdelay $0x3  }
0x36: {  	p1 =	seq.s32 s10, $0x1;
	s10 =	sld [smem:$0x3FAD];
	_ =	sdelay $0x3  }
0x37: {  	[smem:$0x3FAD] =	sst s10  }
0x38: {  	s10 =	sld [smem:$0x3FAE]  }
0x39: {  	_ = 	snop;
	(pc) =	sbr.ind lr, $3  }
0x3a: {  	_ = 	snop  }
0x3b: {  	_ = 	snop  }
0x3c: {  	p2 =	seq.s32 s10, $0x1;
	s10 =	sld [smem:$0x3FAD]  }
0x3d: {  	_ =	shalt  }
0x3e: {  	_ =	shalt  }
0x3f: {  	_ =	shalt  }
0x40: {  	_ =	shalt  }
0x41: {  	_ =	shalt  }
0x42: {  	_ =	shalt  }
0x43: {  	_ =	shalt  }
0x44: {  	_ =	shalt  }
0x45: {  	_ =	shalt  }
0x46: {  	_ =	shalt  }
0x47: {  	_ =	shalt  }
0x48: {  	_ =	shalt  }
0x49: {  	_ =	shalt  }
0x4a: {  	_ =	shalt  }
0x4b: {  	_ =	shalt  }
0x4c: {  	_ =	shalt  }
0x4d: {  	_ =	shalt  }
0x4e: {  	_ =	shalt  }
0x4f: {  	_ =	shalt  }
0x50: {  	_ =	shalt  }
0x51: {  	_ =	shalt  }
0x52: {  	_ =	shalt  }
0x53: {  	_ =	shalt  }
0x54: {  	_ =	shalt  }
0x55: {  	_ =	shalt  }
0x56: {  	_ =	shalt  }
0x57: {  	_ =	shalt  }
0x58: {  	_ =	shalt  }
0x59: {  	_ =	shalt  }
0x5a: {  	_ =	shalt  }
0x5b: {  	_ =	shalt  }
0x5c: {  	_ =	shalt  }
0x5d: {  	_ =	shalt  }
0x5e: {  	_ =	shalt  }
0x5f: {  	_ =	shalt  }
0x60: {  	_ =	shalt  }
0x61: {  	_ =	shalt  }
0x62: {  	_ =	shalt  }
0x63: {  	_ =	shalt  }
0x64: {  	_ =	shalt  }
0x65: {  	_ =	shalt  }
0x66: {  	_ =	shalt  }
0x67: {  	_ =	shalt  }
0x68: {  	_ =	shalt  }
0x69: {  	_ =	shalt  }
0x6a: {  	_ =	shalt  }
0x6b: {  	_ =	shalt  }
0x6c: {  	_ =	shalt  }
0x6d: {  	_ =	shalt  }
0x6e: {  	_ =	shalt  }
0x6f: {  	_ =	shalt  }
0x70: {  	_ =	shalt  }
0x71: {  	_ =	shalt  }
0x72: {  	_ =	shalt  }
0x73: {  	_ =	shalt  }
0x74: {  	_ =	shalt  }
0x75: {  	_ =	shalt  }
0x76: {  	_ =	shalt  }
0x77: {  	_ =	shalt  }
0x78: {  	_ =	shalt  }
0x79: {  	_ =	shalt  }
0x7a: {  	_ =	shalt  }
0x7b: {  	_ =	shalt  }
0x7c: {  	_ =	shalt  }
0x7d: {  	_ =	shalt  }
0x7e: {  	_ =	shalt  }
0x7f: {  	_ =	shalt  }
0x80: {  	_ =	shalt  }
0x81: {  	_ =	shalt  }
0x82: {  	_ =	shalt  }
0x83: {  	_ =	shalt  }
0x84: {  	_ =	shalt  }
0x85: {  	_ =	shalt  }
0x86: {  	_ =	shalt  }
0x87: {  	_ =	shalt  }
.Lfunc_end0:
.L_simem_size_0:
called_computation_lowered:
.L_overlay_start_0:
0x88: {  	s0 =	sld [smem:$0x3FD9]  }
0x89: {  	s1 =	sld [smem:$0x3FFE];
	_ =	sdelay $0x3  }
0x8a: {  	s0 =	sadd.s32 s1, s0  }
0x8b: {  	[smem:$0x3FB9] =	sst s0  }
0x8c: {  	_ = 	snop  }
0x8d: {  	(tm) =	ssettm $0x1  }
0x8e: {  	s15 =	sld [smem:$0x3FFB];
	_ =	sdelay $0x3  }
0x8f: {  	_ =	strace s15  }
0x90: {  	s0 =	sld [smem:$0x3FFC];
	_ =	sdelay $0x3  }
0x91: {  	_ =	strace s0  }
0x92: {  	s0 =	sld [smem:$0x3FFD];
	_ =	sdelay $0x3  }
0x93: {  	_ =	strace s0  }
0x94: {  	_ =	strace $0x8FFFFFFF  }
0x95: {  	s16 =	sld [smem:$0x3FDB];
	_ =	sdelay $0x1  }
0x96: {  	s17 =	simm.s32 $_scs_section_size  }
0x97: {  	s2 =	simm.s32 $_size__tile_overlayer_lowered;
	s3 =	simm.s32 $_tile_overlayer_lowered  }
0x98: {  	s20 =	simm.s32 $0x1BFF;
	s19 =	sshll.u32 s3, $0x1;
	s0 =	sadd.s32 s17, s16  }
0x99: {  	s4 =	simm.s32 $0x0;
	s18 =	sshll.u32 s2, $0x1;
	s2 =	sadd.s32 s19, s0  }
0x9a: {  	[timem:s4], [sflag:s20] =	dma.local [hbm:s2], s18  }
0x9b: {  	_ =	swait.ge [sflag:s20], s18  }
0x9c: {  	s1 =	ssub.s32 $0x0, s18;
	[sflag:s20] =	ssyncset.done $0x0  }
0x9d: {  	[sflag:s20] =	ssyncadd.s32 s1;
	_ =	sdelay $0x1  }
0x9e: {  	s21 =	simm.s32 $0x1B8B  }
0x9f: {  	_ =	swait.ge [sflag:s21], $0x1  }
0xa0: {  	[sflag:s21] =	ssyncset.done $0x0  }
0xa1: {  	s23 =	simm.s32 $0x1B8E;
	s22 =	sld [smem:$0x3FFE];
	[sflag:s21] =	ssyncadd.s32 $0xFFFFFFFF  }
0xa2: {  	s24 =	simm.s32 $execute0_lowered;
	[smem:$0x3FD2] =	sst s23  }
0xa3: {  	s2 =	sshll.u32 s24, $0x1;
	_ =	strace $0x80000049;
	[dreg:$0x1] =	wrdreg $0xFFFFFFFF  }
0xa4: {  	s25 =	simm.s32 $_size_execute0_lowered;
	s0 =	sadd.s32 s0, s2;
	[dreg:$0x0] =	wrdreg $0x0  }
0xa5: {  	s2 =	sshll.u32 s25, $0x1;
	[dreg:$0x2] =	wrdreg s0  }
0xa6: {  	[dreg:$0x3] =	wrdreg s2  }
0xa7: {  	[dreg:$0x4] =	wrdreg $0xC0  }
0xa8: {  	_ =	task [dreg:s4], $0x5FFFF  }
0xa9: {  	[dreg:$0x1] =	wrdreg $0xFFFFFFFF  }
0xaa: {  	[dreg:$0x0] =	wrdreg $0x60  }
0xab: {  	[dreg:$0x2] =	wrdreg s22  }
0xac: {  	[dreg:$0x3] =	wrdreg $0xF8000  }
0xad: {  	[dreg:$0x4] =	wrdreg $0x9  }
0xae: {  	_ =	task.clear_ibuf [dreg:s4], $0x5FFFF;
	_ =	strace $0x90000049  }
0xaf: {  	s26 =	simm.s32 $0x9;
	_ =	strace $0x8000004B  }
0xb0: {  	_ =	swait.ge [sflag:s26], $0x1  }
0xb1: {  	[sflag:s26] =	ssyncadd.s32 $0xFFFFFFFF  }
0xb2: {  	_ =	strace $0x9000004B  }
0xb3: {  	_ =	sfence  }
0xb4: {  	s28 =	sld [smem:$0x0];
	_ =	sdelay $0x1  }
0xb5: {  	s29 =	srdreg.scid  }
0xb6: {  	s30 =	sshll.u32 s29, $0xD;
	s31 =	sshrl.u32 s29, $0x2  }
0xb7: {  	s1 =	sand.u32 $0x1, s29;
	s2 =	sand.u32 $0x4000, s30;
	s0 =	sadd.s32 s31, s28  }
0xb8: {  	s1 =	sor.u32 s2, s1;
	s0 =	sshll.u32 s0, $0x11  }
0xb9: {  	s0 =	sor.u32 s0, s1  }
0xba: {  	s0 =	sadd.s32 $0x8F2B, s0  }
0xbb: {  	[sflag:s0] =	ssyncadd.remote.s32 $0x1  }
0xbc: {  	_ =	sfence.sel $0xFFFF  }
0xbd: {  	[dreg:$0x0] =	wrdreg $0xFFFFFFFF;
	(pc) =	sbr.abs _section_cstart, $3  }
0xbe: {  	[dreg:$0x1] =	wrdreg $0xFFFFFFFF  }
0xbf: {  	_ =	task.clear_ibuf [dreg:s4], $0x2FFFF;
	_ =	strace $0x9FFFFFFF  }
0xc0: {  	(tm) =	ssettm $0x7FFFFFFF  }
0xc1: {  	_ =	shalt  }
tec
execute0_lowered:
.L_overlay_start_1:
0x0: {  	(tag) =	ssettag $0x1  }
0x1: {  	s10 =	rddreg [dreg:$0x0]  }
0x2: {  	s2 =	rddreg [dreg:$0x1];
	s0 =	stileid.u32  }
0x3: {  	s4 =	simm.s32 $0x0;
	s13 =	simm.s32 $0x200;
	s14 =	simm.s32 $0x3800  }
0x4: {  	s15 =	simm.s32 $0x5800;
	s16 =	simm.s32 $0x400;
	s17 =	simm.s32 $0x7800  }
0x5: {  	s18 =	simm.s32 $0x600;
	s19 =	simm.s32 $0x9800;
	s1 =	smul.u32 $0xC800, s0  }
0x6: {  	s20 =	simm.s32 $0x800;
	[smem:$0x7FF] =	sst s4;
	s5 =	sshll.u32 s0, $0x6  }
0x7: {  	s7 =	sadd.s32 $0x4EA00, s10;
	_ =	strace $0x8000004A;
	s6 =	sadd.s32 s1, s2  }
0x8: {  	s5 =	sor.u32 $0x1C03, s5;
	[dreg:$0x3] =	wrdreg s1;
	s6 =	sshrl.u32 s6, $0x3  }
0x9: {  	[spmem:s6], [sflag:s5] =	dma.local [hbm:s7], $0x1900  }
0xa: {  	s21 =	simm.s32 $0xB800;
	s22 =	simm.s32 $0x1;
	s7 =	simm.s32 $0x3  }
0xb: {  	s23 =	simm.s32 $0x2;
	s24 =	simm.s32 $0x0;
	_ =	swait.ge [sflag:s7], $0x1900  }
0xc: {  	s8 =	sadd.s32 $0x69400, s10;
	s31 =	sadd.s32 $0x82400, s10;
	[sflag:s7] =	ssyncset.done $0x0  }
0xd: {  	s9 =	sadd.s32 $0x36200, s10;
	[dreg:$0x4] =	wrdreg s31;
	[sflag:s7] =	ssyncadd.s32 $0xFFFFE700  }
0xe: {  	s11 =	sadd.s32 $0x1DA00, s10;
	s12 =	smul.u32 $0xC400, s0;
	[bflag:$0x0] =	sbarrier.arrive $0xFFFF  }
.LBB2_1:
0xf: {  	s25 =	smul.u32 $0x1C00, s24;
	_ =	sdelay $0x1  }
0x10: {  	s25 =	sadd.s32 s12, s25  }
0x11: {  	s25 =	sshrl.u32 s25, $0x3  }
0x12: {  	s26 =	sadd.s32 s9, s25  }
0x13: {  	[tilespmem:s4], [sflag:$0x3] =	stream.linear.gather [hbm4b:s26+s4], $0x1C00, $0x38;
	[tilespmem:$0x1C000] =	vst v63  }
0x14: {  	_ =	swait.ge [sflag:s7], $0x1C00  }
0x15: {  	[sflag:s7] =	ssyncset.done $0x0  }
0x16: {  	s3 =	simm.s32 $0x1C00;
	s25 =	sadd.s32 s11, s25;
	[sflag:s7] =	ssyncadd.s32 $0xFFFFE400  }
0x17: {  	[tilespmem:s3], [sflag:$0x3] =	stream.linear.gather [hbm4b:s25+s4], $0x1C00, $0x38;
	[tilespmem:$0x1C000] =	vst v63  }
0x18: {  	_ =	swait.ge [sflag:s7], $0x1C00  }
0x19: {  	[sflag:s7] =	ssyncset.done $0x0  }
0x1a: {  	[sflag:s7] =	ssyncadd.s32 $0xFFFFE400  }
0x1b: {  	[tilespmem:s14], [sflag:$0x1] =	stream.indirect.gather [hbm4b:s8+s13], $0x10, s4, s13, $0xb8;
	[tilespmem:$0x1C000] =	vst v63  }
0x1c: {  	s10 =	smul.u32 $0xAB, s4;
	p0 =	por $0x0, $0x0  }
0x1d: {  	[tilespmem:s15], [sflag:$0x1] =	stream.indirect.gather [hbm4b:s8+s13], $0x10, s13, s13, $0xb8;
	[tilespmem:$0x1C000] =	vst v63  }
0x1e: {  	s28 =	simm.s32 @!p0 $0x5;
	s25 =	sshrl.u32 s10, $0xA  }
0x1f: {  	[tilespmem:s17], [sflag:$0x1] =	stream.indirect.gather [hbm4b:s8+s13], $0x10, s16, s13, $0xb8;
	[tilespmem:$0x1C000] =	vst v63  }
0x20: {  	p1 =	por $0x1, $0x1;
	s28 =	smul.u32 @!p0 $0xAB, s28;
	s25 =	sand.u32 $0x3F, s25  }
0x21: {  	[tilespmem:s19], [sflag:$0x1] =	stream.indirect.gather [hbm4b:s8+s13], $0x10, s18, s13, $0xb8;
	[tilespmem:$0x1C000] =	vst v63  }
0x22: {  	s29 =	simm.s32 @!p1 $0x2;
	s28 =	sshrl.u32 @!p0 s28, $0xA;
	s25 =	smul.u32 $0x6, s25  }
0x23: {  	[tilespmem:s21], [sflag:$0x1] =	stream.indirect.gather [hbm4b:s8+s13], $0x10, s20, s13, $0xb8;
	[tilespmem:$0x1C000] =	vst v63  }
0x24: {  	s28 =	sand.u32 @!p0 $0x3F, s28;
	_ =	swait.ge @!p1 [sflag:s29], $0x2000  }
0x25: {  	s28 =	smul.u32 @!p0 $0x6, s28;
	s25 =	ssub.s32 $0x0, s25;
	[sflag:s29] =	ssyncset.done @!p1 $0x0  }
0x26: {  	s26 =	simm.s32 $0x1;
	[sflag:s29] =	ssyncadd.s32 @!p1 $0xFFFFE000;
	s29 =	sand.u32 $0xFF, s25  }
0x27: {  	s30 =	ssub.s32 @!p0 $0x5, s28;
	_ =	swait.ge [sflag:s22], $0x2000;
	s29 =	sshll.u32 s29, $0xD  }
0x28: {  	s25 =	simm.s32 $0xA00;
	[sflag:s22] =	ssyncset.done $0x0;
	s28 =	sadd.s32 $0x3800, s29  }
0x29: {  	s29 =	sand.u32 @!p0 $0xFF, s30;
	s30 =	simm.s32 @!p0 $0x200;
	[sflag:s22] =	ssyncadd.s32 $0xFFFFE000  }
0x2a: {  	[spmem:s2] =	stream.indirect.scatter.add.f32 [tilespmem:s28], [sflag:$0x2], $0x10, s3, s13, $0xb8;
	[tilespmem:$0x1C000] =	vst v63  }
0x2b: {  	s31 =	sshll.u32 @!p0 s29, $0xD;
	s29 =	simm.s32 $0xC00;
	s28 =	simm.s32 $0x1E00  }
.LBB2_2:
0x2c: {  	s0 =	smul.u32 $0xAB, s26;
	s31 =	sadd.s32 @!p0 $0x3800, s31;
	s10 =	smov.u32 s26  }
0x2d: {  	s1 =	smov.u32 s28;
	p1 =	por p0, p0;
	p0 =	sgt.u32 s26, $0x8  }
0x2e: {  	[tilespmem:s31], [sflag:$0x1] =	stream.indirect.gather @!p1 [hbm4b:s8+s30], $0x10, s25, s30, $0xb8;
	[tilespmem:$0x1C000] =	vst v63  }
0x2f: {  	s26 =	sadd.s32 $0x1, s26;
	s30 =	sadd.s32 @!p0 $0x5, s10;
	s25 =	smov.u32 s29  }
0x30: {  	p2 =	seq.s32 s10, $0x0;
	s0 =	sshrl.u32 s0, $0xA;
	s31 =	smul.u32 @!p0 $0xAB, s30  }
0x31: {  	p1 =	sne.s32 s26, $0xE;
	s3 =	simm.s32 @!p2 $0x2;
	s0 =	sand.u32 $0x3F, s0  }
0x32: {  	s0 =	smul.u32 $0x6, s0;
	s31 =	sshrl.u32 @!p0 s31, $0xA;
	_ =	swait.ge @!p2 [sflag:s3], $0x2000  }
0x33: {  	s28 =	sadd.s32 $0x200, s28;
	s31 =	sand.u32 @!p0 $0x3F, s31;
	[sflag:s3] =	ssyncset.done @!p2 $0x0  }
0x34: {  	s0 =	ssub.s32 s10, s0;
	[sflag:s3] =	ssyncadd.s32 @!p2 $0xFFFFE000;
	s3 =	smul.u32 @!p0 $0x6, s31  }
.Ltmp0:
0x35: {  	s0 =	sand.u32 $0xFF, s0;
	_ =	swait.ge [sflag:s22], $0x2000;
	(pc) =	sbr.rel @p1 .LBB2_2-.Ltmp0, $4  }
0x36: {  	s0 =	sshll.u32 s0, $0xD;
	[sflag:s22] =	ssyncset.done $0x0;
	s3 =	ssub.s32 @!p0 s30, s3  }
0x37: {  	s0 =	sadd.s32 $0x3800, s0;
	[sflag:s22] =	ssyncadd.s32 $0xFFFFE000;
	s3 =	sand.u32 @!p0 $0xFF, s3  }
0x38: {  	[spmem:s2] =	stream.indirect.scatter.add.f32 [tilespmem:s0], [sflag:$0x2], $0x10, s1, s13, $0xb8;
	[tilespmem:$0x1C000] =	vst v63  }
0x39: {  	s29 =	sadd.s32 $0x200, s29;
	s30 =	simm.s32 @!p0 $0x200;
	s31 =	sshll.u32 @!p0 s3, $0xD  }
0x3a: {  	s0 =	sadd.s32 @!p0 $0x3800, s31;
	p0 =	por p0, p0;
	s24 =	sadd.s32 $0x1, s24  }
0x3b: {  	[tilespmem:s0], [sflag:$0x1] =	stream.indirect.gather @!p0 [hbm4b:s8+s30], $0x10, s25, s30, $0xb8;
	[tilespmem:$0x1C000] =	vst v63  }
0x3c: {  	p0 =	sne.s32 s24, $0x7  }
.Ltmp1:
0x3d: {  	_ = 	snop;
	(pc) =	sbr.rel @p0 .LBB2_1-.Ltmp1, $4  }
0x3e: {  	_ = 	snop  }
0x3f: {  	_ =	swait.ge [sflag:s23], $0x2000  }
0x40: {  	[sflag:s23] =	ssyncset.done $0x0  }
0x41: {  	[sflag:s23] =	ssyncadd.s32 $0xFFFFE000  }
0x42: {  	s0 =	rddreg [dreg:$0x3]  }
0x43: {  	s1 =	rddreg [dreg:$0x4];
	s0 =	sshrl.u32 s0, $0x3  }
0x44: {  	[bflag:$0x0] =	sbarrier.arrive $0xFFFF;
	s30 =	simm.s32 $0x3;
	s0 =	sadd.s32 s1, s0  }
0x45: {  	[hbm:s0], [sflag:s5] =	dma.local [spmem:s6], $0x1900  }
0x46: {  	_ =	swait.ge [sflag:s30], $0x1900  }
0x47: {  	[sflag:s30] =	ssyncset.done $0x0  }
0x48: {  	[sflag:s30] =	ssyncadd.s32 $0xFFFFE700  }
0x49: {  	_ =	sfence.sel $0x180000  }
0x4a: {  	[bflag:$0x0] =	sbarrier.arrive $0xFFFF  }
0x4b: {  	_ =	strace $0x9000004A  }
0x4c: {  	s31 =	stileid.u32;
	[bflag:$0x2] =	sbarrier.arrive $0xFFFF  }
0x4d: {  	p0 =	sne.s32 s31, $0x0;
	s0 =	rddreg [dreg:$0x2]  }
0x4e: {  	s0 =	sadd.s32 @!p0 $0x100000, s0  }
0x4f: {  	[sflag:s0] =	ssyncadd.tile.s32 @!p0 $0x1;
	_ =	shalt  }
.Lfunc_end2:
_tile_overlayer_lowered:
.L_overlay_start_2:
0x50: {  	(tag) =	ssettag $0x2  }
0x51: {  	s0 =	rddreg [dreg:$0x0];
	s2 =	stileid.u32  }
0x52: {  	s1 =	rddreg [dreg:$0x1];
	p0 =	sne.s32 s2, $0x0  }
0x53: {  	s3 =	rddreg [dreg:$0x2];
	[bflag:$0x3] =	sbarrier.arrive $0xFFFF;
	s2 =	simm.s32 @!p0 $0x1C03  }
0x54: {  	[timem:s3], [sflag:s2] =	dma.local @!p0 [hbm:s0], s1  }
0x55: {  	s0 =	simm.s32 @!p0 $0x3  }
0x56: {  	_ =	swait.ge @!p0 [sflag:s0], s1  }
0x57: {  	s1 =	ssub.s32 @!p0 $0x0, s1;
	[sflag:s0] =	ssyncset.done @!p0 $0x0  }
0x58: {  	[sflag:s0] =	ssyncadd.s32 @!p0 s1  }
0x59: {  	[bflag:$0x3] =	sbarrier.arrive $0xFFFF  }
0x5a: {  	_ =	shalt  }

</sc_bundles>
